<compile_context>
chip_gen: v7x
topology: tpu7x:2x2x1
jax: 0.10.2.dev20260603
libtpu: 0.0.44.dev20260713+nightly
codegen_flags: <defaults>
</compile_context>

<pallas_src>
import functools

import jax
import jax.numpy as jnp
from jax import lax
from jax.experimental import pallas as pl
from jax.experimental.pallas import tpu as pltpu, tpu_sc as plsc

N = 10000
NPAD = 10240
E = 320000
D = 128
DH = 64
DE = 16

NC = 2
NS = 16
EDGES_PER_TILE = E // NS
SUB = 80
NSUB = EDGES_PER_TILE // SUB
U = 10
NBODY = NSUB // U
ROWS_PER_SUB = NPAD // NS

_MESH = plsc.VectorSubcoreMesh(core_axis_name="c", subcore_axis_name="s",
                               num_cores=NC, num_subcores=NS)
_SC_PARAMS = pltpu.CompilerParams(use_tc_tiling_on_sc=False)


UH = U // 2


def _sc_node_path(src4d, dst4d, nf2, z64, z16, ones16):

  @functools.partial(
      pl.kernel,
      out_type=[
          jax.ShapeDtypeStruct((NC, NPAD, DH), jnp.float32),
          jax.ShapeDtypeStruct((NC, NPAD, DE), jnp.float32),
      ],
      mesh=_MESH,
      compiler_params=_SC_PARAMS,
      scratch_types=[
          pltpu.VMEM((NSUB, SUB), jnp.int32),
          pltpu.VMEM((U, SUB), jnp.int32),
          pltpu.VMEM((U, SUB, DH), jnp.float32),
          pltpu.VMEM((SUB, DE), jnp.float32),
          pltpu.VMEM_SHARED((NPAD, DH), jnp.float32),
          pltpu.VMEM_SHARED((NPAD, DE), jnp.float32),
          pltpu.SemaphoreType.DMA,
          pltpu.SemaphoreType.DMA,
          pltpu.SemaphoreType.DMA,
          pltpu.SemaphoreType.DMA,
          pltpu.SemaphoreType.DMA,
          pltpu.SemaphoreType.DMA,
      ],
  )
  def k(src_hbm, dst_hbm, nf2_hbm, z64_hbm, z16_hbm, ones_hbm,
        xs_out, deg_out,
        src_v, dst_v, rows_v, ones_v, xs_sh, deg_sh,
        isem, gsemA, gsemB, ssemA, ssemB, asem):
    c = lax.axis_index("c")
    s = lax.axis_index("s")

    r0 = s * ROWS_PER_SUB
    pltpu.sync_copy(z64_hbm, xs_sh.at[pl.ds(r0, ROWS_PER_SUB)])
    pltpu.sync_copy(z16_hbm, deg_sh.at[pl.ds(r0, ROWS_PER_SUB)])
    pltpu.sync_copy(ones_hbm, ones_v)
    pltpu.sync_copy(src_hbm.at[s], src_v)

    def mk_idx(j, carry):
      for kk in range(SUB // 16):
        sl = pl.ds(kk * 16, 16)
        src_v[j, sl] = src_v[j, sl] * 2 + c
      return carry

    lax.fori_loop(0, NSUB, mk_idx, 0)
    plsc.subcore_barrier()

    def body(i, carry):
      dld = pltpu.async_copy(dst_hbm.at[s, i], dst_v, isem)
      gA = [pltpu.async_copy(nf2_hbm.at[src_v.at[i * U + u]],
                             rows_v.at[u], gsemA)
            for u in range(UH)]
      gB = [pltpu.async_copy(nf2_hbm.at[src_v.at[i * U + u]],
                             rows_v.at[u], gsemB)
            for u in range(UH, U)]
      dld.wait()
      for d in gA:
        d.wait()

      sA = [pltpu.async_copy(rows_v.at[u], xs_sh.at[dst_v.at[u]],
                             ssemA, add=True)
            for u in range(UH)]

      @pl.when(c == 0)
      def _():
        dds = [pltpu.async_copy(ones_v, deg_sh.at[dst_v.at[u]],
                                asem, add=True)
               for u in range(UH)]
        for d in dds:
          d.wait()

      @pl.when(c == 1)
      def _():
        dds = [pltpu.async_copy(ones_v, deg_sh.at[dst_v.at[u]],
                                asem, add=True)
               for u in range(UH, U)]
        for d in dds:
          d.wait()

      for d in gB:
        d.wait()
      sB = [pltpu.async_copy(rows_v.at[u], xs_sh.at[dst_v.at[u]],
                             ssemB, add=True)
            for u in range(UH, U)]
      for d in sA:
        d.wait()
      for d in sB:
        d.wait()
      return carry

    lax.fori_loop(0, NBODY, body, 0)
    plsc.subcore_barrier()
    pltpu.sync_copy(xs_sh.at[pl.ds(r0, ROWS_PER_SUB)],
                    xs_out.at[c, pl.ds(r0, ROWS_PER_SUB)])
    pltpu.sync_copy(deg_sh.at[pl.ds(r0, ROWS_PER_SUB)],
                    deg_out.at[c, pl.ds(r0, ROWS_PER_SUB)])

  return k(src4d, dst4d, nf2, z64, z16, ones16)


def _sc_edge_path(dst4d, ef, z16):

  @functools.partial(
      pl.kernel,
      out_type=jax.ShapeDtypeStruct((NC, NPAD, DE), jnp.float32),
      mesh=_MESH,
      compiler_params=_SC_PARAMS,
      scratch_types=[
          pltpu.VMEM((U, SUB), jnp.int32),
          pltpu.VMEM((U, SUB, DE), jnp.float32),
          pltpu.VMEM_SHARED((NPAD, DE), jnp.float32),
          pltpu.SemaphoreType.DMA,
          pltpu.SemaphoreType.DMA,
          pltpu.SemaphoreType.DMA,
      ],
  )
  def k(dst_hbm, ef_hbm, z16_hbm, es_out,
        dst_v, ef_v, es_sh, isem, esem, asem):
    c = lax.axis_index("c")
    s = lax.axis_index("s")

    r0 = s * ROWS_PER_SUB
    pltpu.sync_copy(z16_hbm, es_sh.at[pl.ds(r0, ROWS_PER_SUB)])
    plsc.subcore_barrier()

    def body(i, carry):
      ib = 2 * i + c

      @pl.when(ib < NBODY)
      def _():
        ld = pltpu.async_copy(dst_hbm.at[s, ib], dst_v, isem)
        eds = [pltpu.async_copy(
                   ef_hbm.at[pl.ds((s * NSUB + ib * U + u) * SUB, SUB)],
                   ef_v.at[u], esem)
               for u in range(U)]
        ld.wait()
        for d in eds:
          d.wait()
        ads = [pltpu.async_copy(ef_v.at[u], es_sh.at[dst_v.at[u]],
                                asem, add=True)
               for u in range(U)]
        for d in ads:
          d.wait()

      return carry

    lax.fori_loop(0, (NBODY + 1) // 2, body, 0)
    plsc.subcore_barrier()
    pltpu.sync_copy(es_sh.at[pl.ds(r0, ROWS_PER_SUB)],
                    es_out.at[c, pl.ds(r0, ROWS_PER_SUB)])

  return k(dst4d, ef, z16)


_R = 2000


def _tc_xs_body(xs_ref, Wn_ref, Wm_ref, tmp_ref):
  f32 = jnp.float32
  hi = lax.Precision.HIGHEST
  Wq = lax.dot_general(Wm_ref[...], Wn_ref[...], (((1,), (0,)), ((), ())),
                       precision=hi, preferred_element_type=f32)
  num = lax.dot_general(xs_ref[0], Wq[:, :DH], (((1,), (1,)), ((), ())),
                        precision=hi, preferred_element_type=f32)
  num += lax.dot_general(xs_ref[1], Wq[:, DH:], (((1,), (1,)), ((), ())),
                         precision=hi, preferred_element_type=f32)
  tmp_ref[...] = num


def _tc_fin_body(tmp_ref, es_ref, deg_ref, We_ref, Wm_ref,
                 bn_ref, be_ref, bm_ref, out_ref):
  f32 = jnp.float32
  hi = lax.Precision.HIGHEST
  Wm = Wm_ref[...]
  Wr = lax.dot_general(Wm, We_ref[...], (((1,), (0,)), ((), ())),
                       precision=hi, preferred_element_type=f32)
  bsum = (bn_ref[...] + be_ref[...])[None, :]
  cvec = lax.dot_general(bsum, Wm, (((1,), (1,)), ((), ())),
                         precision=hi, preferred_element_type=f32)
  cvec = cvec + bm_ref[...][None, :]

  es = es_ref[0] + es_ref[1]
  deg = jnp.max(deg_ref[0] + deg_ref[1], axis=1, keepdims=True)

  num = tmp_ref[...]
  num += lax.dot_general(es, Wr, (((1,), (1,)), ((), ())),
                         precision=hi, preferred_element_type=f32)
  num += deg * cvec
  out_ref[...] = num / jnp.maximum(deg, 1.0)


def kernel(node_features, edge_features, edge_index, Wn, bn, We, be, Wm, bm):
  src3d = edge_index[0].reshape(NS, NSUB, SUB)
  dst4d = edge_index[1].reshape(NS, NBODY, U, SUB)
  nf2 = node_features.reshape(2 * N, DH)
  z64 = jnp.zeros((ROWS_PER_SUB, DH), jnp.float32)
  z16 = jnp.zeros((ROWS_PER_SUB, DE), jnp.float32)
  ones16 = jnp.ones((SUB, DE), jnp.float32)

  xs_p, deg_p = _sc_node_path(src3d, dst4d, nf2, z64, z16, ones16)
  es_p = _sc_edge_path(dst4d, edge_features, z16)

  tmp = pl.pallas_call(
      _tc_xs_body,
      grid=(N // _R,),
      in_specs=[
          pl.BlockSpec((NC, _R, DH), lambda i: (0, i, 0)),
          pl.BlockSpec((D, D), lambda i: (0, 0)),
          pl.BlockSpec((D, D), lambda i: (0, 0)),
      ],
      out_specs=pl.BlockSpec((_R, D), lambda i: (i, 0)),
      out_shape=jax.ShapeDtypeStruct((N, D), jnp.float32),
  )(xs_p, Wn, Wm)

  out = pl.pallas_call(
      _tc_fin_body,
      grid=(N // _R,),
      in_specs=[
          pl.BlockSpec((_R, D), lambda i: (i, 0)),
          pl.BlockSpec((NC, _R, DE), lambda i: (0, i, 0)),
          pl.BlockSpec((NC, _R, DE), lambda i: (0, i, 0)),
          pl.BlockSpec((D, DE), lambda i: (0, 0)),
          pl.BlockSpec((D, D), lambda i: (0, 0)),
          pl.BlockSpec((D,), lambda i: (0,)),
          pl.BlockSpec((D,), lambda i: (0,)),
          pl.BlockSpec((D,), lambda i: (0,)),
      ],
      out_specs=pl.BlockSpec((_R, D), lambda i: (i, 0)),
      out_shape=jax.ShapeDtypeStruct((N, D), jnp.float32),
  )(tmp, es_p, deg_p, We, Wm, bn, be, bm)
  return out

# --- scband reference (transcript-rebuilt; emitter-appended) ---
"""Pipeline reference for scband-edge-gnnlayer-34230889349207 (READ-ONLY COPY).

The authoritative reference and input builder live on the scoring server;
editing this copy changes nothing except your own understanding.
"""

import jax, jax.numpy as jnp
import numpy as np

N = 10000
E = 320000
D_IN = 128
D_EDGE = 16
D_OUT = 128


def setup_inputs(seed: int = 0) -> dict:
    key = jax.random.key(seed)
    ks = jax.random.split(key, 9)
    node_features = jax.random.normal(ks[0], (N, D_IN), dtype=jnp.float32)
    edge_features = jax.random.normal(ks[1], (E, D_EDGE), dtype=jnp.float32)
    edge_index = jax.random.randint(ks[2], (2, E), 0, N, dtype=jnp.int32)
    # learned params (torch Linear stores weight as [out, in])
    Wn = jax.random.normal(ks[3], (D_OUT, D_IN), dtype=jnp.float32) * (1.0 / np.sqrt(D_IN))
    bn = jnp.zeros((D_OUT,), dtype=jnp.float32)
    We = jax.random.normal(ks[4], (D_OUT, D_EDGE), dtype=jnp.float32) * (1.0 / np.sqrt(D_EDGE))
    be = jnp.zeros((D_OUT,), dtype=jnp.float32)
    Wm = jax.random.normal(ks[5], (D_OUT, D_OUT), dtype=jnp.float32) * (1.0 / np.sqrt(D_OUT))
    bm = jnp.zeros((D_OUT,), dtype=jnp.float32)
    return {
        "node_features": node_features,
        "edge_features": edge_features,
        "edge_index": edge_index,
        "Wn": Wn, "bn": bn,
        "We": We, "be": be,
        "Wm": Wm, "bm": bm,
    }


def reference(node_features, edge_features, edge_index, Wn, bn, We, be, Wm, bm):
    # node_fc
    h = node_features @ Wn.T + bn                      # [N, D_OUT]
    # edge_fc
    e = edge_features @ We.T + be                      # [E, D_OUT]
    src = edge_index[0]
    dst = edge_index[1]
    # apply_edges: u_add_e -> msg = h[src] + e  (gather)
    msg = jnp.take(h, src, axis=0) + e                 # [E, D_OUT]
    # msg_fc on edges
    msg = msg @ Wm.T + bm                              # [E, D_OUT]
    # update_all: copy_e + mean over dst (scatter-add + degree normalize)
    summed = jax.ops.segment_sum(msg, dst, num_segments=N)
    deg = jax.ops.segment_sum(jnp.ones((E,), dtype=msg.dtype), dst, num_segments=N)
    out = summed / jnp.maximum(deg, 1.0)[:, None]      # isolated nodes -> 0, matching DGL mean
    return out

if __name__ == "__main__":
    import jax
    _d = setup_inputs()
    print(jax.jit(kernel)(*tuple(_d.values())))

</pallas_src>

<mosaic_0001>
#map = affine_map<(d0, d1) -> (0, 0, 0)>
#map1 = affine_map<(d0, d1) -> (0, 0, 0, 0)>
#map2 = affine_map<(d0, d1) -> (0, 0)>
module attributes {stable_mosaic.version = 14 : i64} {
  func.func @k(%arg0: i32, %arg1: i32, %arg2: memref<16x250x80xi32, #tpu.memory_space<hbm>>, %arg3: memref<16x25x10x80xi32, #tpu.memory_space<hbm>>, %arg4: memref<20000x64xf32, #tpu.memory_space<hbm>>, %arg5: memref<640x64xf32, #tpu.memory_space<hbm>>, %arg6: memref<640x16xf32, #tpu.memory_space<hbm>>, %arg7: memref<80x16xf32, #tpu.memory_space<hbm>>, %arg8: memref<2x10240x64xf32, #tpu.memory_space<hbm>>, %arg9: memref<2x10240x16xf32, #tpu.memory_space<hbm>>, %arg10: memref<250x80xi32, #tpu.memory_space<vmem>>, %arg11: memref<10x80xi32, #tpu.memory_space<vmem>>, %arg12: memref<10x80x64xf32, #tpu.memory_space<vmem>>, %arg13: memref<80x16xf32, #tpu.memory_space<vmem>>, %arg14: memref<10240x64xf32, #tpu.memory_space<vmem_shared>>, %arg15: memref<10240x16xf32, #tpu.memory_space<vmem_shared>>, %arg16: memref<!tpu.dma_semaphore, #tpu.memory_space<semaphore_mem>>, %arg17: memref<!tpu.dma_semaphore, #tpu.memory_space<semaphore_mem>>, %arg18: memref<!tpu.dma_semaphore, #tpu.memory_space<semaphore_mem>>, %arg19: memref<!tpu.dma_semaphore, #tpu.memory_space<semaphore_mem>>, %arg20: memref<!tpu.dma_semaphore, #tpu.memory_space<semaphore_mem>>, %arg21: memref<!tpu.dma_semaphore, #tpu.memory_space<semaphore_mem>>) attributes {dimension_semantics = [#tpu.dimension_semantics<core_parallel>, #tpu.dimension_semantics<subcore_parallel>], iteration_bounds = array<i64: 2, 16>, scalar_prefetch = 0 : i64, scratch_operands = 12 : i64, tpu.core_type = #tpu.core_type<sc_vector_subcore>, window_params = [{transform_indices = #map}, {transform_indices = #map1}, {transform_indices = #map2}, {transform_indices = #map2}, {transform_indices = #map2}, {transform_indices = #map2}, {transform_indices = #map}, {transform_indices = #map}]} {
    %mul3A = arith.constant 640 : i32
    %mul3A_0 = arith.muli %arg1, %mul3A : i32
    "tpu.region"() ({
      %run_scoped3A = tpu.sem_alloc : memref<!tpu.dma_semaphore, #tpu.memory_space<semaphore_mem>>
      %dma_start3A = arith.constant 0 : i32
      %dma_start3A_13 = tpu.memref_slice %arg14[%mul3A_0, %dma_start3A] : memref<10240x64xf32, #tpu.memory_space<vmem_shared>> -> memref<640x64xf32, #tpu.memory_space<vmem_shared>>
      tpu.enqueue_dma source(%arg5 : memref<640x64xf32, #tpu.memory_space<hbm>>) target(%dma_start3A_13 : memref<640x64xf32, #tpu.memory_space<vmem_shared>>) target_semaphore(%run_scoped3A : memref<!tpu.dma_semaphore, #tpu.memory_space<semaphore_mem>>)
      %dma_wait3A = arith.constant 0 : i32
      %dma_wait3A_14 = tpu.memref_slice %arg14[%mul3A_0, %dma_wait3A] : memref<10240x64xf32, #tpu.memory_space<vmem_shared>> -> memref<640x64xf32, #tpu.memory_space<vmem_shared>>
      tpu.wait_dma2 semaphore(%run_scoped3A : memref<!tpu.dma_semaphore, #tpu.memory_space<semaphore_mem>>) src(%arg5 : memref<640x64xf32, #tpu.memory_space<hbm>>) dst(%dma_wait3A_14 : memref<640x64xf32, #tpu.memory_space<vmem_shared>>)
      tpu.yield
    }) : () -> ()
    "tpu.region"() ({
      %run_scoped3A = tpu.sem_alloc : memref<!tpu.dma_semaphore, #tpu.memory_space<semaphore_mem>>
      %dma_start3A = arith.constant 0 : i32
      %dma_start3A_13 = tpu.memref_slice %arg15[%mul3A_0, %dma_start3A] : memref<10240x16xf32, #tpu.memory_space<vmem_shared>> -> memref<640x16xf32, #tpu.memory_space<vmem_shared>>
      tpu.enqueue_dma source(%arg6 : memref<640x16xf32, #tpu.memory_space<hbm>>) target(%dma_start3A_13 : memref<640x16xf32, #tpu.memory_space<vmem_shared>>) target_semaphore(%run_scoped3A : memref<!tpu.dma_semaphore, #tpu.memory_space<semaphore_mem>>)
      %dma_wait3A = arith.constant 0 : i32
      %dma_wait3A_14 = tpu.memref_slice %arg15[%mul3A_0, %dma_wait3A] : memref<10240x16xf32, #tpu.memory_space<vmem_shared>> -> memref<640x16xf32, #tpu.memory_space<vmem_shared>>
      tpu.wait_dma2 semaphore(%run_scoped3A : memref<!tpu.dma_semaphore, #tpu.memory_space<semaphore_mem>>) src(%arg6 : memref<640x16xf32, #tpu.memory_space<hbm>>) dst(%dma_wait3A_14 : memref<640x16xf32, #tpu.memory_space<vmem_shared>>)
      tpu.yield
    }) : () -> ()
    "tpu.region"() ({
      %run_scoped3A = tpu.sem_alloc : memref<!tpu.dma_semaphore, #tpu.memory_space<semaphore_mem>>
      tpu.enqueue_dma source(%arg7 : memref<80x16xf32, #tpu.memory_space<hbm>>) target(%arg13 : memref<80x16xf32, #tpu.memory_space<vmem>>) target_semaphore(%run_scoped3A : memref<!tpu.dma_semaphore, #tpu.memory_space<semaphore_mem>>)
      tpu.wait_dma2 semaphore(%run_scoped3A : memref<!tpu.dma_semaphore, #tpu.memory_space<semaphore_mem>>) src(%arg7 : memref<80x16xf32, #tpu.memory_space<hbm>>) dst(%arg13 : memref<80x16xf32, #tpu.memory_space<vmem>>)
      tpu.yield
    }) : () -> ()
    "tpu.region"() ({
      %run_scoped3A = tpu.sem_alloc : memref<!tpu.dma_semaphore, #tpu.memory_space<semaphore_mem>>
      %dma_start3A = arith.constant 0 : i32
      %dma_start3A_13 = arith.constant 0 : i32
      %dma_start3A_14 = tpu.memref_slice %arg2[%arg1, %dma_start3A, %dma_start3A_13] : memref<16x250x80xi32, #tpu.memory_space<hbm>> -> memref<1x250x80xi32, #tpu.memory_space<hbm>>
      %dma_start3A_15 = tpu.memref_squeeze %dma_start3A_14 : memref<1x250x80xi32, #tpu.memory_space<hbm>> -> memref<250x80xi32, #tpu.memory_space<hbm>>
      %dma_start3A_16 = arith.constant 0 : i32
      %dma_start3A_17 = arith.constant 0 : i32
      %dma_start3A_18 = tpu.memref_slice %arg2[%arg1, %dma_start3A_16, %dma_start3A_17] : memref<16x250x80xi32, #tpu.memory_space<hbm>> -> memref<1x250x80xi32, #tpu.memory_space<hbm>>
      %dma_start3A_19 = tpu.memref_squeeze %dma_start3A_18 : memref<1x250x80xi32, #tpu.memory_space<hbm>> -> memref<250x80xi32, #tpu.memory_space<hbm>>
      tpu.enqueue_dma source(%dma_start3A_19 : memref<250x80xi32, #tpu.memory_space<hbm>>) target(%arg10 : memref<250x80xi32, #tpu.memory_space<vmem>>) target_semaphore(%run_scoped3A : memref<!tpu.dma_semaphore, #tpu.memory_space<semaphore_mem>>)
      %dma_wait3A = arith.constant 0 : i32
      %dma_wait3A_20 = arith.constant 0 : i32
      %dma_wait3A_21 = tpu.memref_slice %arg2[%arg1, %dma_wait3A, %dma_wait3A_20] : memref<16x250x80xi32, #tpu.memory_space<hbm>> -> memref<1x250x80xi32, #tpu.memory_space<hbm>>
      %dma_wait3A_22 = tpu.memref_squeeze %dma_wait3A_21 : memref<1x250x80xi32, #tpu.memory_space<hbm>> -> memref<250x80xi32, #tpu.memory_space<hbm>>
      %dma_wait3A_23 = arith.constant 0 : i32
      %dma_wait3A_24 = arith.constant 0 : i32
      %dma_wait3A_25 = tpu.memref_slice %arg2[%arg1, %dma_wait3A_23, %dma_wait3A_24] : memref<16x250x80xi32, #tpu.memory_space<hbm>> -> memref<1x250x80xi32, #tpu.memory_space<hbm>>
      %dma_wait3A_26 = tpu.memref_squeeze %dma_wait3A_25 : memref<1x250x80xi32, #tpu.memory_space<hbm>> -> memref<250x80xi32, #tpu.memory_space<hbm>>
      tpu.wait_dma2 semaphore(%run_scoped3A : memref<!tpu.dma_semaphore, #tpu.memory_space<semaphore_mem>>) src(%dma_wait3A_26 : memref<250x80xi32, #tpu.memory_space<hbm>>) dst(%arg10 : memref<250x80xi32, #tpu.memory_space<vmem>>)
      tpu.yield
    }) : () -> ()
    %scan3A = arith.constant 0 : i32
    %scan3A_1 = arith.constant 0 : i32
    %scan3A_2 = arith.constant 250 : i32
    %scan3A_3 = arith.addi %scan3A_1, %scan3A_2 : i32
    %scan3A_4 = arith.constant 1 : i32
    scf.for %scan3A_13 = %scan3A_1 to %scan3A_3 step %scan3A_4  : i32 {
      %get3A = arith.index_cast %scan3A_13 : i32 to index
      %get3A_14 = arith.constant 0 : index
      %get3A_15 = tpu.vector_load %arg10[%get3A, %get3A_14] {strides = array<i32>} : memref<250x80xi32, #tpu.memory_space<vmem>>, vector<1x16xi32>,
      %get3A_16 = vector.shape_cast %get3A_15 : vector<1x16xi32> to vector<16xi32>
      %mul3A_17 = arith.constant 2 : i32
      %mul3A_18 = vector.broadcast %mul3A_17 : i32 to vector<16xi32>
      %mul3A_19 = arith.muli %get3A_16, %mul3A_18 : vector<16xi32>
      %add3A = vector.broadcast %arg0 : i32 to vector<16xi32>
      %add3A_20 = arith.addi %mul3A_19, %add3A : vector<16xi32>
      %swap3A = arith.index_cast %scan3A_13 : i32 to index
      %swap3A_21 = arith.constant 0 : index
      %swap3A_22 = tpu.vector_load %arg10[%swap3A, %swap3A_21] {strides = array<i32>} : memref<250x80xi32, #tpu.memory_space<vmem>>, vector<1x16xi32>,
      %swap3A_23 = vector.shape_cast %swap3A_22 : vector<1x16xi32> to vector<16xi32>
      %swap3A_24 = vector.shape_cast %add3A_20 : vector<16xi32> to vector<1x16xi32>
      tpu.vector_store %arg10[%swap3A, %swap3A_21], %swap3A_24 {strides = array<i32>} : memref<250x80xi32, #tpu.memory_space<vmem>>, vector<1x16xi32>,
      %get3A_25 = arith.index_cast %scan3A_13 : i32 to index
      %get3A_26 = arith.constant 16 : index
      %get3A_27 = tpu.vector_load %arg10[%get3A_25, %get3A_26] {strides = array<i32>} : memref<250x80xi32, #tpu.memory_space<vmem>>, vector<1x16xi32>,
      %get3A_28 = vector.shape_cast %get3A_27 : vector<1x16xi32> to vector<16xi32>
      %mul3A_29 = arith.constant 2 : i32
      %mul3A_30 = vector.broadcast %mul3A_29 : i32 to vector<16xi32>
      %mul3A_31 = arith.muli %get3A_28, %mul3A_30 : vector<16xi32>
      %add3A_32 = vector.broadcast %arg0 : i32 to vector<16xi32>
      %add3A_33 = arith.addi %mul3A_31, %add3A_32 : vector<16xi32>
      %swap3A_34 = arith.index_cast %scan3A_13 : i32 to index
      %swap3A_35 = arith.constant 16 : index
      %swap3A_36 = tpu.vector_load %arg10[%swap3A_34, %swap3A_35] {strides = array<i32>} : memref<250x80xi32, #tpu.memory_space<vmem>>, vector<1x16xi32>,
      %swap3A_37 = vector.shape_cast %swap3A_36 : vector<1x16xi32> to vector<16xi32>
      %swap3A_38 = vector.shape_cast %add3A_33 : vector<16xi32> to vector<1x16xi32>
      tpu.vector_store %arg10[%swap3A_34, %swap3A_35], %swap3A_38 {strides = array<i32>} : memref<250x80xi32, #tpu.memory_space<vmem>>, vector<1x16xi32>,
      %get3A_39 = arith.index_cast %scan3A_13 : i32 to index
      %get3A_40 = arith.constant 32 : index
      %get3A_41 = tpu.vector_load %arg10[%get3A_39, %get3A_40] {strides = array<i32>} : memref<250x80xi32, #tpu.memory_space<vmem>>, vector<1x16xi32>,
      %get3A_42 = vector.shape_cast %get3A_41 : vector<1x16xi32> to vector<16xi32>
      %mul3A_43 = arith.constant 2 : i32
      %mul3A_44 = vector.broadcast %mul3A_43 : i32 to vector<16xi32>
      %mul3A_45 = arith.muli %get3A_42, %mul3A_44 : vector<16xi32>
      %add3A_46 = vector.broadcast %arg0 : i32 to vector<16xi32>
      %add3A_47 = arith.addi %mul3A_45, %add3A_46 : vector<16xi32>
      %swap3A_48 = arith.index_cast %scan3A_13 : i32 to index
      %swap3A_49 = arith.constant 32 : index
      %swap3A_50 = tpu.vector_load %arg10[%swap3A_48, %swap3A_49] {strides = array<i32>} : memref<250x80xi32, #tpu.memory_space<vmem>>, vector<1x16xi32>,
      %swap3A_51 = vector.shape_cast %swap3A_50 : vector<1x16xi32> to vector<16xi32>
      %swap3A_52 = vector.shape_cast %add3A_47 : vector<16xi32> to vector<1x16xi32>
      tpu.vector_store %arg10[%swap3A_48, %swap3A_49], %swap3A_52 {strides = array<i32>} : memref<250x80xi32, #tpu.memory_space<vmem>>, vector<1x16xi32>,
      %get3A_53 = arith.index_cast %scan3A_13 : i32 to index
      %get3A_54 = arith.constant 48 : index
      %get3A_55 = tpu.vector_load %arg10[%get3A_53, %get3A_54] {strides = array<i32>} : memref<250x80xi32, #tpu.memory_space<vmem>>, vector<1x16xi32>,
      %get3A_56 = vector.shape_cast %get3A_55 : vector<1x16xi32> to vector<16xi32>
      %mul3A_57 = arith.constant 2 : i32
      %mul3A_58 = vector.broadcast %mul3A_57 : i32 to vector<16xi32>
      %mul3A_59 = arith.muli %get3A_56, %mul3A_58 : vector<16xi32>
      %add3A_60 = vector.broadcast %arg0 : i32 to vector<16xi32>
      %add3A_61 = arith.addi %mul3A_59, %add3A_60 : vector<16xi32>
      %swap3A_62 = arith.index_cast %scan3A_13 : i32 to index
      %swap3A_63 = arith.constant 48 : index
      %swap3A_64 = tpu.vector_load %arg10[%swap3A_62, %swap3A_63] {strides = array<i32>} : memref<250x80xi32, #tpu.memory_space<vmem>>, vector<1x16xi32>,
      %swap3A_65 = vector.shape_cast %swap3A_64 : vector<1x16xi32> to vector<16xi32>
      %swap3A_66 = vector.shape_cast %add3A_61 : vector<16xi32> to vector<1x16xi32>
      tpu.vector_store %arg10[%swap3A_62, %swap3A_63], %swap3A_66 {strides = array<i32>} : memref<250x80xi32, #tpu.memory_space<vmem>>, vector<1x16xi32>,
      %get3A_67 = arith.index_cast %scan3A_13 : i32 to index
      %get3A_68 = arith.constant 64 : index
      %get3A_69 = tpu.vector_load %arg10[%get3A_67, %get3A_68] {strides = array<i32>} : memref<250x80xi32, #tpu.memory_space<vmem>>, vector<1x16xi32>,
      %get3A_70 = vector.shape_cast %get3A_69 : vector<1x16xi32> to vector<16xi32>
      %mul3A_71 = arith.constant 2 : i32
      %mul3A_72 = vector.broadcast %mul3A_71 : i32 to vector<16xi32>
      %mul3A_73 = arith.muli %get3A_70, %mul3A_72 : vector<16xi32>
      %add3A_74 = vector.broadcast %arg0 : i32 to vector<16xi32>
      %add3A_75 = arith.addi %mul3A_73, %add3A_74 : vector<16xi32>
      %swap3A_76 = arith.index_cast %scan3A_13 : i32 to index
      %swap3A_77 = arith.constant 64 : index
      %swap3A_78 = tpu.vector_load %arg10[%swap3A_76, %swap3A_77] {strides = array<i32>} : memref<250x80xi32, #tpu.memory_space<vmem>>, vector<1x16xi32>,
      %swap3A_79 = vector.shape_cast %swap3A_78 : vector<1x16xi32> to vector<16xi32>
      %swap3A_80 = vector.shape_cast %add3A_75 : vector<16xi32> to vector<1x16xi32>
      tpu.vector_store %arg10[%swap3A_76, %swap3A_77], %swap3A_80 {strides = array<i32>} : memref<250x80xi32, #tpu.memory_space<vmem>>, vector<1x16xi32>,
    }
    %scan3A_5 = arith.constant 250 : i32
    %barrier3A = arith.constant 0 : index
    tpu.barrier barrier_id(%barrier3A)
    %scan3A_6 = arith.constant 0 : i32
    %scan3A_7 = arith.constant 0 : i32
    %scan3A_8 = arith.constant 25 : i32
    %scan3A_9 = arith.addi %scan3A_7, %scan3A_8 : i32
    %scan3A_10 = arith.constant 1 : i32
    scf.for %scan3A_13 = %scan3A_7 to %scan3A_9 step %scan3A_10  : i32 {
      %dma_start3A = arith.constant 0 : i32
      %dma_start3A_14 = arith.constant 0 : i32
      %dma_start3A_15 = tpu.memref_slice %arg3[%arg1, %scan3A_13, %dma_start3A, %dma_start3A_14] : memref<16x25x10x80xi32, #tpu.memory_space<hbm>> -> memref<1x1x10x80xi32, #tpu.memory_space<hbm>>
      %dma_start3A_16 = tpu.memref_squeeze %dma_start3A_15 : memref<1x1x10x80xi32, #tpu.memory_space<hbm>> -> memref<10x80xi32, #tpu.memory_space<hbm>>
      %dma_start3A_17 = arith.constant 0 : i32
      %dma_start3A_18 = arith.constant 0 : i32
      %dma_start3A_19 = tpu.memref_slice %arg3[%arg1, %scan3A_13, %dma_start3A_17, %dma_start3A_18] : memref<16x25x10x80xi32, #tpu.memory_space<hbm>> -> memref<1x1x10x80xi32, #tpu.memory_space<hbm>>
      %dma_start3A_20 = tpu.memref_squeeze %dma_start3A_19 : memref<1x1x10x80xi32, #tpu.memory_space<hbm>> -> memref<10x80xi32, #tpu.memory_space<hbm>>
      tpu.enqueue_dma source(%dma_start3A_20 : memref<10x80xi32, #tpu.memory_space<hbm>>) target(%arg11 : memref<10x80xi32, #tpu.memory_space<vmem>>) target_semaphore(%arg16 : memref<!tpu.dma_semaphore, #tpu.memory_space<semaphore_mem>>)
      %mul3A_21 = arith.constant 10 : i32
      %mul3A_22 = arith.muli %scan3A_13, %mul3A_21 : i32
      %add3A = arith.constant 0 : i32
      %add3A_23 = arith.addi %mul3A_22, %add3A : i32
      %dma_start3A_24 = arith.constant 0 : i32
      %dma_start3A_25 = arith.constant 0 : i32
      %dma_start3A_26 = arith.constant 0 : i32
      %dma_start3A_27 = tpu.memref_slice %arg12[%dma_start3A_24, %dma_start3A_25, %dma_start3A_26] : memref<10x80x64xf32, #tpu.memory_space<vmem>> -> memref<1x80x64xf32, #tpu.memory_space<vmem>>
      %dma_start3A_28 = tpu.memref_squeeze %dma_start3A_27 : memref<1x80x64xf32, #tpu.memory_space<vmem>> -> memref<80x64xf32, #tpu.memory_space<vmem>>
      %dma_start3A_29 = arith.constant 0 : i32
      %dma_start3A_30 = tpu.memref_slice %arg10[%add3A_23, %dma_start3A_29] : memref<250x80xi32, #tpu.memory_space<vmem>> -> memref<1x80xi32, #tpu.memory_space<vmem>>
      %dma_start3A_31 = tpu.memref_squeeze %dma_start3A_30 : memref<1x80xi32, #tpu.memory_space<vmem>> -> memref<80xi32, #tpu.memory_space<vmem>>
      %dma_start3A_32 = arith.constant 0 : i32
      %dma_start3A_33 = arith.constant 0 : i32
      %dma_start3A_34 = tpu.memref_slice %arg4[%dma_start3A_32, %dma_start3A_33] : memref<20000x64xf32, #tpu.memory_space<hbm>> -> memref<20000x64xf32, #tpu.memory_space<hbm>>
      tpu.enqueue_indirect_dma source(%dma_start3A_34 : memref<20000x64xf32, #tpu.memory_space<hbm>>) target(%dma_start3A_28 : memref<80x64xf32, #tpu.memory_space<vmem>>) offsets(%dma_start3A_31 : memref<80xi32, #tpu.memory_space<vmem>>) semaphore(%arg17 : memref<!tpu.dma_semaphore, #tpu.memory_space<semaphore_mem>>)
      %mul3A_35 = arith.constant 10 : i32
      %mul3A_36 = arith.muli %scan3A_13, %mul3A_35 : i32
      %add3A_37 = arith.constant 1 : i32
      %add3A_38 = arith.addi %mul3A_36, %add3A_37 : i32
      %dma_start3A_39 = arith.constant 1 : i32
      %dma_start3A_40 = arith.constant 0 : i32
      %dma_start3A_41 = arith.constant 0 : i32
      %dma_start3A_42 = tpu.memref_slice %arg12[%dma_start3A_39, %dma_start3A_40, %dma_start3A_41] : memref<10x80x64xf32, #tpu.memory_space<vmem>> -> memref<1x80x64xf32, #tpu.memory_space<vmem>>
      %dma_start3A_43 = tpu.memref_squeeze %dma_start3A_42 : memref<1x80x64xf32, #tpu.memory_space<vmem>> -> memref<80x64xf32, #tpu.memory_space<vmem>>
      %dma_start3A_44 = arith.constant 0 : i32
      %dma_start3A_45 = tpu.memref_slice %arg10[%add3A_38, %dma_start3A_44] : memref<250x80xi32, #tpu.memory_space<vmem>> -> memref<1x80xi32, #tpu.memory_space<vmem>>
      %dma_start3A_46 = tpu.memref_squeeze %dma_start3A_45 : memref<1x80xi32, #tpu.memory_space<vmem>> -> memref<80xi32, #tpu.memory_space<vmem>>
      %dma_start3A_47 = arith.constant 0 : i32
      %dma_start3A_48 = arith.constant 0 : i32
      %dma_start3A_49 = tpu.memref_slice %arg4[%dma_start3A_47, %dma_start3A_48] : memref<20000x64xf32, #tpu.memory_space<hbm>> -> memref<20000x64xf32, #tpu.memory_space<hbm>>
      tpu.enqueue_indirect_dma source(%dma_start3A_49 : memref<20000x64xf32, #tpu.memory_space<hbm>>) target(%dma_start3A_43 : memref<80x64xf32, #tpu.memory_space<vmem>>) offsets(%dma_start3A_46 : memref<80xi32, #tpu.memory_space<vmem>>) semaphore(%arg17 : memref<!tpu.dma_semaphore, #tpu.memory_space<semaphore_mem>>)
      %mul3A_50 = arith.constant 10 : i32
      %mul3A_51 = arith.muli %scan3A_13, %mul3A_50 : i32
      %add3A_52 = arith.constant 2 : i32
      %add3A_53 = arith.addi %mul3A_51, %add3A_52 : i32
      %dma_start3A_54 = arith.constant 2 : i32
      %dma_start3A_55 = arith.constant 0 : i32
      %dma_start3A_56 = arith.constant 0 : i32
      %dma_start3A_57 = tpu.memref_slice %arg12[%dma_start3A_54, %dma_start3A_55, %dma_start3A_56] : memref<10x80x64xf32, #tpu.memory_space<vmem>> -> memref<1x80x64xf32, #tpu.memory_space<vmem>>
      %dma_start3A_58 = tpu.memref_squeeze %dma_start3A_57 : memref<1x80x64xf32, #tpu.memory_space<vmem>> -> memref<80x64xf32, #tpu.memory_space<vmem>>
      %dma_start3A_59 = arith.constant 0 : i32
      %dma_start3A_60 = tpu.memref_slice %arg10[%add3A_53, %dma_start3A_59] : memref<250x80xi32, #tpu.memory_space<vmem>> -> memref<1x80xi32, #tpu.memory_space<vmem>>
      %dma_start3A_61 = tpu.memref_squeeze %dma_start3A_60 : memref<1x80xi32, #tpu.memory_space<vmem>> -> memref<80xi32, #tpu.memory_space<vmem>>
      %dma_start3A_62 = arith.constant 0 : i32
      %dma_start3A_63 = arith.constant 0 : i32
      %dma_start3A_64 = tpu.memref_slice %arg4[%dma_start3A_62, %dma_start3A_63] : memref<20000x64xf32, #tpu.memory_space<hbm>> -> memref<20000x64xf32, #tpu.memory_space<hbm>>
      tpu.enqueue_indirect_dma source(%dma_start3A_64 : memref<20000x64xf32, #tpu.memory_space<hbm>>) target(%dma_start3A_58 : memref<80x64xf32, #tpu.memory_space<vmem>>) offsets(%dma_start3A_61 : memref<80xi32, #tpu.memory_space<vmem>>) semaphore(%arg17 : memref<!tpu.dma_semaphore, #tpu.memory_space<semaphore_mem>>)
      %mul3A_65 = arith.constant 10 : i32
      %mul3A_66 = arith.muli %scan3A_13, %mul3A_65 : i32
      %add3A_67 = arith.constant 3 : i32
      %add3A_68 = arith.addi %mul3A_66, %add3A_67 : i32
      %dma_start3A_69 = arith.constant 3 : i32
      %dma_start3A_70 = arith.constant 0 : i32
      %dma_start3A_71 = arith.constant 0 : i32
      %dma_start3A_72 = tpu.memref_slice %arg12[%dma_start3A_69, %dma_start3A_70, %dma_start3A_71] : memref<10x80x64xf32, #tpu.memory_space<vmem>> -> memref<1x80x64xf32, #tpu.memory_space<vmem>>
      %dma_start3A_73 = tpu.memref_squeeze %dma_start3A_72 : memref<1x80x64xf32, #tpu.memory_space<vmem>> -> memref<80x64xf32, #tpu.memory_space<vmem>>
      %dma_start3A_74 = arith.constant 0 : i32
      %dma_start3A_75 = tpu.memref_slice %arg10[%add3A_68, %dma_start3A_74] : memref<250x80xi32, #tpu.memory_space<vmem>> -> memref<1x80xi32, #tpu.memory_space<vmem>>
      %dma_start3A_76 = tpu.memref_squeeze %dma_start3A_75 : memref<1x80xi32, #tpu.memory_space<vmem>> -> memref<80xi32, #tpu.memory_space<vmem>>
      %dma_start3A_77 = arith.constant 0 : i32
      %dma_start3A_78 = arith.constant 0 : i32
      %dma_start3A_79 = tpu.memref_slice %arg4[%dma_start3A_77, %dma_start3A_78] : memref<20000x64xf32, #tpu.memory_space<hbm>> -> memref<20000x64xf32, #tpu.memory_space<hbm>>
      tpu.enqueue_indirect_dma source(%dma_start3A_79 : memref<20000x64xf32, #tpu.memory_space<hbm>>) target(%dma_start3A_73 : memref<80x64xf32, #tpu.memory_space<vmem>>) offsets(%dma_start3A_76 : memref<80xi32, #tpu.memory_space<vmem>>) semaphore(%arg17 : memref<!tpu.dma_semaphore, #tpu.memory_space<semaphore_mem>>)
      %mul3A_80 = arith.constant 10 : i32
      %mul3A_81 = arith.muli %scan3A_13, %mul3A_80 : i32
      %add3A_82 = arith.constant 4 : i32
      %add3A_83 = arith.addi %mul3A_81, %add3A_82 : i32
      %dma_start3A_84 = arith.constant 4 : i32
      %dma_start3A_85 = arith.constant 0 : i32
      %dma_start3A_86 = arith.constant 0 : i32
      %dma_start3A_87 = tpu.memref_slice %arg12[%dma_start3A_84, %dma_start3A_85, %dma_start3A_86] : memref<10x80x64xf32, #tpu.memory_space<vmem>> -> memref<1x80x64xf32, #tpu.memory_space<vmem>>
      %dma_start3A_88 = tpu.memref_squeeze %dma_start3A_87 : memref<1x80x64xf32, #tpu.memory_space<vmem>> -> memref<80x64xf32, #tpu.memory_space<vmem>>
      %dma_start3A_89 = arith.constant 0 : i32
      %dma_start3A_90 = tpu.memref_slice %arg10[%add3A_83, %dma_start3A_89] : memref<250x80xi32, #tpu.memory_space<vmem>> -> memref<1x80xi32, #tpu.memory_space<vmem>>
      %dma_start3A_91 = tpu.memref_squeeze %dma_start3A_90 : memref<1x80xi32, #tpu.memory_space<vmem>> -> memref<80xi32, #tpu.memory_space<vmem>>
      %dma_start3A_92 = arith.constant 0 : i32
      %dma_start3A_93 = arith.constant 0 : i32
      %dma_start3A_94 = tpu.memref_slice %arg4[%dma_start3A_92, %dma_start3A_93] : memref<20000x64xf32, #tpu.memory_space<hbm>> -> memref<20000x64xf32, #tpu.memory_space<hbm>>
      tpu.enqueue_indirect_dma source(%dma_start3A_94 : memref<20000x64xf32, #tpu.memory_space<hbm>>) target(%dma_start3A_88 : memref<80x64xf32, #tpu.memory_space<vmem>>) offsets(%dma_start3A_91 : memref<80xi32, #tpu.memory_space<vmem>>) semaphore(%arg17 : memref<!tpu.dma_semaphore, #tpu.memory_space<semaphore_mem>>)
      %mul3A_95 = arith.constant 10 : i32
      %mul3A_96 = arith.muli %scan3A_13, %mul3A_95 : i32
      %add3A_97 = arith.constant 5 : i32
      %add3A_98 = arith.addi %mul3A_96, %add3A_97 : i32
      %dma_start3A_99 = arith.constant 5 : i32
      %dma_start3A_100 = arith.constant 0 : i32
      %dma_start3A_101 = arith.constant 0 : i32
      %dma_start3A_102 = tpu.memref_slice %arg12[%dma_start3A_99, %dma_start3A_100, %dma_start3A_101] : memref<10x80x64xf32, #tpu.memory_space<vmem>> -> memref<1x80x64xf32, #tpu.memory_space<vmem>>
      %dma_start3A_103 = tpu.memref_squeeze %dma_start3A_102 : memref<1x80x64xf32, #tpu.memory_space<vmem>> -> memref<80x64xf32, #tpu.memory_space<vmem>>
      %dma_start3A_104 = arith.constant 0 : i32
      %dma_start3A_105 = tpu.memref_slice %arg10[%add3A_98, %dma_start3A_104] : memref<250x80xi32, #tpu.memory_space<vmem>> -> memref<1x80xi32, #tpu.memory_space<vmem>>
      %dma_start3A_106 = tpu.memref_squeeze %dma_start3A_105 : memref<1x80xi32, #tpu.memory_space<vmem>> -> memref<80xi32, #tpu.memory_space<vmem>>
      %dma_start3A_107 = arith.constant 0 : i32
      %dma_start3A_108 = arith.constant 0 : i32
      %dma_start3A_109 = tpu.memref_slice %arg4[%dma_start3A_107, %dma_start3A_108] : memref<20000x64xf32, #tpu.memory_space<hbm>> -> memref<20000x64xf32, #tpu.memory_space<hbm>>
      tpu.enqueue_indirect_dma source(%dma_start3A_109 : memref<20000x64xf32, #tpu.memory_space<hbm>>) target(%dma_start3A_103 : memref<80x64xf32, #tpu.memory_space<vmem>>) offsets(%dma_start3A_106 : memref<80xi32, #tpu.memory_space<vmem>>) semaphore(%arg18 : memref<!tpu.dma_semaphore, #tpu.memory_space<semaphore_mem>>)
      %mul3A_110 = arith.constant 10 : i32
      %mul3A_111 = arith.muli %scan3A_13, %mul3A_110 : i32
      %add3A_112 = arith.constant 6 : i32
      %add3A_113 = arith.addi %mul3A_111, %add3A_112 : i32
      %dma_start3A_114 = arith.constant 6 : i32
      %dma_start3A_115 = arith.constant 0 : i32
      %dma_start3A_116 = arith.constant 0 : i32
      %dma_start3A_117 = tpu.memref_slice %arg12[%dma_start3A_114, %dma_start3A_115, %dma_start3A_116] : memref<10x80x64xf32, #tpu.memory_space<vmem>> -> memref<1x80x64xf32, #tpu.memory_space<vmem>>
      %dma_start3A_118 = tpu.memref_squeeze %dma_start3A_117 : memref<1x80x64xf32, #tpu.memory_space<vmem>> -> memref<80x64xf32, #tpu.memory_space<vmem>>
      %dma_start3A_119 = arith.constant 0 : i32
      %dma_start3A_120 = tpu.memref_slice %arg10[%add3A_113, %dma_start3A_119] : memref<250x80xi32, #tpu.memory_space<vmem>> -> memref<1x80xi32, #tpu.memory_space<vmem>>
      %dma_start3A_121 = tpu.memref_squeeze %dma_start3A_120 : memref<1x80xi32, #tpu.memory_space<vmem>> -> memref<80xi32, #tpu.memory_space<vmem>>
      %dma_start3A_122 = arith.constant 0 : i32
      %dma_start3A_123 = arith.constant 0 : i32
      %dma_start3A_124 = tpu.memref_slice %arg4[%dma_start3A_122, %dma_start3A_123] : memref<20000x64xf32, #tpu.memory_space<hbm>> -> memref<20000x64xf32, #tpu.memory_space<hbm>>
      tpu.enqueue_indirect_dma source(%dma_start3A_124 : memref<20000x64xf32, #tpu.memory_space<hbm>>) target(%dma_start3A_118 : memref<80x64xf32, #tpu.memory_space<vmem>>) offsets(%dma_start3A_121 : memref<80xi32, #tpu.memory_space<vmem>>) semaphore(%arg18 : memref<!tpu.dma_semaphore, #tpu.memory_space<semaphore_mem>>)
      %mul3A_125 = arith.constant 10 : i32
      %mul3A_126 = arith.muli %scan3A_13, %mul3A_125 : i32
      %add3A_127 = arith.constant 7 : i32
      %add3A_128 = arith.addi %mul3A_126, %add3A_127 : i32
      %dma_start3A_129 = arith.constant 7 : i32
      %dma_start3A_130 = arith.constant 0 : i32
      %dma_start3A_131 = arith.constant 0 : i32
      %dma_start3A_132 = tpu.memref_slice %arg12[%dma_start3A_129, %dma_start3A_130, %dma_start3A_131] : memref<10x80x64xf32, #tpu.memory_space<vmem>> -> memref<1x80x64xf32, #tpu.memory_space<vmem>>
      %dma_start3A_133 = tpu.memref_squeeze %dma_start3A_132 : memref<1x80x64xf32, #tpu.memory_space<vmem>> -> memref<80x64xf32, #tpu.memory_space<vmem>>
      %dma_start3A_134 = arith.constant 0 : i32
      %dma_start3A_135 = tpu.memref_slice %arg10[%add3A_128, %dma_start3A_134] : memref<250x80xi32, #tpu.memory_space<vmem>> -> memref<1x80xi32, #tpu.memory_space<vmem>>
      %dma_start3A_136 = tpu.memref_squeeze %dma_start3A_135 : memref<1x80xi32, #tpu.memory_space<vmem>> -> memref<80xi32, #tpu.memory_space<vmem>>
      %dma_start3A_137 = arith.constant 0 : i32
      %dma_start3A_138 = arith.constant 0 : i32
      %dma_start3A_139 = tpu.memref_slice %arg4[%dma_start3A_137, %dma_start3A_138] : memref<20000x64xf32, #tpu.memory_space<hbm>> -> memref<20000x64xf32, #tpu.memory_space<hbm>>
      tpu.enqueue_indirect_dma source(%dma_start3A_139 : memref<20000x64xf32, #tpu.memory_space<hbm>>) target(%dma_start3A_133 : memref<80x64xf32, #tpu.memory_space<vmem>>) offsets(%dma_start3A_136 : memref<80xi32, #tpu.memory_space<vmem>>) semaphore(%arg18 : memref<!tpu.dma_semaphore, #tpu.memory_space<semaphore_mem>>)
      %mul3A_140 = arith.constant 10 : i32
      %mul3A_141 = arith.muli %scan3A_13, %mul3A_140 : i32
      %add3A_142 = arith.constant 8 : i32
      %add3A_143 = arith.addi %mul3A_141, %add3A_142 : i32
      %dma_start3A_144 = arith.constant 8 : i32
      %dma_start3A_145 = arith.constant 0 : i32
      %dma_start3A_146 = arith.constant 0 : i32
      %dma_start3A_147 = tpu.memref_slice %arg12[%dma_start3A_144, %dma_start3A_145, %dma_start3A_146] : memref<10x80x64xf32, #tpu.memory_space<vmem>> -> memref<1x80x64xf32, #tpu.memory_space<vmem>>
      %dma_start3A_148 = tpu.memref_squeeze %dma_start3A_147 : memref<1x80x64xf32, #tpu.memory_space<vmem>> -> memref<80x64xf32, #tpu.memory_space<vmem>>
      %dma_start3A_149 = arith.constant 0 : i32
      %dma_start3A_150 = tpu.memref_slice %arg10[%add3A_143, %dma_start3A_149] : memref<250x80xi32, #tpu.memory_space<vmem>> -> memref<1x80xi32, #tpu.memory_space<vmem>>
      %dma_start3A_151 = tpu.memref_squeeze %dma_start3A_150 : memref<1x80xi32, #tpu.memory_space<vmem>> -> memref<80xi32, #tpu.memory_space<vmem>>
      %dma_start3A_152 = arith.constant 0 : i32
      %dma_start3A_153 = arith.constant 0 : i32
      %dma_start3A_154 = tpu.memref_slice %arg4[%dma_start3A_152, %dma_start3A_153] : memref<20000x64xf32, #tpu.memory_space<hbm>> -> memref<20000x64xf32, #tpu.memory_space<hbm>>
      tpu.enqueue_indirect_dma source(%dma_start3A_154 : memref<20000x64xf32, #tpu.memory_space<hbm>>) target(%dma_start3A_148 : memref<80x64xf32, #tpu.memory_space<vmem>>) offsets(%dma_start3A_151 : memref<80xi32, #tpu.memory_space<vmem>>) semaphore(%arg18 : memref<!tpu.dma_semaphore, #tpu.memory_space<semaphore_mem>>)
      %mul3A_155 = arith.constant 10 : i32
      %mul3A_156 = arith.muli %scan3A_13, %mul3A_155 : i32
      %add3A_157 = arith.constant 9 : i32
      %add3A_158 = arith.addi %mul3A_156, %add3A_157 : i32
      %dma_start3A_159 = arith.constant 9 : i32
      %dma_start3A_160 = arith.constant 0 : i32
      %dma_start3A_161 = arith.constant 0 : i32
      %dma_start3A_162 = tpu.memref_slice %arg12[%dma_start3A_159, %dma_start3A_160, %dma_start3A_161] : memref<10x80x64xf32, #tpu.memory_space<vmem>> -> memref<1x80x64xf32, #tpu.memory_space<vmem>>
      %dma_start3A_163 = tpu.memref_squeeze %dma_start3A_162 : memref<1x80x64xf32, #tpu.memory_space<vmem>> -> memref<80x64xf32, #tpu.memory_space<vmem>>
      %dma_start3A_164 = arith.constant 0 : i32
      %dma_start3A_165 = tpu.memref_slice %arg10[%add3A_158, %dma_start3A_164] : memref<250x80xi32, #tpu.memory_space<vmem>> -> memref<1x80xi32, #tpu.memory_space<vmem>>
      %dma_start3A_166 = tpu.memref_squeeze %dma_start3A_165 : memref<1x80xi32, #tpu.memory_space<vmem>> -> memref<80xi32, #tpu.memory_space<vmem>>
      %dma_start3A_167 = arith.constant 0 : i32
      %dma_start3A_168 = arith.constant 0 : i32
      %dma_start3A_169 = tpu.memref_slice %arg4[%dma_start3A_167, %dma_start3A_168] : memref<20000x64xf32, #tpu.memory_space<hbm>> -> memref<20000x64xf32, #tpu.memory_space<hbm>>
      tpu.enqueue_indirect_dma source(%dma_start3A_169 : memref<20000x64xf32, #tpu.memory_space<hbm>>) target(%dma_start3A_163 : memref<80x64xf32, #tpu.memory_space<vmem>>) offsets(%dma_start3A_166 : memref<80xi32, #tpu.memory_space<vmem>>) semaphore(%arg18 : memref<!tpu.dma_semaphore, #tpu.memory_space<semaphore_mem>>)
      %dma_wait3A = arith.constant 0 : i32
      %dma_wait3A_170 = arith.constant 0 : i32
      %dma_wait3A_171 = tpu.memref_slice %arg3[%arg1, %scan3A_13, %dma_wait3A, %dma_wait3A_170] : memref<16x25x10x80xi32, #tpu.memory_space<hbm>> -> memref<1x1x10x80xi32, #tpu.memory_space<hbm>>
      %dma_wait3A_172 = tpu.memref_squeeze %dma_wait3A_171 : memref<1x1x10x80xi32, #tpu.memory_space<hbm>> -> memref<10x80xi32, #tpu.memory_space<hbm>>
      %dma_wait3A_173 = arith.constant 0 : i32
      %dma_wait3A_174 = arith.constant 0 : i32
      %dma_wait3A_175 = tpu.memref_slice %arg3[%arg1, %scan3A_13, %dma_wait3A_173, %dma_wait3A_174] : memref<16x25x10x80xi32, #tpu.memory_space<hbm>> -> memref<1x1x10x80xi32, #tpu.memory_space<hbm>>
      %dma_wait3A_176 = tpu.memref_squeeze %dma_wait3A_175 : memref<1x1x10x80xi32, #tpu.memory_space<hbm>> -> memref<10x80xi32, #tpu.memory_space<hbm>>
      tpu.wait_dma2 semaphore(%arg16 : memref<!tpu.dma_semaphore, #tpu.memory_space<semaphore_mem>>) src(%dma_wait3A_176 : memref<10x80xi32, #tpu.memory_space<hbm>>) dst(%arg11 : memref<10x80xi32, #tpu.memory_space<vmem>>)
      %dma_wait3A_177 = arith.constant 0 : i32
      %dma_wait3A_178 = arith.constant 0 : i32
      %dma_wait3A_179 = arith.constant 0 : i32
      %dma_wait3A_180 = tpu.memref_slice %arg12[%dma_wait3A_177, %dma_wait3A_178, %dma_wait3A_179] : memref<10x80x64xf32, #tpu.memory_space<vmem>> -> memref<1x80x64xf32, #tpu.memory_space<vmem>>
      %dma_wait3A_181 = tpu.memref_squeeze %dma_wait3A_180 : memref<1x80x64xf32, #tpu.memory_space<vmem>> -> memref<80x64xf32, #tpu.memory_space<vmem>>
      %dma_wait3A_182 = arith.constant 0 : i32
      %dma_wait3A_183 = tpu.memref_slice %arg10[%add3A_23, %dma_wait3A_182] : memref<250x80xi32, #tpu.memory_space<vmem>> -> memref<1x80xi32, #tpu.memory_space<vmem>>
      %dma_wait3A_184 = tpu.memref_squeeze %dma_wait3A_183 : memref<1x80xi32, #tpu.memory_space<vmem>> -> memref<80xi32, #tpu.memory_space<vmem>>
      %dma_wait3A_185 = arith.constant 0 : i32
      %dma_wait3A_186 = arith.constant 0 : i32
      %dma_wait3A_187 = tpu.memref_slice %arg4[%dma_wait3A_185, %dma_wait3A_186] : memref<20000x64xf32, #tpu.memory_space<hbm>> -> memref<20000x64xf32, #tpu.memory_space<hbm>>
      tpu.wait_indirect_dma semaphore(%arg17 : memref<!tpu.dma_semaphore, #tpu.memory_space<semaphore_mem>>) src(%dma_wait3A_187 : memref<20000x64xf32, #tpu.memory_space<hbm>>) dst(%dma_wait3A_181 : memref<80x64xf32, #tpu.memory_space<vmem>>)
      %dma_wait3A_188 = arith.constant 1 : i32
      %dma_wait3A_189 = arith.constant 0 : i32
      %dma_wait3A_190 = arith.constant 0 : i32
      %dma_wait3A_191 = tpu.memref_slice %arg12[%dma_wait3A_188, %dma_wait3A_189, %dma_wait3A_190] : memref<10x80x64xf32, #tpu.memory_space<vmem>> -> memref<1x80x64xf32, #tpu.memory_space<vmem>>
      %dma_wait3A_192 = tpu.memref_squeeze %dma_wait3A_191 : memref<1x80x64xf32, #tpu.memory_space<vmem>> -> memref<80x64xf32, #tpu.memory_space<vmem>>
      %dma_wait3A_193 = arith.constant 0 : i32
      %dma_wait3A_194 = tpu.memref_slice %arg10[%add3A_38, %dma_wait3A_193] : memref<250x80xi32, #tpu.memory_space<vmem>> -> memref<1x80xi32, #tpu.memory_space<vmem>>
      %dma_wait3A_195 = tpu.memref_squeeze %dma_wait3A_194 : memref<1x80xi32, #tpu.memory_space<vmem>> -> memref<80xi32, #tpu.memory_space<vmem>>
      %dma_wait3A_196 = arith.constant 0 : i32
      %dma_wait3A_197 = arith.constant 0 : i32
      %dma_wait3A_198 = tpu.memref_slice %arg4[%dma_wait3A_196, %dma_wait3A_197] : memref<20000x64xf32, #tpu.memory_space<hbm>> -> memref<20000x64xf32, #tpu.memory_space<hbm>>
      tpu.wait_indirect_dma semaphore(%arg17 : memref<!tpu.dma_semaphore, #tpu.memory_space<semaphore_mem>>) src(%dma_wait3A_198 : memref<20000x64xf32, #tpu.memory_space<hbm>>) dst(%dma_wait3A_192 : memref<80x64xf32, #tpu.memory_space<vmem>>)
      %dma_wait3A_199 = arith.constant 2 : i32
      %dma_wait3A_200 = arith.constant 0 : i32
      %dma_wait3A_201 = arith.constant 0 : i32
      %dma_wait3A_202 = tpu.memref_slice %arg12[%dma_wait3A_199, %dma_wait3A_200, %dma_wait3A_201] : memref<10x80x64xf32, #tpu.memory_space<vmem>> -> memref<1x80x64xf32, #tpu.memory_space<vmem>>
      %dma_wait3A_203 = tpu.memref_squeeze %dma_wait3A_202 : memref<1x80x64xf32, #tpu.memory_space<vmem>> -> memref<80x64xf32, #tpu.memory_space<vmem>>
      %dma_wait3A_204 = arith.constant 0 : i32
      %dma_wait3A_205 = tpu.memref_slice %arg10[%add3A_53, %dma_wait3A_204] : memref<250x80xi32, #tpu.memory_space<vmem>> -> memref<1x80xi32, #tpu.memory_space<vmem>>
      %dma_wait3A_206 = tpu.memref_squeeze %dma_wait3A_205 : memref<1x80xi32, #tpu.memory_space<vmem>> -> memref<80xi32, #tpu.memory_space<vmem>>
      %dma_wait3A_207 = arith.constant 0 : i32
      %dma_wait3A_208 = arith.constant 0 : i32
      %dma_wait3A_209 = tpu.memref_slice %arg4[%dma_wait3A_207, %dma_wait3A_208] : memref<20000x64xf32, #tpu.memory_space<hbm>> -> memref<20000x64xf32, #tpu.memory_space<hbm>>
      tpu.wait_indirect_dma semaphore(%arg17 : memref<!tpu.dma_semaphore, #tpu.memory_space<semaphore_mem>>) src(%dma_wait3A_209 : memref<20000x64xf32, #tpu.memory_space<hbm>>) dst(%dma_wait3A_203 : memref<80x64xf32, #tpu.memory_space<vmem>>)
      %dma_wait3A_210 = arith.constant 3 : i32
      %dma_wait3A_211 = arith.constant 0 : i32
      %dma_wait3A_212 = arith.constant 0 : i32
      %dma_wait3A_213 = tpu.memref_slice %arg12[%dma_wait3A_210, %dma_wait3A_211, %dma_wait3A_212] : memref<10x80x64xf32, #tpu.memory_space<vmem>> -> memref<1x80x64xf32, #tpu.memory_space<vmem>>
      %dma_wait3A_214 = tpu.memref_squeeze %dma_wait3A_213 : memref<1x80x64xf32, #tpu.memory_space<vmem>> -> memref<80x64xf32, #tpu.memory_space<vmem>>
      %dma_wait3A_215 = arith.constant 0 : i32
      %dma_wait3A_216 = tpu.memref_slice %arg10[%add3A_68, %dma_wait3A_215] : memref<250x80xi32, #tpu.memory_space<vmem>> -> memref<1x80xi32, #tpu.memory_space<vmem>>
      %dma_wait3A_217 = tpu.memref_squeeze %dma_wait3A_216 : memref<1x80xi32, #tpu.memory_space<vmem>> -> memref<80xi32, #tpu.memory_space<vmem>>
      %dma_wait3A_218 = arith.constant 0 : i32
      %dma_wait3A_219 = arith.constant 0 : i32
      %dma_wait3A_220 = tpu.memref_slice %arg4[%dma_wait3A_218, %dma_wait3A_219] : memref<20000x64xf32, #tpu.memory_space<hbm>> -> memref<20000x64xf32, #tpu.memory_space<hbm>>
      tpu.wait_indirect_dma semaphore(%arg17 : memref<!tpu.dma_semaphore, #tpu.memory_space<semaphore_mem>>) src(%dma_wait3A_220 : memref<20000x64xf32, #tpu.memory_space<hbm>>) dst(%dma_wait3A_214 : memref<80x64xf32, #tpu.memory_space<vmem>>)
      %dma_wait3A_221 = arith.constant 4 : i32
      %dma_wait3A_222 = arith.constant 0 : i32
      %dma_wait3A_223 = arith.constant 0 : i32
      %dma_wait3A_224 = tpu.memref_slice %arg12[%dma_wait3A_221, %dma_wait3A_222, %dma_wait3A_223] : memref<10x80x64xf32, #tpu.memory_space<vmem>> -> memref<1x80x64xf32, #tpu.memory_space<vmem>>
      %dma_wait3A_225 = tpu.memref_squeeze %dma_wait3A_224 : memref<1x80x64xf32, #tpu.memory_space<vmem>> -> memref<80x64xf32, #tpu.memory_space<vmem>>
      %dma_wait3A_226 = arith.constant 0 : i32
      %dma_wait3A_227 = tpu.memref_slice %arg10[%add3A_83, %dma_wait3A_226] : memref<250x80xi32, #tpu.memory_space<vmem>> -> memref<1x80xi32, #tpu.memory_space<vmem>>
      %dma_wait3A_228 = tpu.memref_squeeze %dma_wait3A_227 : memref<1x80xi32, #tpu.memory_space<vmem>> -> memref<80xi32, #tpu.memory_space<vmem>>
      %dma_wait3A_229 = arith.constant 0 : i32
      %dma_wait3A_230 = arith.constant 0 : i32
      %dma_wait3A_231 = tpu.memref_slice %arg4[%dma_wait3A_229, %dma_wait3A_230] : memref<20000x64xf32, #tpu.memory_space<hbm>> -> memref<20000x64xf32, #tpu.memory_space<hbm>>
      tpu.wait_indirect_dma semaphore(%arg17 : memref<!tpu.dma_semaphore, #tpu.memory_space<semaphore_mem>>) src(%dma_wait3A_231 : memref<20000x64xf32, #tpu.memory_space<hbm>>) dst(%dma_wait3A_225 : memref<80x64xf32, #tpu.memory_space<vmem>>)
      %dma_start3A_232 = arith.constant 0 : i32
      %dma_start3A_233 = arith.constant 0 : i32
      %dma_start3A_234 = arith.constant 0 : i32
      %dma_start3A_235 = arith.constant 0 : i32
      %dma_start3A_236 = tpu.memref_slice %arg12[%dma_start3A_232, %dma_start3A_234, %dma_start3A_235] : memref<10x80x64xf32, #tpu.memory_space<vmem>> -> memref<1x80x64xf32, #tpu.memory_space<vmem>>
      %dma_start3A_237 = tpu.memref_squeeze %dma_start3A_236 : memref<1x80x64xf32, #tpu.memory_space<vmem>> -> memref<80x64xf32, #tpu.memory_space<vmem>>
      %dma_start3A_238 = arith.constant 0 : i32
      %dma_start3A_239 = tpu.memref_slice %arg11[%dma_start3A_233, %dma_start3A_238] : memref<10x80xi32, #tpu.memory_space<vmem>> -> memref<1x80xi32, #tpu.memory_space<vmem>>
      %dma_start3A_240 = tpu.memref_squeeze %dma_start3A_239 : memref<1x80xi32, #tpu.memory_space<vmem>> -> memref<80xi32, #tpu.memory_space<vmem>>
      %dma_start3A_241 = arith.constant 0 : i32
      %dma_start3A_242 = arith.constant 0 : i32
      %dma_start3A_243 = tpu.memref_slice %arg14[%dma_start3A_241, %dma_start3A_242] : memref<10240x64xf32, #tpu.memory_space<vmem_shared>> -> memref<10240x64xf32, #tpu.memory_space<vmem_shared>>
      tpu.enqueue_indirect_dma source(%dma_start3A_237 : memref<80x64xf32, #tpu.memory_space<vmem>>) target(%dma_start3A_243 : memref<10240x64xf32, #tpu.memory_space<vmem_shared>>) offsets(%dma_start3A_240 : memref<80xi32, #tpu.memory_space<vmem>>) semaphore(%arg19 : memref<!tpu.dma_semaphore, #tpu.memory_space<semaphore_mem>>) {add = true}
      %dma_start3A_244 = arith.constant 1 : i32
      %dma_start3A_245 = arith.constant 1 : i32
      %dma_start3A_246 = arith.constant 0 : i32
      %dma_start3A_247 = arith.constant 0 : i32
      %dma_start3A_248 = tpu.memref_slice %arg12[%dma_start3A_244, %dma_start3A_246, %dma_start3A_247] : memref<10x80x64xf32, #tpu.memory_space<vmem>> -> memref<1x80x64xf32, #tpu.memory_space<vmem>>
      %dma_start3A_249 = tpu.memref_squeeze %dma_start3A_248 : memref<1x80x64xf32, #tpu.memory_space<vmem>> -> memref<80x64xf32, #tpu.memory_space<vmem>>
      %dma_start3A_250 = arith.constant 0 : i32
      %dma_start3A_251 = tpu.memref_slice %arg11[%dma_start3A_245, %dma_start3A_250] : memref<10x80xi32, #tpu.memory_space<vmem>> -> memref<1x80xi32, #tpu.memory_space<vmem>>
      %dma_start3A_252 = tpu.memref_squeeze %dma_start3A_251 : memref<1x80xi32, #tpu.memory_space<vmem>> -> memref<80xi32, #tpu.memory_space<vmem>>
      %dma_start3A_253 = arith.constant 0 : i32
      %dma_start3A_254 = arith.constant 0 : i32
      %dma_start3A_255 = tpu.memref_slice %arg14[%dma_start3A_253, %dma_start3A_254] : memref<10240x64xf32, #tpu.memory_space<vmem_shared>> -> memref<10240x64xf32, #tpu.memory_space<vmem_shared>>
      tpu.enqueue_indirect_dma source(%dma_start3A_249 : memref<80x64xf32, #tpu.memory_space<vmem>>) target(%dma_start3A_255 : memref<10240x64xf32, #tpu.memory_space<vmem_shared>>) offsets(%dma_start3A_252 : memref<80xi32, #tpu.memory_space<vmem>>) semaphore(%arg19 : memref<!tpu.dma_semaphore, #tpu.memory_space<semaphore_mem>>) {add = true}
      %dma_start3A_256 = arith.constant 2 : i32
      %dma_start3A_257 = arith.constant 2 : i32
      %dma_start3A_258 = arith.constant 0 : i32
      %dma_start3A_259 = arith.constant 0 : i32
      %dma_start3A_260 = tpu.memref_slice %arg12[%dma_start3A_256, %dma_start3A_258, %dma_start3A_259] : memref<10x80x64xf32, #tpu.memory_space<vmem>> -> memref<1x80x64xf32, #tpu.memory_space<vmem>>
      %dma_start3A_261 = tpu.memref_squeeze %dma_start3A_260 : memref<1x80x64xf32, #tpu.memory_space<vmem>> -> memref<80x64xf32, #tpu.memory_space<vmem>>
      %dma_start3A_262 = arith.constant 0 : i32
      %dma_start3A_263 = tpu.memref_slice %arg11[%dma_start3A_257, %dma_start3A_262] : memref<10x80xi32, #tpu.memory_space<vmem>> -> memref<1x80xi32, #tpu.memory_space<vmem>>
      %dma_start3A_264 = tpu.memref_squeeze %dma_start3A_263 : memref<1x80xi32, #tpu.memory_space<vmem>> -> memref<80xi32, #tpu.memory_space<vmem>>
      %dma_start3A_265 = arith.constant 0 : i32
      %dma_start3A_266 = arith.constant 0 : i32
      %dma_start3A_267 = tpu.memref_slice %arg14[%dma_start3A_265, %dma_start3A_266] : memref<10240x64xf32, #tpu.memory_space<vmem_shared>> -> memref<10240x64xf32, #tpu.memory_space<vmem_shared>>
      tpu.enqueue_indirect_dma source(%dma_start3A_261 : memref<80x64xf32, #tpu.memory_space<vmem>>) target(%dma_start3A_267 : memref<10240x64xf32, #tpu.memory_space<vmem_shared>>) offsets(%dma_start3A_264 : memref<80xi32, #tpu.memory_space<vmem>>) semaphore(%arg19 : memref<!tpu.dma_semaphore, #tpu.memory_space<semaphore_mem>>) {add = true}
      %dma_start3A_268 = arith.constant 3 : i32
      %dma_start3A_269 = arith.constant 3 : i32
      %dma_start3A_270 = arith.constant 0 : i32
      %dma_start3A_271 = arith.constant 0 : i32
      %dma_start3A_272 = tpu.memref_slice %arg12[%dma_start3A_268, %dma_start3A_270, %dma_start3A_271] : memref<10x80x64xf32, #tpu.memory_space<vmem>> -> memref<1x80x64xf32, #tpu.memory_space<vmem>>
      %dma_start3A_273 = tpu.memref_squeeze %dma_start3A_272 : memref<1x80x64xf32, #tpu.memory_space<vmem>> -> memref<80x64xf32, #tpu.memory_space<vmem>>
      %dma_start3A_274 = arith.constant 0 : i32
      %dma_start3A_275 = tpu.memref_slice %arg11[%dma_start3A_269, %dma_start3A_274] : memref<10x80xi32, #tpu.memory_space<vmem>> -> memref<1x80xi32, #tpu.memory_space<vmem>>
      %dma_start3A_276 = tpu.memref_squeeze %dma_start3A_275 : memref<1x80xi32, #tpu.memory_space<vmem>> -> memref<80xi32, #tpu.memory_space<vmem>>
      %dma_start3A_277 = arith.constant 0 : i32
      %dma_start3A_278 = arith.constant 0 : i32
      %dma_start3A_279 = tpu.memref_slice %arg14[%dma_start3A_277, %dma_start3A_278] : memref<10240x64xf32, #tpu.memory_space<vmem_shared>> -> memref<10240x64xf32, #tpu.memory_space<vmem_shared>>
      tpu.enqueue_indirect_dma source(%dma_start3A_273 : memref<80x64xf32, #tpu.memory_space<vmem>>) target(%dma_start3A_279 : memref<10240x64xf32, #tpu.memory_space<vmem_shared>>) offsets(%dma_start3A_276 : memref<80xi32, #tpu.memory_space<vmem>>) semaphore(%arg19 : memref<!tpu.dma_semaphore, #tpu.memory_space<semaphore_mem>>) {add = true}
      %dma_start3A_280 = arith.constant 4 : i32
      %dma_start3A_281 = arith.constant 4 : i32
      %dma_start3A_282 = arith.constant 0 : i32
      %dma_start3A_283 = arith.constant 0 : i32
      %dma_start3A_284 = tpu.memref_slice %arg12[%dma_start3A_280, %dma_start3A_282, %dma_start3A_283] : memref<10x80x64xf32, #tpu.memory_space<vmem>> -> memref<1x80x64xf32, #tpu.memory_space<vmem>>
      %dma_start3A_285 = tpu.memref_squeeze %dma_start3A_284 : memref<1x80x64xf32, #tpu.memory_space<vmem>> -> memref<80x64xf32, #tpu.memory_space<vmem>>
      %dma_start3A_286 = arith.constant 0 : i32
      %dma_start3A_287 = tpu.memref_slice %arg11[%dma_start3A_281, %dma_start3A_286] : memref<10x80xi32, #tpu.memory_space<vmem>> -> memref<1x80xi32, #tpu.memory_space<vmem>>
      %dma_start3A_288 = tpu.memref_squeeze %dma_start3A_287 : memref<1x80xi32, #tpu.memory_space<vmem>> -> memref<80xi32, #tpu.memory_space<vmem>>
      %dma_start3A_289 = arith.constant 0 : i32
      %dma_start3A_290 = arith.constant 0 : i32
      %dma_start3A_291 = tpu.memref_slice %arg14[%dma_start3A_289, %dma_start3A_290] : memref<10240x64xf32, #tpu.memory_space<vmem_shared>> -> memref<10240x64xf32, #tpu.memory_space<vmem_shared>>
      tpu.enqueue_indirect_dma source(%dma_start3A_285 : memref<80x64xf32, #tpu.memory_space<vmem>>) target(%dma_start3A_291 : memref<10240x64xf32, #tpu.memory_space<vmem_shared>>) offsets(%dma_start3A_288 : memref<80xi32, #tpu.memory_space<vmem>>) semaphore(%arg19 : memref<!tpu.dma_semaphore, #tpu.memory_space<semaphore_mem>>) {add = true}
      %eq3A = arith.constant 0 : i32
      %eq3A_292 = arith.cmpi eq, %arg0, %eq3A : i32
      %convert_element_type3A = arith.extui %eq3A_292 : i1 to i32
      %cond3A = arith.constant 0 : i32
      %cond3A_293 = arith.cmpi ne, %convert_element_type3A, %cond3A : i32
      scf.if %cond3A_293 {
        %dma_start3A_534 = arith.constant 0 : i32
        %dma_start3A_535 = arith.constant 0 : i32
        %dma_start3A_536 = tpu.memref_slice %arg11[%dma_start3A_534, %dma_start3A_535] : memref<10x80xi32, #tpu.memory_space<vmem>> -> memref<1x80xi32, #tpu.memory_space<vmem>>
        %dma_start3A_537 = tpu.memref_squeeze %dma_start3A_536 : memref<1x80xi32, #tpu.memory_space<vmem>> -> memref<80xi32, #tpu.memory_space<vmem>>
        %dma_start3A_538 = arith.constant 0 : i32
        %dma_start3A_539 = arith.constant 0 : i32
        %dma_start3A_540 = tpu.memref_slice %arg15[%dma_start3A_538, %dma_start3A_539] : memref<10240x16xf32, #tpu.memory_space<vmem_shared>> -> memref<10240x16xf32, #tpu.memory_space<vmem_shared>>
        tpu.enqueue_indirect_dma source(%arg13 : memref<80x16xf32, #tpu.memory_space<vmem>>) target(%dma_start3A_540 : memref<10240x16xf32, #tpu.memory_space<vmem_shared>>) offsets(%dma_start3A_537 : memref<80xi32, #tpu.memory_space<vmem>>) semaphore(%arg21 : memref<!tpu.dma_semaphore, #tpu.memory_space<semaphore_mem>>) {add = true}
        %dma_start3A_541 = arith.constant 1 : i32
        %dma_start3A_542 = arith.constant 0 : i32
        %dma_start3A_543 = tpu.memref_slice %arg11[%dma_start3A_541, %dma_start3A_542] : memref<10x80xi32, #tpu.memory_space<vmem>> -> memref<1x80xi32, #tpu.memory_space<vmem>>
        %dma_start3A_544 = tpu.memref_squeeze %dma_start3A_543 : memref<1x80xi32, #tpu.memory_space<vmem>> -> memref<80xi32, #tpu.memory_space<vmem>>
        %dma_start3A_545 = arith.constant 0 : i32
        %dma_start3A_546 = arith.constant 0 : i32
        %dma_start3A_547 = tpu.memref_slice %arg15[%dma_start3A_545, %dma_start3A_546] : memref<10240x16xf32, #tpu.memory_space<vmem_shared>> -> memref<10240x16xf32, #tpu.memory_space<vmem_shared>>
        tpu.enqueue_indirect_dma source(%arg13 : memref<80x16xf32, #tpu.memory_space<vmem>>) target(%dma_start3A_547 : memref<10240x16xf32, #tpu.memory_space<vmem_shared>>) offsets(%dma_start3A_544 : memref<80xi32, #tpu.memory_space<vmem>>) semaphore(%arg21 : memref<!tpu.dma_semaphore, #tpu.memory_space<semaphore_mem>>) {add = true}
        %dma_start3A_548 = arith.constant 2 : i32
        %dma_start3A_549 = arith.constant 0 : i32
        %dma_start3A_550 = tpu.memref_slice %arg11[%dma_start3A_548, %dma_start3A_549] : memref<10x80xi32, #tpu.memory_space<vmem>> -> memref<1x80xi32, #tpu.memory_space<vmem>>
        %dma_start3A_551 = tpu.memref_squeeze %dma_start3A_550 : memref<1x80xi32, #tpu.memory_space<vmem>> -> memref<80xi32, #tpu.memory_space<vmem>>
        %dma_start3A_552 = arith.constant 0 : i32
        %dma_start3A_553 = arith.constant 0 : i32
        %dma_start3A_554 = tpu.memref_slice %arg15[%dma_start3A_552, %dma_start3A_553] : memref<10240x16xf32, #tpu.memory_space<vmem_shared>> -> memref<10240x16xf32, #tpu.memory_space<vmem_shared>>
        tpu.enqueue_indirect_dma source(%arg13 : memref<80x16xf32, #tpu.memory_space<vmem>>) target(%dma_start3A_554 : memref<10240x16xf32, #tpu.memory_space<vmem_shared>>) offsets(%dma_start3A_551 : memref<80xi32, #tpu.memory_space<vmem>>) semaphore(%arg21 : memref<!tpu.dma_semaphore, #tpu.memory_space<semaphore_mem>>) {add = true}
        %dma_start3A_555 = arith.constant 3 : i32
        %dma_start3A_556 = arith.constant 0 : i32
        %dma_start3A_557 = tpu.memref_slice %arg11[%dma_start3A_555, %dma_start3A_556] : memref<10x80xi32, #tpu.memory_space<vmem>> -> memref<1x80xi32, #tpu.memory_space<vmem>>
        %dma_start3A_558 = tpu.memref_squeeze %dma_start3A_557 : memref<1x80xi32, #tpu.memory_space<vmem>> -> memref<80xi32, #tpu.memory_space<vmem>>
        %dma_start3A_559 = arith.constant 0 : i32
        %dma_start3A_560 = arith.constant 0 : i32
        %dma_start3A_561 = tpu.memref_slice %arg15[%dma_start3A_559, %dma_start3A_560] : memref<10240x16xf32, #tpu.memory_space<vmem_shared>> -> memref<10240x16xf32, #tpu.memory_space<vmem_shared>>
        tpu.enqueue_indirect_dma source(%arg13 : memref<80x16xf32, #tpu.memory_space<vmem>>) target(%dma_start3A_561 : memref<10240x16xf32, #tpu.memory_space<vmem_shared>>) offsets(%dma_start3A_558 : memref<80xi32, #tpu.memory_space<vmem>>) semaphore(%arg21 : memref<!tpu.dma_semaphore, #tpu.memory_space<semaphore_mem>>) {add = true}
        %dma_start3A_562 = arith.constant 4 : i32
        %dma_start3A_563 = arith.constant 0 : i32
        %dma_start3A_564 = tpu.memref_slice %arg11[%dma_start3A_562, %dma_start3A_563] : memref<10x80xi32, #tpu.memory_space<vmem>> -> memref<1x80xi32, #tpu.memory_space<vmem>>
        %dma_start3A_565 = tpu.memref_squeeze %dma_start3A_564 : memref<1x80xi32, #tpu.memory_space<vmem>> -> memref<80xi32, #tpu.memory_space<vmem>>
        %dma_start3A_566 = arith.constant 0 : i32
        %dma_start3A_567 = arith.constant 0 : i32
        %dma_start3A_568 = tpu.memref_slice %arg15[%dma_start3A_566, %dma_start3A_567] : memref<10240x16xf32, #tpu.memory_space<vmem_shared>> -> memref<10240x16xf32, #tpu.memory_space<vmem_shared>>
        tpu.enqueue_indirect_dma source(%arg13 : memref<80x16xf32, #tpu.memory_space<vmem>>) target(%dma_start3A_568 : memref<10240x16xf32, #tpu.memory_space<vmem_shared>>) offsets(%dma_start3A_565 : memref<80xi32, #tpu.memory_space<vmem>>) semaphore(%arg21 : memref<!tpu.dma_semaphore, #tpu.memory_space<semaphore_mem>>) {add = true}
        %dma_wait3A_569 = arith.constant 0 : i32
        %dma_wait3A_570 = arith.constant 0 : i32
        %dma_wait3A_571 = tpu.memref_slice %arg11[%dma_wait3A_569, %dma_wait3A_570] : memref<10x80xi32, #tpu.memory_space<vmem>> -> memref<1x80xi32, #tpu.memory_space<vmem>>
        %dma_wait3A_572 = tpu.memref_squeeze %dma_wait3A_571 : memref<1x80xi32, #tpu.memory_space<vmem>> -> memref<80xi32, #tpu.memory_space<vmem>>
        %dma_wait3A_573 = arith.constant 0 : i32
        %dma_wait3A_574 = arith.constant 0 : i32
        %dma_wait3A_575 = tpu.memref_slice %arg15[%dma_wait3A_573, %dma_wait3A_574] : memref<10240x16xf32, #tpu.memory_space<vmem_shared>> -> memref<10240x16xf32, #tpu.memory_space<vmem_shared>>
        tpu.wait_indirect_dma semaphore(%arg21 : memref<!tpu.dma_semaphore, #tpu.memory_space<semaphore_mem>>) src(%arg13 : memref<80x16xf32, #tpu.memory_space<vmem>>) dst(%dma_wait3A_575 : memref<10240x16xf32, #tpu.memory_space<vmem_shared>>)
        %dma_wait3A_576 = arith.constant 1 : i32
        %dma_wait3A_577 = arith.constant 0 : i32
        %dma_wait3A_578 = tpu.memref_slice %arg11[%dma_wait3A_576, %dma_wait3A_577] : memref<10x80xi32, #tpu.memory_space<vmem>> -> memref<1x80xi32, #tpu.memory_space<vmem>>
        %dma_wait3A_579 = tpu.memref_squeeze %dma_wait3A_578 : memref<1x80xi32, #tpu.memory_space<vmem>> -> memref<80xi32, #tpu.memory_space<vmem>>
        %dma_wait3A_580 = arith.constant 0 : i32
        %dma_wait3A_581 = arith.constant 0 : i32
        %dma_wait3A_582 = tpu.memref_slice %arg15[%dma_wait3A_580, %dma_wait3A_581] : memref<10240x16xf32, #tpu.memory_space<vmem_shared>> -> memref<10240x16xf32, #tpu.memory_space<vmem_shared>>
        tpu.wait_indirect_dma semaphore(%arg21 : memref<!tpu.dma_semaphore, #tpu.memory_space<semaphore_mem>>) src(%arg13 : memref<80x16xf32, #tpu.memory_space<vmem>>) dst(%dma_wait3A_582 : memref<10240x16xf32, #tpu.memory_space<vmem_shared>>)
        %dma_wait3A_583 = arith.constant 2 : i32
        %dma_wait3A_584 = arith.constant 0 : i32
        %dma_wait3A_585 = tpu.memref_slice %arg11[%dma_wait3A_583, %dma_wait3A_584] : memref<10x80xi32, #tpu.memory_space<vmem>> -> memref<1x80xi32, #tpu.memory_space<vmem>>
        %dma_wait3A_586 = tpu.memref_squeeze %dma_wait3A_585 : memref<1x80xi32, #tpu.memory_space<vmem>> -> memref<80xi32, #tpu.memory_space<vmem>>
        %dma_wait3A_587 = arith.constant 0 : i32
        %dma_wait3A_588 = arith.constant 0 : i32
        %dma_wait3A_589 = tpu.memref_slice %arg15[%dma_wait3A_587, %dma_wait3A_588] : memref<10240x16xf32, #tpu.memory_space<vmem_shared>> -> memref<10240x16xf32, #tpu.memory_space<vmem_shared>>
        tpu.wait_indirect_dma semaphore(%arg21 : memref<!tpu.dma_semaphore, #tpu.memory_space<semaphore_mem>>) src(%arg13 : memref<80x16xf32, #tpu.memory_space<vmem>>) dst(%dma_wait3A_589 : memref<10240x16xf32, #tpu.memory_space<vmem_shared>>)
        %dma_wait3A_590 = arith.constant 3 : i32
        %dma_wait3A_591 = arith.constant 0 : i32
        %dma_wait3A_592 = tpu.memref_slice %arg11[%dma_wait3A_590, %dma_wait3A_591] : memref<10x80xi32, #tpu.memory_space<vmem>> -> memref<1x80xi32, #tpu.memory_space<vmem>>
        %dma_wait3A_593 = tpu.memref_squeeze %dma_wait3A_592 : memref<1x80xi32, #tpu.memory_space<vmem>> -> memref<80xi32, #tpu.memory_space<vmem>>
        %dma_wait3A_594 = arith.constant 0 : i32
        %dma_wait3A_595 = arith.constant 0 : i32
        %dma_wait3A_596 = tpu.memref_slice %arg15[%dma_wait3A_594, %dma_wait3A_595] : memref<10240x16xf32, #tpu.memory_space<vmem_shared>> -> memref<10240x16xf32, #tpu.memory_space<vmem_shared>>
        tpu.wait_indirect_dma semaphore(%arg21 : memref<!tpu.dma_semaphore, #tpu.memory_space<semaphore_mem>>) src(%arg13 : memref<80x16xf32, #tpu.memory_space<vmem>>) dst(%dma_wait3A_596 : memref<10240x16xf32, #tpu.memory_space<vmem_shared>>)
        %dma_wait3A_597 = arith.constant 4 : i32
        %dma_wait3A_598 = arith.constant 0 : i32
        %dma_wait3A_599 = tpu.memref_slice %arg11[%dma_wait3A_597, %dma_wait3A_598] : memref<10x80xi32, #tpu.memory_space<vmem>> -> memref<1x80xi32, #tpu.memory_space<vmem>>
        %dma_wait3A_600 = tpu.memref_squeeze %dma_wait3A_599 : memref<1x80xi32, #tpu.memory_space<vmem>> -> memref<80xi32, #tpu.memory_space<vmem>>
        %dma_wait3A_601 = arith.constant 0 : i32
        %dma_wait3A_602 = arith.constant 0 : i32
        %dma_wait3A_603 = tpu.memref_slice %arg15[%dma_wait3A_601, %dma_wait3A_602] : memref<10240x16xf32, #tpu.memory_space<vmem_shared>> -> memref<10240x16xf32, #tpu.memory_space<vmem_shared>>
        tpu.wait_indirect_dma semaphore(%arg21 : memref<!tpu.dma_semaphore, #tpu.memory_space<semaphore_mem>>) src(%arg13 : memref<80x16xf32, #tpu.memory_space<vmem>>) dst(%dma_wait3A_603 : memref<10240x16xf32, #tpu.memory_space<vmem_shared>>)
      } else {
      }
      %eq3A_294 = arith.constant 1 : i32
      %eq3A_295 = arith.cmpi eq, %arg0, %eq3A_294 : i32
      %convert_element_type3A_296 = arith.extui %eq3A_295 : i1 to i32
      %cond3A_297 = arith.constant 0 : i32
      %cond3A_298 = arith.cmpi ne, %convert_element_type3A_296, %cond3A_297 : i32
      scf.if %cond3A_298 {
        %dma_start3A_534 = arith.constant 5 : i32
        %dma_start3A_535 = arith.constant 0 : i32
        %dma_start3A_536 = tpu.memref_slice %arg11[%dma_start3A_534, %dma_start3A_535] : memref<10x80xi32, #tpu.memory_space<vmem>> -> memref<1x80xi32, #tpu.memory_space<vmem>>
        %dma_start3A_537 = tpu.memref_squeeze %dma_start3A_536 : memref<1x80xi32, #tpu.memory_space<vmem>> -> memref<80xi32, #tpu.memory_space<vmem>>
        %dma_start3A_538 = arith.constant 0 : i32
        %dma_start3A_539 = arith.constant 0 : i32
        %dma_start3A_540 = tpu.memref_slice %arg15[%dma_start3A_538, %dma_start3A_539] : memref<10240x16xf32, #tpu.memory_space<vmem_shared>> -> memref<10240x16xf32, #tpu.memory_space<vmem_shared>>
        tpu.enqueue_indirect_dma source(%arg13 : memref<80x16xf32, #tpu.memory_space<vmem>>) target(%dma_start3A_540 : memref<10240x16xf32, #tpu.memory_space<vmem_shared>>) offsets(%dma_start3A_537 : memref<80xi32, #tpu.memory_space<vmem>>) semaphore(%arg21 : memref<!tpu.dma_semaphore, #tpu.memory_space<semaphore_mem>>) {add = true}
        %dma_start3A_541 = arith.constant 6 : i32
        %dma_start3A_542 = arith.constant 0 : i32
        %dma_start3A_543 = tpu.memref_slice %arg11[%dma_start3A_541, %dma_start3A_542] : memref<10x80xi32, #tpu.memory_space<vmem>> -> memref<1x80xi32, #tpu.memory_space<vmem>>
        %dma_start3A_544 = tpu.memref_squeeze %dma_start3A_543 : memref<1x80xi32, #tpu.memory_space<vmem>> -> memref<80xi32, #tpu.memory_space<vmem>>
        %dma_start3A_545 = arith.constant 0 : i32
        %dma_start3A_546 = arith.constant 0 : i32
        %dma_start3A_547 = tpu.memref_slice %arg15[%dma_start3A_545, %dma_start3A_546] : memref<10240x16xf32, #tpu.memory_space<vmem_shared>> -> memref<10240x16xf32, #tpu.memory_space<vmem_shared>>
        tpu.enqueue_indirect_dma source(%arg13 : memref<80x16xf32, #tpu.memory_space<vmem>>) target(%dma_start3A_547 : memref<10240x16xf32, #tpu.memory_space<vmem_shared>>) offsets(%dma_start3A_544 : memref<80xi32, #tpu.memory_space<vmem>>) semaphore(%arg21 : memref<!tpu.dma_semaphore, #tpu.memory_space<semaphore_mem>>) {add = true}
        %dma_start3A_548 = arith.constant 7 : i32
        %dma_start3A_549 = arith.constant 0 : i32
        %dma_start3A_550 = tpu.memref_slice %arg11[%dma_start3A_548, %dma_start3A_549] : memref<10x80xi32, #tpu.memory_space<vmem>> -> memref<1x80xi32, #tpu.memory_space<vmem>>
        %dma_start3A_551 = tpu.memref_squeeze %dma_start3A_550 : memref<1x80xi32, #tpu.memory_space<vmem>> -> memref<80xi32, #tpu.memory_space<vmem>>
        %dma_start3A_552 = arith.constant 0 : i32
        %dma_start3A_553 = arith.constant 0 : i32
        %dma_start3A_554 = tpu.memref_slice %arg15[%dma_start3A_552, %dma_start3A_553] : memref<10240x16xf32, #tpu.memory_space<vmem_shared>> -> memref<10240x16xf32, #tpu.memory_space<vmem_shared>>
        tpu.enqueue_indirect_dma source(%arg13 : memref<80x16xf32, #tpu.memory_space<vmem>>) target(%dma_start3A_554 : memref<10240x16xf32, #tpu.memory_space<vmem_shared>>) offsets(%dma_start3A_551 : memref<80xi32, #tpu.memory_space<vmem>>) semaphore(%arg21 : memref<!tpu.dma_semaphore, #tpu.memory_space<semaphore_mem>>) {add = true}
        %dma_start3A_555 = arith.constant 8 : i32
        %dma_start3A_556 = arith.constant 0 : i32
        %dma_start3A_557 = tpu.memref_slice %arg11[%dma_start3A_555, %dma_start3A_556] : memref<10x80xi32, #tpu.memory_space<vmem>> -> memref<1x80xi32, #tpu.memory_space<vmem>>
        %dma_start3A_558 = tpu.memref_squeeze %dma_start3A_557 : memref<1x80xi32, #tpu.memory_space<vmem>> -> memref<80xi32, #tpu.memory_space<vmem>>
        %dma_start3A_559 = arith.constant 0 : i32
        %dma_start3A_560 = arith.constant 0 : i32
        %dma_start3A_561 = tpu.memref_slice %arg15[%dma_start3A_559, %dma_start3A_560] : memref<10240x16xf32, #tpu.memory_space<vmem_shared>> -> memref<10240x16xf32, #tpu.memory_space<vmem_shared>>
        tpu.enqueue_indirect_dma source(%arg13 : memref<80x16xf32, #tpu.memory_space<vmem>>) target(%dma_start3A_561 : memref<10240x16xf32, #tpu.memory_space<vmem_shared>>) offsets(%dma_start3A_558 : memref<80xi32, #tpu.memory_space<vmem>>) semaphore(%arg21 : memref<!tpu.dma_semaphore, #tpu.memory_space<semaphore_mem>>) {add = true}
        %dma_start3A_562 = arith.constant 9 : i32
        %dma_start3A_563 = arith.constant 0 : i32
        %dma_start3A_564 = tpu.memref_slice %arg11[%dma_start3A_562, %dma_start3A_563] : memref<10x80xi32, #tpu.memory_space<vmem>> -> memref<1x80xi32, #tpu.memory_space<vmem>>
        %dma_start3A_565 = tpu.memref_squeeze %dma_start3A_564 : memref<1x80xi32, #tpu.memory_space<vmem>> -> memref<80xi32, #tpu.memory_space<vmem>>
        %dma_start3A_566 = arith.constant 0 : i32
        %dma_start3A_567 = arith.constant 0 : i32
        %dma_start3A_568 = tpu.memref_slice %arg15[%dma_start3A_566, %dma_start3A_567] : memref<10240x16xf32, #tpu.memory_space<vmem_shared>> -> memref<10240x16xf32, #tpu.memory_space<vmem_shared>>
        tpu.enqueue_indirect_dma source(%arg13 : memref<80x16xf32, #tpu.memory_space<vmem>>) target(%dma_start3A_568 : memref<10240x16xf32, #tpu.memory_space<vmem_shared>>) offsets(%dma_start3A_565 : memref<80xi32, #tpu.memory_space<vmem>>) semaphore(%arg21 : memref<!tpu.dma_semaphore, #tpu.memory_space<semaphore_mem>>) {add = true}
        %dma_wait3A_569 = arith.constant 5 : i32
        %dma_wait3A_570 = arith.constant 0 : i32
        %dma_wait3A_571 = tpu.memref_slice %arg11[%dma_wait3A_569, %dma_wait3A_570] : memref<10x80xi32, #tpu.memory_space<vmem>> -> memref<1x80xi32, #tpu.memory_space<vmem>>
        %dma_wait3A_572 = tpu.memref_squeeze %dma_wait3A_571 : memref<1x80xi32, #tpu.memory_space<vmem>> -> memref<80xi32, #tpu.memory_space<vmem>>
        %dma_wait3A_573 = arith.constant 0 : i32
        %dma_wait3A_574 = arith.constant 0 : i32
        %dma_wait3A_575 = tpu.memref_slice %arg15[%dma_wait3A_573, %dma_wait3A_574] : memref<10240x16xf32, #tpu.memory_space<vmem_shared>> -> memref<10240x16xf32, #tpu.memory_space<vmem_shared>>
        tpu.wait_indirect_dma semaphore(%arg21 : memref<!tpu.dma_semaphore, #tpu.memory_space<semaphore_mem>>) src(%arg13 : memref<80x16xf32, #tpu.memory_space<vmem>>) dst(%dma_wait3A_575 : memref<10240x16xf32, #tpu.memory_space<vmem_shared>>)
        %dma_wait3A_576 = arith.constant 6 : i32
        %dma_wait3A_577 = arith.constant 0 : i32
        %dma_wait3A_578 = tpu.memref_slice %arg11[%dma_wait3A_576, %dma_wait3A_577] : memref<10x80xi32, #tpu.memory_space<vmem>> -> memref<1x80xi32, #tpu.memory_space<vmem>>
        %dma_wait3A_579 = tpu.memref_squeeze %dma_wait3A_578 : memref<1x80xi32, #tpu.memory_space<vmem>> -> memref<80xi32, #tpu.memory_space<vmem>>
        %dma_wait3A_580 = arith.constant 0 : i32
        %dma_wait3A_581 = arith.constant 0 : i32
        %dma_wait3A_582 = tpu.memref_slice %arg15[%dma_wait3A_580, %dma_wait3A_581] : memref<10240x16xf32, #tpu.memory_space<vmem_shared>> -> memref<10240x16xf32, #tpu.memory_space<vmem_shared>>
        tpu.wait_indirect_dma semaphore(%arg21 : memref<!tpu.dma_semaphore, #tpu.memory_space<semaphore_mem>>) src(%arg13 : memref<80x16xf32, #tpu.memory_space<vmem>>) dst(%dma_wait3A_582 : memref<10240x16xf32, #tpu.memory_space<vmem_shared>>)
        %dma_wait3A_583 = arith.constant 7 : i32
        %dma_wait3A_584 = arith.constant 0 : i32
        %dma_wait3A_585 = tpu.memref_slice %arg11[%dma_wait3A_583, %dma_wait3A_584] : memref<10x80xi32, #tpu.memory_space<vmem>> -> memref<1x80xi32, #tpu.memory_space<vmem>>
        %dma_wait3A_586 = tpu.memref_squeeze %dma_wait3A_585 : memref<1x80xi32, #tpu.memory_space<vmem>> -> memref<80xi32, #tpu.memory_space<vmem>>
        %dma_wait3A_587 = arith.constant 0 : i32
        %dma_wait3A_588 = arith.constant 0 : i32
        %dma_wait3A_589 = tpu.memref_slice %arg15[%dma_wait3A_587, %dma_wait3A_588] : memref<10240x16xf32, #tpu.memory_space<vmem_shared>> -> memref<10240x16xf32, #tpu.memory_space<vmem_shared>>
        tpu.wait_indirect_dma semaphore(%arg21 : memref<!tpu.dma_semaphore, #tpu.memory_space<semaphore_mem>>) src(%arg13 : memref<80x16xf32, #tpu.memory_space<vmem>>) dst(%dma_wait3A_589 : memref<10240x16xf32, #tpu.memory_space<vmem_shared>>)
        %dma_wait3A_590 = arith.constant 8 : i32
        %dma_wait3A_591 = arith.constant 0 : i32
        %dma_wait3A_592 = tpu.memref_slice %arg11[%dma_wait3A_590, %dma_wait3A_591] : memref<10x80xi32, #tpu.memory_space<vmem>> -> memref<1x80xi32, #tpu.memory_space<vmem>>
        %dma_wait3A_593 = tpu.memref_squeeze %dma_wait3A_592 : memref<1x80xi32, #tpu.memory_space<vmem>> -> memref<80xi32, #tpu.memory_space<vmem>>
        %dma_wait3A_594 = arith.constant 0 : i32
        %dma_wait3A_595 = arith.constant 0 : i32
        %dma_wait3A_596 = tpu.memref_slice %arg15[%dma_wait3A_594, %dma_wait3A_595] : memref<10240x16xf32, #tpu.memory_space<vmem_shared>> -> memref<10240x16xf32, #tpu.memory_space<vmem_shared>>
        tpu.wait_indirect_dma semaphore(%arg21 : memref<!tpu.dma_semaphore, #tpu.memory_space<semaphore_mem>>) src(%arg13 : memref<80x16xf32, #tpu.memory_space<vmem>>) dst(%dma_wait3A_596 : memref<10240x16xf32, #tpu.memory_space<vmem_shared>>)
        %dma_wait3A_597 = arith.constant 9 : i32
        %dma_wait3A_598 = arith.constant 0 : i32
        %dma_wait3A_599 = tpu.memref_slice %arg11[%dma_wait3A_597, %dma_wait3A_598] : memref<10x80xi32, #tpu.memory_space<vmem>> -> memref<1x80xi32, #tpu.memory_space<vmem>>
        %dma_wait3A_600 = tpu.memref_squeeze %dma_wait3A_599 : memref<1x80xi32, #tpu.memory_space<vmem>> -> memref<80xi32, #tpu.memory_space<vmem>>
        %dma_wait3A_601 = arith.constant 0 : i32
        %dma_wait3A_602 = arith.constant 0 : i32
        %dma_wait3A_603 = tpu.memref_slice %arg15[%dma_wait3A_601, %dma_wait3A_602] : memref<10240x16xf32, #tpu.memory_space<vmem_shared>> -> memref<10240x16xf32, #tpu.memory_space<vmem_shared>>
        tpu.wait_indirect_dma semaphore(%arg21 : memref<!tpu.dma_semaphore, #tpu.memory_space<semaphore_mem>>) src(%arg13 : memref<80x16xf32, #tpu.memory_space<vmem>>) dst(%dma_wait3A_603 : memref<10240x16xf32, #tpu.memory_space<vmem_shared>>)
      } else {
      }
      %dma_wait3A_299 = arith.constant 5 : i32
      %dma_wait3A_300 = arith.constant 0 : i32
      %dma_wait3A_301 = arith.constant 0 : i32
      %dma_wait3A_302 = tpu.memref_slice %arg12[%dma_wait3A_299, %dma_wait3A_300, %dma_wait3A_301] : memref<10x80x64xf32, #tpu.memory_space<vmem>> -> memref<1x80x64xf32, #tpu.memory_space<vmem>>
      %dma_wait3A_303 = tpu.memref_squeeze %dma_wait3A_302 : memref<1x80x64xf32, #tpu.memory_space<vmem>> -> memref<80x64xf32, #tpu.memory_space<vmem>>
      %dma_wait3A_304 = arith.constant 0 : i32
      %dma_wait3A_305 = tpu.memref_slice %arg10[%add3A_98, %dma_wait3A_304] : memref<250x80xi32, #tpu.memory_space<vmem>> -> memref<1x80xi32, #tpu.memory_space<vmem>>
      %dma_wait3A_306 = tpu.memref_squeeze %dma_wait3A_305 : memref<1x80xi32, #tpu.memory_space<vmem>> -> memref<80xi32, #tpu.memory_space<vmem>>
      %dma_wait3A_307 = arith.constant 0 : i32
      %dma_wait3A_308 = arith.constant 0 : i32
      %dma_wait3A_309 = tpu.memref_slice %arg4[%dma_wait3A_307, %dma_wait3A_308] : memref<20000x64xf32, #tpu.memory_space<hbm>> -> memref<20000x64xf32, #tpu.memory_space<hbm>>
      tpu.wait_indirect_dma semaphore(%arg18 : memref<!tpu.dma_semaphore, #tpu.memory_space<semaphore_mem>>) src(%dma_wait3A_309 : memref<20000x64xf32, #tpu.memory_space<hbm>>) dst(%dma_wait3A_303 : memref<80x64xf32, #tpu.memory_space<vmem>>)
      %dma_wait3A_310 = arith.constant 6 : i32
      %dma_wait3A_311 = arith.constant 0 : i32
      %dma_wait3A_312 = arith.constant 0 : i32
      %dma_wait3A_313 = tpu.memref_slice %arg12[%dma_wait3A_310, %dma_wait3A_311, %dma_wait3A_312] : memref<10x80x64xf32, #tpu.memory_space<vmem>> -> memref<1x80x64xf32, #tpu.memory_space<vmem>>
      %dma_wait3A_314 = tpu.memref_squeeze %dma_wait3A_313 : memref<1x80x64xf32, #tpu.memory_space<vmem>> -> memref<80x64xf32, #tpu.memory_space<vmem>>
      %dma_wait3A_315 = arith.constant 0 : i32
      %dma_wait3A_316 = tpu.memref_slice %arg10[%add3A_113, %dma_wait3A_315] : memref<250x80xi32, #tpu.memory_space<vmem>> -> memref<1x80xi32, #tpu.memory_space<vmem>>
      %dma_wait3A_317 = tpu.memref_squeeze %dma_wait3A_316 : memref<1x80xi32, #tpu.memory_space<vmem>> -> memref<80xi32, #tpu.memory_space<vmem>>
      %dma_wait3A_318 = arith.constant 0 : i32
      %dma_wait3A_319 = arith.constant 0 : i32
      %dma_wait3A_320 = tpu.memref_slice %arg4[%dma_wait3A_318, %dma_wait3A_319] : memref<20000x64xf32, #tpu.memory_space<hbm>> -> memref<20000x64xf32, #tpu.memory_space<hbm>>
      tpu.wait_indirect_dma semaphore(%arg18 : memref<!tpu.dma_semaphore, #tpu.memory_space<semaphore_mem>>) src(%dma_wait3A_320 : memref<20000x64xf32, #tpu.memory_space<hbm>>) dst(%dma_wait3A_314 : memref<80x64xf32, #tpu.memory_space<vmem>>)
      %dma_wait3A_321 = arith.constant 7 : i32
      %dma_wait3A_322 = arith.constant 0 : i32
      %dma_wait3A_323 = arith.constant 0 : i32
      %dma_wait3A_324 = tpu.memref_slice %arg12[%dma_wait3A_321, %dma_wait3A_322, %dma_wait3A_323] : memref<10x80x64xf32, #tpu.memory_space<vmem>> -> memref<1x80x64xf32, #tpu.memory_space<vmem>>
      %dma_wait3A_325 = tpu.memref_squeeze %dma_wait3A_324 : memref<1x80x64xf32, #tpu.memory_space<vmem>> -> memref<80x64xf32, #tpu.memory_space<vmem>>
      %dma_wait3A_326 = arith.constant 0 : i32
      %dma_wait3A_327 = tpu.memref_slice %arg10[%add3A_128, %dma_wait3A_326] : memref<250x80xi32, #tpu.memory_space<vmem>> -> memref<1x80xi32, #tpu.memory_space<vmem>>
      %dma_wait3A_328 = tpu.memref_squeeze %dma_wait3A_327 : memref<1x80xi32, #tpu.memory_space<vmem>> -> memref<80xi32, #tpu.memory_space<vmem>>
      %dma_wait3A_329 = arith.constant 0 : i32
      %dma_wait3A_330 = arith.constant 0 : i32
      %dma_wait3A_331 = tpu.memref_slice %arg4[%dma_wait3A_329, %dma_wait3A_330] : memref<20000x64xf32, #tpu.memory_space<hbm>> -> memref<20000x64xf32, #tpu.memory_space<hbm>>
      tpu.wait_indirect_dma semaphore(%arg18 : memref<!tpu.dma_semaphore, #tpu.memory_space<semaphore_mem>>) src(%dma_wait3A_331 : memref<20000x64xf32, #tpu.memory_space<hbm>>) dst(%dma_wait3A_325 : memref<80x64xf32, #tpu.memory_space<vmem>>)
      %dma_wait3A_332 = arith.constant 8 : i32
      %dma_wait3A_333 = arith.constant 0 : i32
      %dma_wait3A_334 = arith.constant 0 : i32
      %dma_wait3A_335 = tpu.memref_slice %arg12[%dma_wait3A_332, %dma_wait3A_333, %dma_wait3A_334] : memref<10x80x64xf32, #tpu.memory_space<vmem>> -> memref<1x80x64xf32, #tpu.memory_space<vmem>>
      %dma_wait3A_336 = tpu.memref_squeeze %dma_wait3A_335 : memref<1x80x64xf32, #tpu.memory_space<vmem>> -> memref<80x64xf32, #tpu.memory_space<vmem>>
      %dma_wait3A_337 = arith.constant 0 : i32
      %dma_wait3A_338 = tpu.memref_slice %arg10[%add3A_143, %dma_wait3A_337] : memref<250x80xi32, #tpu.memory_space<vmem>> -> memref<1x80xi32, #tpu.memory_space<vmem>>
      %dma_wait3A_339 = tpu.memref_squeeze %dma_wait3A_338 : memref<1x80xi32, #tpu.memory_space<vmem>> -> memref<80xi32, #tpu.memory_space<vmem>>
      %dma_wait3A_340 = arith.constant 0 : i32
      %dma_wait3A_341 = arith.constant 0 : i32
      %dma_wait3A_342 = tpu.memref_slice %arg4[%dma_wait3A_340, %dma_wait3A_341] : memref<20000x64xf32, #tpu.memory_space<hbm>> -> memref<20000x64xf32, #tpu.memory_space<hbm>>
      tpu.wait_indirect_dma semaphore(%arg18 : memref<!tpu.dma_semaphore, #tpu.memory_space<semaphore_mem>>) src(%dma_wait3A_342 : memref<20000x64xf32, #tpu.memory_space<hbm>>) dst(%dma_wait3A_336 : memref<80x64xf32, #tpu.memory_space<vmem>>)
      %dma_wait3A_343 = arith.constant 9 : i32
      %dma_wait3A_344 = arith.constant 0 : i32
      %dma_wait3A_345 = arith.constant 0 : i32
      %dma_wait3A_346 = tpu.memref_slice %arg12[%dma_wait3A_343, %dma_wait3A_344, %dma_wait3A_345] : memref<10x80x64xf32, #tpu.memory_space<vmem>> -> memref<1x80x64xf32, #tpu.memory_space<vmem>>
      %dma_wait3A_347 = tpu.memref_squeeze %dma_wait3A_346 : memref<1x80x64xf32, #tpu.memory_space<vmem>> -> memref<80x64xf32, #tpu.memory_space<vmem>>
      %dma_wait3A_348 = arith.constant 0 : i32
      %dma_wait3A_349 = tpu.memref_slice %arg10[%add3A_158, %dma_wait3A_348] : memref<250x80xi32, #tpu.memory_space<vmem>> -> memref<1x80xi32, #tpu.memory_space<vmem>>
      %dma_wait3A_350 = tpu.memref_squeeze %dma_wait3A_349 : memref<1x80xi32, #tpu.memory_space<vmem>> -> memref<80xi32, #tpu.memory_space<vmem>>
      %dma_wait3A_351 = arith.constant 0 : i32
      %dma_wait3A_352 = arith.constant 0 : i32
      %dma_wait3A_353 = tpu.memref_slice %arg4[%dma_wait3A_351, %dma_wait3A_352] : memref<20000x64xf32, #tpu.memory_space<hbm>> -> memref<20000x64xf32, #tpu.memory_space<hbm>>
      tpu.wait_indirect_dma semaphore(%arg18 : memref<!tpu.dma_semaphore, #tpu.memory_space<semaphore_mem>>) src(%dma_wait3A_353 : memref<20000x64xf32, #tpu.memory_space<hbm>>) dst(%dma_wait3A_347 : memref<80x64xf32, #tpu.memory_space<vmem>>)
      %dma_start3A_354 = arith.constant 5 : i32
      %dma_start3A_355 = arith.constant 5 : i32
      %dma_start3A_356 = arith.constant 0 : i32
      %dma_start3A_357 = arith.constant 0 : i32
      %dma_start3A_358 = tpu.memref_slice %arg12[%dma_start3A_354, %dma_start3A_356, %dma_start3A_357] : memref<10x80x64xf32, #tpu.memory_space<vmem>> -> memref<1x80x64xf32, #tpu.memory_space<vmem>>
      %dma_start3A_359 = tpu.memref_squeeze %dma_start3A_358 : memref<1x80x64xf32, #tpu.memory_space<vmem>> -> memref<80x64xf32, #tpu.memory_space<vmem>>
      %dma_start3A_360 = arith.constant 0 : i32
      %dma_start3A_361 = tpu.memref_slice %arg11[%dma_start3A_355, %dma_start3A_360] : memref<10x80xi32, #tpu.memory_space<vmem>> -> memref<1x80xi32, #tpu.memory_space<vmem>>
      %dma_start3A_362 = tpu.memref_squeeze %dma_start3A_361 : memref<1x80xi32, #tpu.memory_space<vmem>> -> memref<80xi32, #tpu.memory_space<vmem>>
      %dma_start3A_363 = arith.constant 0 : i32
      %dma_start3A_364 = arith.constant 0 : i32
      %dma_start3A_365 = tpu.memref_slice %arg14[%dma_start3A_363, %dma_start3A_364] : memref<10240x64xf32, #tpu.memory_space<vmem_shared>> -> memref<10240x64xf32, #tpu.memory_space<vmem_shared>>
      tpu.enqueue_indirect_dma source(%dma_start3A_359 : memref<80x64xf32, #tpu.memory_space<vmem>>) target(%dma_start3A_365 : memref<10240x64xf32, #tpu.memory_space<vmem_shared>>) offsets(%dma_start3A_362 : memref<80xi32, #tpu.memory_space<vmem>>) semaphore(%arg20 : memref<!tpu.dma_semaphore, #tpu.memory_space<semaphore_mem>>) {add = true}
      %dma_start3A_366 = arith.constant 6 : i32
      %dma_start3A_367 = arith.constant 6 : i32
      %dma_start3A_368 = arith.constant 0 : i32
      %dma_start3A_369 = arith.constant 0 : i32
      %dma_start3A_370 = tpu.memref_slice %arg12[%dma_start3A_366, %dma_start3A_368, %dma_start3A_369] : memref<10x80x64xf32, #tpu.memory_space<vmem>> -> memref<1x80x64xf32, #tpu.memory_space<vmem>>
      %dma_start3A_371 = tpu.memref_squeeze %dma_start3A_370 : memref<1x80x64xf32, #tpu.memory_space<vmem>> -> memref<80x64xf32, #tpu.memory_space<vmem>>
      %dma_start3A_372 = arith.constant 0 : i32
      %dma_start3A_373 = tpu.memref_slice %arg11[%dma_start3A_367, %dma_start3A_372] : memref<10x80xi32, #tpu.memory_space<vmem>> -> memref<1x80xi32, #tpu.memory_space<vmem>>
      %dma_start3A_374 = tpu.memref_squeeze %dma_start3A_373 : memref<1x80xi32, #tpu.memory_space<vmem>> -> memref<80xi32, #tpu.memory_space<vmem>>
      %dma_start3A_375 = arith.constant 0 : i32
      %dma_start3A_376 = arith.constant 0 : i32
      %dma_start3A_377 = tpu.memref_slice %arg14[%dma_start3A_375, %dma_start3A_376] : memref<10240x64xf32, #tpu.memory_space<vmem_shared>> -> memref<10240x64xf32, #tpu.memory_space<vmem_shared>>
      tpu.enqueue_indirect_dma source(%dma_start3A_371 : memref<80x64xf32, #tpu.memory_space<vmem>>) target(%dma_start3A_377 : memref<10240x64xf32, #tpu.memory_space<vmem_shared>>) offsets(%dma_start3A_374 : memref<80xi32, #tpu.memory_space<vmem>>) semaphore(%arg20 : memref<!tpu.dma_semaphore, #tpu.memory_space<semaphore_mem>>) {add = true}
      %dma_start3A_378 = arith.constant 7 : i32
      %dma_start3A_379 = arith.constant 7 : i32
      %dma_start3A_380 = arith.constant 0 : i32
      %dma_start3A_381 = arith.constant 0 : i32
      %dma_start3A_382 = tpu.memref_slice %arg12[%dma_start3A_378, %dma_start3A_380, %dma_start3A_381] : memref<10x80x64xf32, #tpu.memory_space<vmem>> -> memref<1x80x64xf32, #tpu.memory_space<vmem>>
      %dma_start3A_383 = tpu.memref_squeeze %dma_start3A_382 : memref<1x80x64xf32, #tpu.memory_space<vmem>> -> memref<80x64xf32, #tpu.memory_space<vmem>>
      %dma_start3A_384 = arith.constant 0 : i32
      %dma_start3A_385 = tpu.memref_slice %arg11[%dma_start3A_379, %dma_start3A_384] : memref<10x80xi32, #tpu.memory_space<vmem>> -> memref<1x80xi32, #tpu.memory_space<vmem>>
      %dma_start3A_386 = tpu.memref_squeeze %dma_start3A_385 : memref<1x80xi32, #tpu.memory_space<vmem>> -> memref<80xi32, #tpu.memory_space<vmem>>
      %dma_start3A_387 = arith.constant 0 : i32
      %dma_start3A_388 = arith.constant 0 : i32
      %dma_start3A_389 = tpu.memref_slice %arg14[%dma_start3A_387, %dma_start3A_388] : memref<10240x64xf32, #tpu.memory_space<vmem_shared>> -> memref<10240x64xf32, #tpu.memory_space<vmem_shared>>
      tpu.enqueue_indirect_dma source(%dma_start3A_383 : memref<80x64xf32, #tpu.memory_space<vmem>>) target(%dma_start3A_389 : memref<10240x64xf32, #tpu.memory_space<vmem_shared>>) offsets(%dma_start3A_386 : memref<80xi32, #tpu.memory_space<vmem>>) semaphore(%arg20 : memref<!tpu.dma_semaphore, #tpu.memory_space<semaphore_mem>>) {add = true}
      %dma_start3A_390 = arith.constant 8 : i32
      %dma_start3A_391 = arith.constant 8 : i32
      %dma_start3A_392 = arith.constant 0 : i32
      %dma_start3A_393 = arith.constant 0 : i32
      %dma_start3A_394 = tpu.memref_slice %arg12[%dma_start3A_390, %dma_start3A_392, %dma_start3A_393] : memref<10x80x64xf32, #tpu.memory_space<vmem>> -> memref<1x80x64xf32, #tpu.memory_space<vmem>>
      %dma_start3A_395 = tpu.memref_squeeze %dma_start3A_394 : memref<1x80x64xf32, #tpu.memory_space<vmem>> -> memref<80x64xf32, #tpu.memory_space<vmem>>
      %dma_start3A_396 = arith.constant 0 : i32
      %dma_start3A_397 = tpu.memref_slice %arg11[%dma_start3A_391, %dma_start3A_396] : memref<10x80xi32, #tpu.memory_space<vmem>> -> memref<1x80xi32, #tpu.memory_space<vmem>>
      %dma_start3A_398 = tpu.memref_squeeze %dma_start3A_397 : memref<1x80xi32, #tpu.memory_space<vmem>> -> memref<80xi32, #tpu.memory_space<vmem>>
      %dma_start3A_399 = arith.constant 0 : i32
      %dma_start3A_400 = arith.constant 0 : i32
      %dma_start3A_401 = tpu.memref_slice %arg14[%dma_start3A_399, %dma_start3A_400] : memref<10240x64xf32, #tpu.memory_space<vmem_shared>> -> memref<10240x64xf32, #tpu.memory_space<vmem_shared>>
      tpu.enqueue_indirect_dma source(%dma_start3A_395 : memref<80x64xf32, #tpu.memory_space<vmem>>) target(%dma_start3A_401 : memref<10240x64xf32, #tpu.memory_space<vmem_shared>>) offsets(%dma_start3A_398 : memref<80xi32, #tpu.memory_space<vmem>>) semaphore(%arg20 : memref<!tpu.dma_semaphore, #tpu.memory_space<semaphore_mem>>) {add = true}
      %dma_start3A_402 = arith.constant 9 : i32
      %dma_start3A_403 = arith.constant 9 : i32
      %dma_start3A_404 = arith.constant 0 : i32
      %dma_start3A_405 = arith.constant 0 : i32
      %dma_start3A_406 = tpu.memref_slice %arg12[%dma_start3A_402, %dma_start3A_404, %dma_start3A_405] : memref<10x80x64xf32, #tpu.memory_space<vmem>> -> memref<1x80x64xf32, #tpu.memory_space<vmem>>
      %dma_start3A_407 = tpu.memref_squeeze %dma_start3A_406 : memref<1x80x64xf32, #tpu.memory_space<vmem>> -> memref<80x64xf32, #tpu.memory_space<vmem>>
      %dma_start3A_408 = arith.constant 0 : i32
      %dma_start3A_409 = tpu.memref_slice %arg11[%dma_start3A_403, %dma_start3A_408] : memref<10x80xi32, #tpu.memory_space<vmem>> -> memref<1x80xi32, #tpu.memory_space<vmem>>
      %dma_start3A_410 = tpu.memref_squeeze %dma_start3A_409 : memref<1x80xi32, #tpu.memory_space<vmem>> -> memref<80xi32, #tpu.memory_space<vmem>>
      %dma_start3A_411 = arith.constant 0 : i32
      %dma_start3A_412 = arith.constant 0 : i32
      %dma_start3A_413 = tpu.memref_slice %arg14[%dma_start3A_411, %dma_start3A_412] : memref<10240x64xf32, #tpu.memory_space<vmem_shared>> -> memref<10240x64xf32, #tpu.memory_space<vmem_shared>>
      tpu.enqueue_indirect_dma source(%dma_start3A_407 : memref<80x64xf32, #tpu.memory_space<vmem>>) target(%dma_start3A_413 : memref<10240x64xf32, #tpu.memory_space<vmem_shared>>) offsets(%dma_start3A_410 : memref<80xi32, #tpu.memory_space<vmem>>) semaphore(%arg20 : memref<!tpu.dma_semaphore, #tpu.memory_space<semaphore_mem>>) {add = true}
      %dma_wait3A_414 = arith.constant 0 : i32
      %dma_wait3A_415 = arith.constant 0 : i32
      %dma_wait3A_416 = arith.constant 0 : i32
      %dma_wait3A_417 = arith.constant 0 : i32
      %dma_wait3A_418 = tpu.memref_slice %arg12[%dma_wait3A_414, %dma_wait3A_416, %dma_wait3A_417] : memref<10x80x64xf32, #tpu.memory_space<vmem>> -> memref<1x80x64xf32, #tpu.memory_space<vmem>>
      %dma_wait3A_419 = tpu.memref_squeeze %dma_wait3A_418 : memref<1x80x64xf32, #tpu.memory_space<vmem>> -> memref<80x64xf32, #tpu.memory_space<vmem>>
      %dma_wait3A_420 = arith.constant 0 : i32
      %dma_wait3A_421 = tpu.memref_slice %arg11[%dma_wait3A_415, %dma_wait3A_420] : memref<10x80xi32, #tpu.memory_space<vmem>> -> memref<1x80xi32, #tpu.memory_space<vmem>>
      %dma_wait3A_422 = tpu.memref_squeeze %dma_wait3A_421 : memref<1x80xi32, #tpu.memory_space<vmem>> -> memref<80xi32, #tpu.memory_space<vmem>>
      %dma_wait3A_423 = arith.constant 0 : i32
      %dma_wait3A_424 = arith.constant 0 : i32
      %dma_wait3A_425 = tpu.memref_slice %arg14[%dma_wait3A_423, %dma_wait3A_424] : memref<10240x64xf32, #tpu.memory_space<vmem_shared>> -> memref<10240x64xf32, #tpu.memory_space<vmem_shared>>
      tpu.wait_indirect_dma semaphore(%arg19 : memref<!tpu.dma_semaphore, #tpu.memory_space<semaphore_mem>>) src(%dma_wait3A_419 : memref<80x64xf32, #tpu.memory_space<vmem>>) dst(%dma_wait3A_425 : memref<10240x64xf32, #tpu.memory_space<vmem_shared>>)
      %dma_wait3A_426 = arith.constant 1 : i32
      %dma_wait3A_427 = arith.constant 1 : i32
      %dma_wait3A_428 = arith.constant 0 : i32
      %dma_wait3A_429 = arith.constant 0 : i32
      %dma_wait3A_430 = tpu.memref_slice %arg12[%dma_wait3A_426, %dma_wait3A_428, %dma_wait3A_429] : memref<10x80x64xf32, #tpu.memory_space<vmem>> -> memref<1x80x64xf32, #tpu.memory_space<vmem>>
      %dma_wait3A_431 = tpu.memref_squeeze %dma_wait3A_430 : memref<1x80x64xf32, #tpu.memory_space<vmem>> -> memref<80x64xf32, #tpu.memory_space<vmem>>
      %dma_wait3A_432 = arith.constant 0 : i32
      %dma_wait3A_433 = tpu.memref_slice %arg11[%dma_wait3A_427, %dma_wait3A_432] : memref<10x80xi32, #tpu.memory_space<vmem>> -> memref<1x80xi32, #tpu.memory_space<vmem>>
      %dma_wait3A_434 = tpu.memref_squeeze %dma_wait3A_433 : memref<1x80xi32, #tpu.memory_space<vmem>> -> memref<80xi32, #tpu.memory_space<vmem>>
      %dma_wait3A_435 = arith.constant 0 : i32
      %dma_wait3A_436 = arith.constant 0 : i32
      %dma_wait3A_437 = tpu.memref_slice %arg14[%dma_wait3A_435, %dma_wait3A_436] : memref<10240x64xf32, #tpu.memory_space<vmem_shared>> -> memref<10240x64xf32, #tpu.memory_space<vmem_shared>>
      tpu.wait_indirect_dma semaphore(%arg19 : memref<!tpu.dma_semaphore, #tpu.memory_space<semaphore_mem>>) src(%dma_wait3A_431 : memref<80x64xf32, #tpu.memory_space<vmem>>) dst(%dma_wait3A_437 : memref<10240x64xf32, #tpu.memory_space<vmem_shared>>)
      %dma_wait3A_438 = arith.constant 2 : i32
      %dma_wait3A_439 = arith.constant 2 : i32
      %dma_wait3A_440 = arith.constant 0 : i32
      %dma_wait3A_441 = arith.constant 0 : i32
      %dma_wait3A_442 = tpu.memref_slice %arg12[%dma_wait3A_438, %dma_wait3A_440, %dma_wait3A_441] : memref<10x80x64xf32, #tpu.memory_space<vmem>> -> memref<1x80x64xf32, #tpu.memory_space<vmem>>
      %dma_wait3A_443 = tpu.memref_squeeze %dma_wait3A_442 : memref<1x80x64xf32, #tpu.memory_space<vmem>> -> memref<80x64xf32, #tpu.memory_space<vmem>>
      %dma_wait3A_444 = arith.constant 0 : i32
      %dma_wait3A_445 = tpu.memref_slice %arg11[%dma_wait3A_439, %dma_wait3A_444] : memref<10x80xi32, #tpu.memory_space<vmem>> -> memref<1x80xi32, #tpu.memory_space<vmem>>
      %dma_wait3A_446 = tpu.memref_squeeze %dma_wait3A_445 : memref<1x80xi32, #tpu.memory_space<vmem>> -> memref<80xi32, #tpu.memory_space<vmem>>
      %dma_wait3A_447 = arith.constant 0 : i32
      %dma_wait3A_448 = arith.constant 0 : i32
      %dma_wait3A_449 = tpu.memref_slice %arg14[%dma_wait3A_447, %dma_wait3A_448] : memref<10240x64xf32, #tpu.memory_space<vmem_shared>> -> memref<10240x64xf32, #tpu.memory_space<vmem_shared>>
      tpu.wait_indirect_dma semaphore(%arg19 : memref<!tpu.dma_semaphore, #tpu.memory_space<semaphore_mem>>) src(%dma_wait3A_443 : memref<80x64xf32, #tpu.memory_space<vmem>>) dst(%dma_wait3A_449 : memref<10240x64xf32, #tpu.memory_space<vmem_shared>>)
      %dma_wait3A_450 = arith.constant 3 : i32
      %dma_wait3A_451 = arith.constant 3 : i32
      %dma_wait3A_452 = arith.constant 0 : i32
      %dma_wait3A_453 = arith.constant 0 : i32
      %dma_wait3A_454 = tpu.memref_slice %arg12[%dma_wait3A_450, %dma_wait3A_452, %dma_wait3A_453] : memref<10x80x64xf32, #tpu.memory_space<vmem>> -> memref<1x80x64xf32, #tpu.memory_space<vmem>>
      %dma_wait3A_455 = tpu.memref_squeeze %dma_wait3A_454 : memref<1x80x64xf32, #tpu.memory_space<vmem>> -> memref<80x64xf32, #tpu.memory_space<vmem>>
      %dma_wait3A_456 = arith.constant 0 : i32
      %dma_wait3A_457 = tpu.memref_slice %arg11[%dma_wait3A_451, %dma_wait3A_456] : memref<10x80xi32, #tpu.memory_space<vmem>> -> memref<1x80xi32, #tpu.memory_space<vmem>>
      %dma_wait3A_458 = tpu.memref_squeeze %dma_wait3A_457 : memref<1x80xi32, #tpu.memory_space<vmem>> -> memref<80xi32, #tpu.memory_space<vmem>>
      %dma_wait3A_459 = arith.constant 0 : i32
      %dma_wait3A_460 = arith.constant 0 : i32
      %dma_wait3A_461 = tpu.memref_slice %arg14[%dma_wait3A_459, %dma_wait3A_460] : memref<10240x64xf32, #tpu.memory_space<vmem_shared>> -> memref<10240x64xf32, #tpu.memory_space<vmem_shared>>
      tpu.wait_indirect_dma semaphore(%arg19 : memref<!tpu.dma_semaphore, #tpu.memory_space<semaphore_mem>>) src(%dma_wait3A_455 : memref<80x64xf32, #tpu.memory_space<vmem>>) dst(%dma_wait3A_461 : memref<10240x64xf32, #tpu.memory_space<vmem_shared>>)
      %dma_wait3A_462 = arith.constant 4 : i32
      %dma_wait3A_463 = arith.constant 4 : i32
      %dma_wait3A_464 = arith.constant 0 : i32
      %dma_wait3A_465 = arith.constant 0 : i32
      %dma_wait3A_466 = tpu.memref_slice %arg12[%dma_wait3A_462, %dma_wait3A_464, %dma_wait3A_465] : memref<10x80x64xf32, #tpu.memory_space<vmem>> -> memref<1x80x64xf32, #tpu.memory_space<vmem>>
      %dma_wait3A_467 = tpu.memref_squeeze %dma_wait3A_466 : memref<1x80x64xf32, #tpu.memory_space<vmem>> -> memref<80x64xf32, #tpu.memory_space<vmem>>
      %dma_wait3A_468 = arith.constant 0 : i32
      %dma_wait3A_469 = tpu.memref_slice %arg11[%dma_wait3A_463, %dma_wait3A_468] : memref<10x80xi32, #tpu.memory_space<vmem>> -> memref<1x80xi32, #tpu.memory_space<vmem>>
      %dma_wait3A_470 = tpu.memref_squeeze %dma_wait3A_469 : memref<1x80xi32, #tpu.memory_space<vmem>> -> memref<80xi32, #tpu.memory_space<vmem>>
      %dma_wait3A_471 = arith.constant 0 : i32
      %dma_wait3A_472 = arith.constant 0 : i32
      %dma_wait3A_473 = tpu.memref_slice %arg14[%dma_wait3A_471, %dma_wait3A_472] : memref<10240x64xf32, #tpu.memory_space<vmem_shared>> -> memref<10240x64xf32, #tpu.memory_space<vmem_shared>>
      tpu.wait_indirect_dma semaphore(%arg19 : memref<!tpu.dma_semaphore, #tpu.memory_space<semaphore_mem>>) src(%dma_wait3A_467 : memref<80x64xf32, #tpu.memory_space<vmem>>) dst(%dma_wait3A_473 : memref<10240x64xf32, #tpu.memory_space<vmem_shared>>)
      %dma_wait3A_474 = arith.constant 5 : i32
      %dma_wait3A_475 = arith.constant 5 : i32
      %dma_wait3A_476 = arith.constant 0 : i32
      %dma_wait3A_477 = arith.constant 0 : i32
      %dma_wait3A_478 = tpu.memref_slice %arg12[%dma_wait3A_474, %dma_wait3A_476, %dma_wait3A_477] : memref<10x80x64xf32, #tpu.memory_space<vmem>> -> memref<1x80x64xf32, #tpu.memory_space<vmem>>
      %dma_wait3A_479 = tpu.memref_squeeze %dma_wait3A_478 : memref<1x80x64xf32, #tpu.memory_space<vmem>> -> memref<80x64xf32, #tpu.memory_space<vmem>>
      %dma_wait3A_480 = arith.constant 0 : i32
      %dma_wait3A_481 = tpu.memref_slice %arg11[%dma_wait3A_475, %dma_wait3A_480] : memref<10x80xi32, #tpu.memory_space<vmem>> -> memref<1x80xi32, #tpu.memory_space<vmem>>
      %dma_wait3A_482 = tpu.memref_squeeze %dma_wait3A_481 : memref<1x80xi32, #tpu.memory_space<vmem>> -> memref<80xi32, #tpu.memory_space<vmem>>
      %dma_wait3A_483 = arith.constant 0 : i32
      %dma_wait3A_484 = arith.constant 0 : i32
      %dma_wait3A_485 = tpu.memref_slice %arg14[%dma_wait3A_483, %dma_wait3A_484] : memref<10240x64xf32, #tpu.memory_space<vmem_shared>> -> memref<10240x64xf32, #tpu.memory_space<vmem_shared>>
      tpu.wait_indirect_dma semaphore(%arg20 : memref<!tpu.dma_semaphore, #tpu.memory_space<semaphore_mem>>) src(%dma_wait3A_479 : memref<80x64xf32, #tpu.memory_space<vmem>>) dst(%dma_wait3A_485 : memref<10240x64xf32, #tpu.memory_space<vmem_shared>>)
      %dma_wait3A_486 = arith.constant 6 : i32
      %dma_wait3A_487 = arith.constant 6 : i32
      %dma_wait3A_488 = arith.constant 0 : i32
      %dma_wait3A_489 = arith.constant 0 : i32
      %dma_wait3A_490 = tpu.memref_slice %arg12[%dma_wait3A_486, %dma_wait3A_488, %dma_wait3A_489] : memref<10x80x64xf32, #tpu.memory_space<vmem>> -> memref<1x80x64xf32, #tpu.memory_space<vmem>>
      %dma_wait3A_491 = tpu.memref_squeeze %dma_wait3A_490 : memref<1x80x64xf32, #tpu.memory_space<vmem>> -> memref<80x64xf32, #tpu.memory_space<vmem>>
      %dma_wait3A_492 = arith.constant 0 : i32
      %dma_wait3A_493 = tpu.memref_slice %arg11[%dma_wait3A_487, %dma_wait3A_492] : memref<10x80xi32, #tpu.memory_space<vmem>> -> memref<1x80xi32, #tpu.memory_space<vmem>>
      %dma_wait3A_494 = tpu.memref_squeeze %dma_wait3A_493 : memref<1x80xi32, #tpu.memory_space<vmem>> -> memref<80xi32, #tpu.memory_space<vmem>>
      %dma_wait3A_495 = arith.constant 0 : i32
      %dma_wait3A_496 = arith.constant 0 : i32
      %dma_wait3A_497 = tpu.memref_slice %arg14[%dma_wait3A_495, %dma_wait3A_496] : memref<10240x64xf32, #tpu.memory_space<vmem_shared>> -> memref<10240x64xf32, #tpu.memory_space<vmem_shared>>
      tpu.wait_indirect_dma semaphore(%arg20 : memref<!tpu.dma_semaphore, #tpu.memory_space<semaphore_mem>>) src(%dma_wait3A_491 : memref<80x64xf32, #tpu.memory_space<vmem>>) dst(%dma_wait3A_497 : memref<10240x64xf32, #tpu.memory_space<vmem_shared>>)
      %dma_wait3A_498 = arith.constant 7 : i32
      %dma_wait3A_499 = arith.constant 7 : i32
      %dma_wait3A_500 = arith.constant 0 : i32
      %dma_wait3A_501 = arith.constant 0 : i32
      %dma_wait3A_502 = tpu.memref_slice %arg12[%dma_wait3A_498, %dma_wait3A_500, %dma_wait3A_501] : memref<10x80x64xf32, #tpu.memory_space<vmem>> -> memref<1x80x64xf32, #tpu.memory_space<vmem>>
      %dma_wait3A_503 = tpu.memref_squeeze %dma_wait3A_502 : memref<1x80x64xf32, #tpu.memory_space<vmem>> -> memref<80x64xf32, #tpu.memory_space<vmem>>
      %dma_wait3A_504 = arith.constant 0 : i32
      %dma_wait3A_505 = tpu.memref_slice %arg11[%dma_wait3A_499, %dma_wait3A_504] : memref<10x80xi32, #tpu.memory_space<vmem>> -> memref<1x80xi32, #tpu.memory_space<vmem>>
      %dma_wait3A_506 = tpu.memref_squeeze %dma_wait3A_505 : memref<1x80xi32, #tpu.memory_space<vmem>> -> memref<80xi32, #tpu.memory_space<vmem>>
      %dma_wait3A_507 = arith.constant 0 : i32
      %dma_wait3A_508 = arith.constant 0 : i32
      %dma_wait3A_509 = tpu.memref_slice %arg14[%dma_wait3A_507, %dma_wait3A_508] : memref<10240x64xf32, #tpu.memory_space<vmem_shared>> -> memref<10240x64xf32, #tpu.memory_space<vmem_shared>>
      tpu.wait_indirect_dma semaphore(%arg20 : memref<!tpu.dma_semaphore, #tpu.memory_space<semaphore_mem>>) src(%dma_wait3A_503 : memref<80x64xf32, #tpu.memory_space<vmem>>) dst(%dma_wait3A_509 : memref<10240x64xf32, #tpu.memory_space<vmem_shared>>)
      %dma_wait3A_510 = arith.constant 8 : i32
      %dma_wait3A_511 = arith.constant 8 : i32
      %dma_wait3A_512 = arith.constant 0 : i32
      %dma_wait3A_513 = arith.constant 0 : i32
      %dma_wait3A_514 = tpu.memref_slice %arg12[%dma_wait3A_510, %dma_wait3A_512, %dma_wait3A_513] : memref<10x80x64xf32, #tpu.memory_space<vmem>> -> memref<1x80x64xf32, #tpu.memory_space<vmem>>
      %dma_wait3A_515 = tpu.memref_squeeze %dma_wait3A_514 : memref<1x80x64xf32, #tpu.memory_space<vmem>> -> memref<80x64xf32, #tpu.memory_space<vmem>>
      %dma_wait3A_516 = arith.constant 0 : i32
      %dma_wait3A_517 = tpu.memref_slice %arg11[%dma_wait3A_511, %dma_wait3A_516] : memref<10x80xi32, #tpu.memory_space<vmem>> -> memref<1x80xi32, #tpu.memory_space<vmem>>
      %dma_wait3A_518 = tpu.memref_squeeze %dma_wait3A_517 : memref<1x80xi32, #tpu.memory_space<vmem>> -> memref<80xi32, #tpu.memory_space<vmem>>
      %dma_wait3A_519 = arith.constant 0 : i32
      %dma_wait3A_520 = arith.constant 0 : i32
      %dma_wait3A_521 = tpu.memref_slice %arg14[%dma_wait3A_519, %dma_wait3A_520] : memref<10240x64xf32, #tpu.memory_space<vmem_shared>> -> memref<10240x64xf32, #tpu.memory_space<vmem_shared>>
      tpu.wait_indirect_dma semaphore(%arg20 : memref<!tpu.dma_semaphore, #tpu.memory_space<semaphore_mem>>) src(%dma_wait3A_515 : memref<80x64xf32, #tpu.memory_space<vmem>>) dst(%dma_wait3A_521 : memref<10240x64xf32, #tpu.memory_space<vmem_shared>>)
      %dma_wait3A_522 = arith.constant 9 : i32
      %dma_wait3A_523 = arith.constant 9 : i32
      %dma_wait3A_524 = arith.constant 0 : i32
      %dma_wait3A_525 = arith.constant 0 : i32
      %dma_wait3A_526 = tpu.memref_slice %arg12[%dma_wait3A_522, %dma_wait3A_524, %dma_wait3A_525] : memref<10x80x64xf32, #tpu.memory_space<vmem>> -> memref<1x80x64xf32, #tpu.memory_space<vmem>>
      %dma_wait3A_527 = tpu.memref_squeeze %dma_wait3A_526 : memref<1x80x64xf32, #tpu.memory_space<vmem>> -> memref<80x64xf32, #tpu.memory_space<vmem>>
      %dma_wait3A_528 = arith.constant 0 : i32
      %dma_wait3A_529 = tpu.memref_slice %arg11[%dma_wait3A_523, %dma_wait3A_528] : memref<10x80xi32, #tpu.memory_space<vmem>> -> memref<1x80xi32, #tpu.memory_space<vmem>>
      %dma_wait3A_530 = tpu.memref_squeeze %dma_wait3A_529 : memref<1x80xi32, #tpu.memory_space<vmem>> -> memref<80xi32, #tpu.memory_space<vmem>>
      %dma_wait3A_531 = arith.constant 0 : i32
      %dma_wait3A_532 = arith.constant 0 : i32
      %dma_wait3A_533 = tpu.memref_slice %arg14[%dma_wait3A_531, %dma_wait3A_532] : memref<10240x64xf32, #tpu.memory_space<vmem_shared>> -> memref<10240x64xf32, #tpu.memory_space<vmem_shared>>
      tpu.wait_indirect_dma semaphore(%arg20 : memref<!tpu.dma_semaphore, #tpu.memory_space<semaphore_mem>>) src(%dma_wait3A_527 : memref<80x64xf32, #tpu.memory_space<vmem>>) dst(%dma_wait3A_533 : memref<10240x64xf32, #tpu.memory_space<vmem_shared>>)
    }
    %scan3A_11 = arith.constant 25 : i32
    %barrier3A_12 = arith.constant 0 : index
    tpu.barrier barrier_id(%barrier3A_12)
    "tpu.region"() ({
      %run_scoped3A = tpu.sem_alloc : memref<!tpu.dma_semaphore, #tpu.memory_space<semaphore_mem>>
      %dma_start3A = arith.constant 0 : i32
      %dma_start3A_13 = tpu.memref_slice %arg8[%arg0, %mul3A_0, %dma_start3A] : memref<2x10240x64xf32, #tpu.memory_space<hbm>> -> memref<1x640x64xf32, #tpu.memory_space<hbm>>
      %dma_start3A_14 = tpu.memref_squeeze %dma_start3A_13 : memref<1x640x64xf32, #tpu.memory_space<hbm>> -> memref<640x64xf32, #tpu.memory_space<hbm>>
      %dma_start3A_15 = arith.constant 0 : i32
      %dma_start3A_16 = tpu.memref_slice %arg14[%mul3A_0, %dma_start3A_15] : memref<10240x64xf32, #tpu.memory_space<vmem_shared>> -> memref<640x64xf32, #tpu.memory_space<vmem_shared>>
      tpu.enqueue_dma source(%dma_start3A_16 : memref<640x64xf32, #tpu.memory_space<vmem_shared>>) target(%dma_start3A_14 : memref<640x64xf32, #tpu.memory_space<hbm>>) target_semaphore(%run_scoped3A : memref<!tpu.dma_semaphore, #tpu.memory_space<semaphore_mem>>)
      %dma_wait3A = arith.constant 0 : i32
      %dma_wait3A_17 = tpu.memref_slice %arg8[%arg0, %mul3A_0, %dma_wait3A] : memref<2x10240x64xf32, #tpu.memory_space<hbm>> -> memref<1x640x64xf32, #tpu.memory_space<hbm>>
      %dma_wait3A_18 = tpu.memref_squeeze %dma_wait3A_17 : memref<1x640x64xf32, #tpu.memory_space<hbm>> -> memref<640x64xf32, #tpu.memory_space<hbm>>
      %dma_wait3A_19 = arith.constant 0 : i32
      %dma_wait3A_20 = tpu.memref_slice %arg14[%mul3A_0, %dma_wait3A_19] : memref<10240x64xf32, #tpu.memory_space<vmem_shared>> -> memref<640x64xf32, #tpu.memory_space<vmem_shared>>
      tpu.wait_dma2 semaphore(%run_scoped3A : memref<!tpu.dma_semaphore, #tpu.memory_space<semaphore_mem>>) src(%dma_wait3A_20 : memref<640x64xf32, #tpu.memory_space<vmem_shared>>) dst(%dma_wait3A_18 : memref<640x64xf32, #tpu.memory_space<hbm>>)
      tpu.yield
    }) : () -> ()
    "tpu.region"() ({
      %run_scoped3A = tpu.sem_alloc : memref<!tpu.dma_semaphore, #tpu.memory_space<semaphore_mem>>
      %dma_start3A = arith.constant 0 : i32
      %dma_start3A_13 = tpu.memref_slice %arg9[%arg0, %mul3A_0, %dma_start3A] : memref<2x10240x16xf32, #tpu.memory_space<hbm>> -> memref<1x640x16xf32, #tpu.memory_space<hbm>>
      %dma_start3A_14 = tpu.memref_squeeze %dma_start3A_13 : memref<1x640x16xf32, #tpu.memory_space<hbm>> -> memref<640x16xf32, #tpu.memory_space<hbm>>
      %dma_start3A_15 = arith.constant 0 : i32
      %dma_start3A_16 = tpu.memref_slice %arg15[%mul3A_0, %dma_start3A_15] : memref<10240x16xf32, #tpu.memory_space<vmem_shared>> -> memref<640x16xf32, #tpu.memory_space<vmem_shared>>
      tpu.enqueue_dma source(%dma_start3A_16 : memref<640x16xf32, #tpu.memory_space<vmem_shared>>) target(%dma_start3A_14 : memref<640x16xf32, #tpu.memory_space<hbm>>) target_semaphore(%run_scoped3A : memref<!tpu.dma_semaphore, #tpu.memory_space<semaphore_mem>>)
      %dma_wait3A = arith.constant 0 : i32
      %dma_wait3A_17 = tpu.memref_slice %arg9[%arg0, %mul3A_0, %dma_wait3A] : memref<2x10240x16xf32, #tpu.memory_space<hbm>> -> memref<1x640x16xf32, #tpu.memory_space<hbm>>
      %dma_wait3A_18 = tpu.memref_squeeze %dma_wait3A_17 : memref<1x640x16xf32, #tpu.memory_space<hbm>> -> memref<640x16xf32, #tpu.memory_space<hbm>>
      %dma_wait3A_19 = arith.constant 0 : i32
      %dma_wait3A_20 = tpu.memref_slice %arg15[%mul3A_0, %dma_wait3A_19] : memref<10240x16xf32, #tpu.memory_space<vmem_shared>> -> memref<640x16xf32, #tpu.memory_space<vmem_shared>>
      tpu.wait_dma2 semaphore(%run_scoped3A : memref<!tpu.dma_semaphore, #tpu.memory_space<semaphore_mem>>) src(%dma_wait3A_20 : memref<640x16xf32, #tpu.memory_space<vmem_shared>>) dst(%dma_wait3A_18 : memref<640x16xf32, #tpu.memory_space<hbm>>)
      tpu.yield
    }) : () -> ()
    return
  }
}

#map = affine_map<(d0, d1) -> (0, 0, 0, 0)>
#map1 = affine_map<(d0, d1) -> (0, 0)>
#map2 = affine_map<(d0, d1) -> (0, 0, 0)>
module attributes {stable_mosaic.version = 14 : i64} {
  func.func @k(%arg0: i32, %arg1: i32, %arg2: memref<16x25x10x80xi32, #tpu.memory_space<hbm>>, %arg3: memref<320000x16xf32, #tpu.memory_space<hbm>>, %arg4: memref<640x16xf32, #tpu.memory_space<hbm>>, %arg5: memref<2x10240x16xf32, #tpu.memory_space<hbm>>, %arg6: memref<10x80xi32, #tpu.memory_space<vmem>>, %arg7: memref<10x80x16xf32, #tpu.memory_space<vmem>>, %arg8: memref<10240x16xf32, #tpu.memory_space<vmem_shared>>, %arg9: memref<!tpu.dma_semaphore, #tpu.memory_space<semaphore_mem>>, %arg10: memref<!tpu.dma_semaphore, #tpu.memory_space<semaphore_mem>>, %arg11: memref<!tpu.dma_semaphore, #tpu.memory_space<semaphore_mem>>) attributes {dimension_semantics = [#tpu.dimension_semantics<core_parallel>, #tpu.dimension_semantics<subcore_parallel>], iteration_bounds = array<i64: 2, 16>, scalar_prefetch = 0 : i64, scratch_operands = 6 : i64, tpu.core_type = #tpu.core_type<sc_vector_subcore>, window_params = [{transform_indices = #map}, {transform_indices = #map1}, {transform_indices = #map1}, {transform_indices = #map2}]} {
    %mul3A = arith.constant 640 : i32
    %mul3A_0 = arith.muli %arg1, %mul3A : i32
    "tpu.region"() ({
      %run_scoped3A = tpu.sem_alloc : memref<!tpu.dma_semaphore, #tpu.memory_space<semaphore_mem>>
      %dma_start3A = arith.constant 0 : i32
      %dma_start3A_7 = tpu.memref_slice %arg8[%mul3A_0, %dma_start3A] : memref<10240x16xf32, #tpu.memory_space<vmem_shared>> -> memref<640x16xf32, #tpu.memory_space<vmem_shared>>
      tpu.enqueue_dma source(%arg4 : memref<640x16xf32, #tpu.memory_space<hbm>>) target(%dma_start3A_7 : memref<640x16xf32, #tpu.memory_space<vmem_shared>>) target_semaphore(%run_scoped3A : memref<!tpu.dma_semaphore, #tpu.memory_space<semaphore_mem>>)
      %dma_wait3A = arith.constant 0 : i32
      %dma_wait3A_8 = tpu.memref_slice %arg8[%mul3A_0, %dma_wait3A] : memref<10240x16xf32, #tpu.memory_space<vmem_shared>> -> memref<640x16xf32, #tpu.memory_space<vmem_shared>>
      tpu.wait_dma2 semaphore(%run_scoped3A : memref<!tpu.dma_semaphore, #tpu.memory_space<semaphore_mem>>) src(%arg4 : memref<640x16xf32, #tpu.memory_space<hbm>>) dst(%dma_wait3A_8 : memref<640x16xf32, #tpu.memory_space<vmem_shared>>)
      tpu.yield
    }) : () -> ()
    %barrier3A = arith.constant 0 : index
    tpu.barrier barrier_id(%barrier3A)
    %scan3A = arith.constant 0 : i32
    %scan3A_1 = arith.constant 0 : i32
    %scan3A_2 = arith.constant 13 : i32
    %scan3A_3 = arith.addi %scan3A_1, %scan3A_2 : i32
    %scan3A_4 = arith.constant 1 : i32
    scf.for %scan3A_7 = %scan3A_1 to %scan3A_3 step %scan3A_4  : i32 {
      %mul3A_8 = arith.constant 2 : i32
      %mul3A_9 = arith.muli %mul3A_8, %scan3A_7 : i32
      %add3A = arith.addi %mul3A_9, %arg0 : i32
      %lt3A = arith.constant 25 : i32
      %lt3A_10 = arith.cmpi slt, %add3A, %lt3A : i32
      %convert_element_type3A = arith.extui %lt3A_10 : i1 to i32
      %cond3A = arith.constant 0 : i32
      %cond3A_11 = arith.cmpi ne, %convert_element_type3A, %cond3A : i32
      scf.if %cond3A_11 {
        %dma_start3A = arith.constant 0 : i32
        %dma_start3A_12 = arith.constant 0 : i32
        %dma_start3A_13 = tpu.memref_slice %arg2[%arg1, %add3A, %dma_start3A, %dma_start3A_12] : memref<16x25x10x80xi32, #tpu.memory_space<hbm>> -> memref<1x1x10x80xi32, #tpu.memory_space<hbm>>
        %dma_start3A_14 = tpu.memref_squeeze %dma_start3A_13 : memref<1x1x10x80xi32, #tpu.memory_space<hbm>> -> memref<10x80xi32, #tpu.memory_space<hbm>>
        %dma_start3A_15 = arith.constant 0 : i32
        %dma_start3A_16 = arith.constant 0 : i32
        %dma_start3A_17 = tpu.memref_slice %arg2[%arg1, %add3A, %dma_start3A_15, %dma_start3A_16] : memref<16x25x10x80xi32, #tpu.memory_space<hbm>> -> memref<1x1x10x80xi32, #tpu.memory_space<hbm>>
        %dma_start3A_18 = tpu.memref_squeeze %dma_start3A_17 : memref<1x1x10x80xi32, #tpu.memory_space<hbm>> -> memref<10x80xi32, #tpu.memory_space<hbm>>
        tpu.enqueue_dma source(%dma_start3A_18 : memref<10x80xi32, #tpu.memory_space<hbm>>) target(%arg6 : memref<10x80xi32, #tpu.memory_space<vmem>>) target_semaphore(%arg9 : memref<!tpu.dma_semaphore, #tpu.memory_space<semaphore_mem>>)
        %mul3A_19 = arith.constant 250 : i32
        %mul3A_20 = arith.muli %arg1, %mul3A_19 : i32
        %mul3A_21 = arith.constant 10 : i32
        %mul3A_22 = arith.muli %add3A, %mul3A_21 : i32
        %add3A_23 = arith.addi %mul3A_20, %mul3A_22 : i32
        %add3A_24 = arith.constant 0 : i32
        %add3A_25 = arith.addi %add3A_23, %add3A_24 : i32
        %mul3A_26 = arith.constant 80 : i32
        %mul3A_27 = arith.muli %add3A_25, %mul3A_26 : i32
        %dma_start3A_28 = arith.constant 0 : i32
        %dma_start3A_29 = arith.constant 0 : i32
        %dma_start3A_30 = arith.constant 0 : i32
        %dma_start3A_31 = tpu.memref_slice %arg7[%dma_start3A_28, %dma_start3A_29, %dma_start3A_30] : memref<10x80x16xf32, #tpu.memory_space<vmem>> -> memref<1x80x16xf32, #tpu.memory_space<vmem>>
        %dma_start3A_32 = tpu.memref_squeeze %dma_start3A_31 : memref<1x80x16xf32, #tpu.memory_space<vmem>> -> memref<80x16xf32, #tpu.memory_space<vmem>>
        %dma_start3A_33 = arith.constant 0 : i32
        %dma_start3A_34 = tpu.memref_slice %arg3[%mul3A_27, %dma_start3A_33] : memref<320000x16xf32, #tpu.memory_space<hbm>> -> memref<80x16xf32, #tpu.memory_space<hbm>>
        %dma_start3A_35 = arith.constant 0 : i32
        %dma_start3A_36 = arith.constant 0 : i32
        %dma_start3A_37 = tpu.memref_slice %arg7[%dma_start3A_28, %dma_start3A_35, %dma_start3A_36] : memref<10x80x16xf32, #tpu.memory_space<vmem>> -> memref<1x80x16xf32, #tpu.memory_space<vmem>>
        %dma_start3A_38 = tpu.memref_squeeze %dma_start3A_37 : memref<1x80x16xf32, #tpu.memory_space<vmem>> -> memref<80x16xf32, #tpu.memory_space<vmem>>
        %dma_start3A_39 = arith.constant 0 : i32
        %dma_start3A_40 = tpu.memref_slice %arg3[%mul3A_27, %dma_start3A_39] : memref<320000x16xf32, #tpu.memory_space<hbm>> -> memref<80x16xf32, #tpu.memory_space<hbm>>
        tpu.enqueue_dma source(%dma_start3A_40 : memref<80x16xf32, #tpu.memory_space<hbm>>) target(%dma_start3A_38 : memref<80x16xf32, #tpu.memory_space<vmem>>) target_semaphore(%arg10 : memref<!tpu.dma_semaphore, #tpu.memory_space<semaphore_mem>>)
        %mul3A_41 = arith.constant 250 : i32
        %mul3A_42 = arith.muli %arg1, %mul3A_41 : i32
        %mul3A_43 = arith.constant 10 : i32
        %mul3A_44 = arith.muli %add3A, %mul3A_43 : i32
        %add3A_45 = arith.addi %mul3A_42, %mul3A_44 : i32
        %add3A_46 = arith.constant 1 : i32
        %add3A_47 = arith.addi %add3A_45, %add3A_46 : i32
        %mul3A_48 = arith.constant 80 : i32
        %mul3A_49 = arith.muli %add3A_47, %mul3A_48 : i32
        %dma_start3A_50 = arith.constant 1 : i32
        %dma_start3A_51 = arith.constant 0 : i32
        %dma_start3A_52 = arith.constant 0 : i32
        %dma_start3A_53 = tpu.memref_slice %arg7[%dma_start3A_50, %dma_start3A_51, %dma_start3A_52] : memref<10x80x16xf32, #tpu.memory_space<vmem>> -> memref<1x80x16xf32, #tpu.memory_space<vmem>>
        %dma_start3A_54 = tpu.memref_squeeze %dma_start3A_53 : memref<1x80x16xf32, #tpu.memory_space<vmem>> -> memref<80x16xf32, #tpu.memory_space<vmem>>
        %dma_start3A_55 = arith.constant 0 : i32
        %dma_start3A_56 = tpu.memref_slice %arg3[%mul3A_49, %dma_start3A_55] : memref<320000x16xf32, #tpu.memory_space<hbm>> -> memref<80x16xf32, #tpu.memory_space<hbm>>
        %dma_start3A_57 = arith.constant 0 : i32
        %dma_start3A_58 = arith.constant 0 : i32
        %dma_start3A_59 = tpu.memref_slice %arg7[%dma_start3A_50, %dma_start3A_57, %dma_start3A_58] : memref<10x80x16xf32, #tpu.memory_space<vmem>> -> memref<1x80x16xf32, #tpu.memory_space<vmem>>
        %dma_start3A_60 = tpu.memref_squeeze %dma_start3A_59 : memref<1x80x16xf32, #tpu.memory_space<vmem>> -> memref<80x16xf32, #tpu.memory_space<vmem>>
        %dma_start3A_61 = arith.constant 0 : i32
        %dma_start3A_62 = tpu.memref_slice %arg3[%mul3A_49, %dma_start3A_61] : memref<320000x16xf32, #tpu.memory_space<hbm>> -> memref<80x16xf32, #tpu.memory_space<hbm>>
        tpu.enqueue_dma source(%dma_start3A_62 : memref<80x16xf32, #tpu.memory_space<hbm>>) target(%dma_start3A_60 : memref<80x16xf32, #tpu.memory_space<vmem>>) target_semaphore(%arg10 : memref<!tpu.dma_semaphore, #tpu.memory_space<semaphore_mem>>)
        %mul3A_63 = arith.constant 250 : i32
        %mul3A_64 = arith.muli %arg1, %mul3A_63 : i32
        %mul3A_65 = arith.constant 10 : i32
        %mul3A_66 = arith.muli %add3A, %mul3A_65 : i32
        %add3A_67 = arith.addi %mul3A_64, %mul3A_66 : i32
        %add3A_68 = arith.constant 2 : i32
        %add3A_69 = arith.addi %add3A_67, %add3A_68 : i32
        %mul3A_70 = arith.constant 80 : i32
        %mul3A_71 = arith.muli %add3A_69, %mul3A_70 : i32
        %dma_start3A_72 = arith.constant 2 : i32
        %dma_start3A_73 = arith.constant 0 : i32
        %dma_start3A_74 = arith.constant 0 : i32
        %dma_start3A_75 = tpu.memref_slice %arg7[%dma_start3A_72, %dma_start3A_73, %dma_start3A_74] : memref<10x80x16xf32, #tpu.memory_space<vmem>> -> memref<1x80x16xf32, #tpu.memory_space<vmem>>
        %dma_start3A_76 = tpu.memref_squeeze %dma_start3A_75 : memref<1x80x16xf32, #tpu.memory_space<vmem>> -> memref<80x16xf32, #tpu.memory_space<vmem>>
        %dma_start3A_77 = arith.constant 0 : i32
        %dma_start3A_78 = tpu.memref_slice %arg3[%mul3A_71, %dma_start3A_77] : memref<320000x16xf32, #tpu.memory_space<hbm>> -> memref<80x16xf32, #tpu.memory_space<hbm>>
        %dma_start3A_79 = arith.constant 0 : i32
        %dma_start3A_80 = arith.constant 0 : i32
        %dma_start3A_81 = tpu.memref_slice %arg7[%dma_start3A_72, %dma_start3A_79, %dma_start3A_80] : memref<10x80x16xf32, #tpu.memory_space<vmem>> -> memref<1x80x16xf32, #tpu.memory_space<vmem>>
        %dma_start3A_82 = tpu.memref_squeeze %dma_start3A_81 : memref<1x80x16xf32, #tpu.memory_space<vmem>> -> memref<80x16xf32, #tpu.memory_space<vmem>>
        %dma_start3A_83 = arith.constant 0 : i32
        %dma_start3A_84 = tpu.memref_slice %arg3[%mul3A_71, %dma_start3A_83] : memref<320000x16xf32, #tpu.memory_space<hbm>> -> memref<80x16xf32, #tpu.memory_space<hbm>>
        tpu.enqueue_dma source(%dma_start3A_84 : memref<80x16xf32, #tpu.memory_space<hbm>>) target(%dma_start3A_82 : memref<80x16xf32, #tpu.memory_space<vmem>>) target_semaphore(%arg10 : memref<!tpu.dma_semaphore, #tpu.memory_space<semaphore_mem>>)
        %mul3A_85 = arith.constant 250 : i32
        %mul3A_86 = arith.muli %arg1, %mul3A_85 : i32
        %mul3A_87 = arith.constant 10 : i32
        %mul3A_88 = arith.muli %add3A, %mul3A_87 : i32
        %add3A_89 = arith.addi %mul3A_86, %mul3A_88 : i32
        %add3A_90 = arith.constant 3 : i32
        %add3A_91 = arith.addi %add3A_89, %add3A_90 : i32
        %mul3A_92 = arith.constant 80 : i32
        %mul3A_93 = arith.muli %add3A_91, %mul3A_92 : i32
        %dma_start3A_94 = arith.constant 3 : i32
        %dma_start3A_95 = arith.constant 0 : i32
        %dma_start3A_96 = arith.constant 0 : i32
        %dma_start3A_97 = tpu.memref_slice %arg7[%dma_start3A_94, %dma_start3A_95, %dma_start3A_96] : memref<10x80x16xf32, #tpu.memory_space<vmem>> -> memref<1x80x16xf32, #tpu.memory_space<vmem>>
        %dma_start3A_98 = tpu.memref_squeeze %dma_start3A_97 : memref<1x80x16xf32, #tpu.memory_space<vmem>> -> memref<80x16xf32, #tpu.memory_space<vmem>>
        %dma_start3A_99 = arith.constant 0 : i32
        %dma_start3A_100 = tpu.memref_slice %arg3[%mul3A_93, %dma_start3A_99] : memref<320000x16xf32, #tpu.memory_space<hbm>> -> memref<80x16xf32, #tpu.memory_space<hbm>>
        %dma_start3A_101 = arith.constant 0 : i32
        %dma_start3A_102 = arith.constant 0 : i32
        %dma_start3A_103 = tpu.memref_slice %arg7[%dma_start3A_94, %dma_start3A_101, %dma_start3A_102] : memref<10x80x16xf32, #tpu.memory_space<vmem>> -> memref<1x80x16xf32, #tpu.memory_space<vmem>>
        %dma_start3A_104 = tpu.memref_squeeze %dma_start3A_103 : memref<1x80x16xf32, #tpu.memory_space<vmem>> -> memref<80x16xf32, #tpu.memory_space<vmem>>
        %dma_start3A_105 = arith.constant 0 : i32
        %dma_start3A_106 = tpu.memref_slice %arg3[%mul3A_93, %dma_start3A_105] : memref<320000x16xf32, #tpu.memory_space<hbm>> -> memref<80x16xf32, #tpu.memory_space<hbm>>
        tpu.enqueue_dma source(%dma_start3A_106 : memref<80x16xf32, #tpu.memory_space<hbm>>) target(%dma_start3A_104 : memref<80x16xf32, #tpu.memory_space<vmem>>) target_semaphore(%arg10 : memref<!tpu.dma_semaphore, #tpu.memory_space<semaphore_mem>>)
        %mul3A_107 = arith.constant 250 : i32
        %mul3A_108 = arith.muli %arg1, %mul3A_107 : i32
        %mul3A_109 = arith.constant 10 : i32
        %mul3A_110 = arith.muli %add3A, %mul3A_109 : i32
        %add3A_111 = arith.addi %mul3A_108, %mul3A_110 : i32
        %add3A_112 = arith.constant 4 : i32
        %add3A_113 = arith.addi %add3A_111, %add3A_112 : i32
        %mul3A_114 = arith.constant 80 : i32
        %mul3A_115 = arith.muli %add3A_113, %mul3A_114 : i32
        %dma_start3A_116 = arith.constant 4 : i32
        %dma_start3A_117 = arith.constant 0 : i32
        %dma_start3A_118 = arith.constant 0 : i32
        %dma_start3A_119 = tpu.memref_slice %arg7[%dma_start3A_116, %dma_start3A_117, %dma_start3A_118] : memref<10x80x16xf32, #tpu.memory_space<vmem>> -> memref<1x80x16xf32, #tpu.memory_space<vmem>>
        %dma_start3A_120 = tpu.memref_squeeze %dma_start3A_119 : memref<1x80x16xf32, #tpu.memory_space<vmem>> -> memref<80x16xf32, #tpu.memory_space<vmem>>
        %dma_start3A_121 = arith.constant 0 : i32
        %dma_start3A_122 = tpu.memref_slice %arg3[%mul3A_115, %dma_start3A_121] : memref<320000x16xf32, #tpu.memory_space<hbm>> -> memref<80x16xf32, #tpu.memory_space<hbm>>
        %dma_start3A_123 = arith.constant 0 : i32
        %dma_start3A_124 = arith.constant 0 : i32
        %dma_start3A_125 = tpu.memref_slice %arg7[%dma_start3A_116, %dma_start3A_123, %dma_start3A_124] : memref<10x80x16xf32, #tpu.memory_space<vmem>> -> memref<1x80x16xf32, #tpu.memory_space<vmem>>
        %dma_start3A_126 = tpu.memref_squeeze %dma_start3A_125 : memref<1x80x16xf32, #tpu.memory_space<vmem>> -> memref<80x16xf32, #tpu.memory_space<vmem>>
        %dma_start3A_127 = arith.constant 0 : i32
        %dma_start3A_128 = tpu.memref_slice %arg3[%mul3A_115, %dma_start3A_127] : memref<320000x16xf32, #tpu.memory_space<hbm>> -> memref<80x16xf32, #tpu.memory_space<hbm>>
        tpu.enqueue_dma source(%dma_start3A_128 : memref<80x16xf32, #tpu.memory_space<hbm>>) target(%dma_start3A_126 : memref<80x16xf32, #tpu.memory_space<vmem>>) target_semaphore(%arg10 : memref<!tpu.dma_semaphore, #tpu.memory_space<semaphore_mem>>)
        %mul3A_129 = arith.constant 250 : i32
        %mul3A_130 = arith.muli %arg1, %mul3A_129 : i32
        %mul3A_131 = arith.constant 10 : i32
        %mul3A_132 = arith.muli %add3A, %mul3A_131 : i32
        %add3A_133 = arith.addi %mul3A_130, %mul3A_132 : i32
        %add3A_134 = arith.constant 5 : i32
        %add3A_135 = arith.addi %add3A_133, %add3A_134 : i32
        %mul3A_136 = arith.constant 80 : i32
        %mul3A_137 = arith.muli %add3A_135, %mul3A_136 : i32
        %dma_start3A_138 = arith.constant 5 : i32
        %dma_start3A_139 = arith.constant 0 : i32
        %dma_start3A_140 = arith.constant 0 : i32
        %dma_start3A_141 = tpu.memref_slice %arg7[%dma_start3A_138, %dma_start3A_139, %dma_start3A_140] : memref<10x80x16xf32, #tpu.memory_space<vmem>> -> memref<1x80x16xf32, #tpu.memory_space<vmem>>
        %dma_start3A_142 = tpu.memref_squeeze %dma_start3A_141 : memref<1x80x16xf32, #tpu.memory_space<vmem>> -> memref<80x16xf32, #tpu.memory_space<vmem>>
        %dma_start3A_143 = arith.constant 0 : i32
        %dma_start3A_144 = tpu.memref_slice %arg3[%mul3A_137, %dma_start3A_143] : memref<320000x16xf32, #tpu.memory_space<hbm>> -> memref<80x16xf32, #tpu.memory_space<hbm>>
        %dma_start3A_145 = arith.constant 0 : i32
        %dma_start3A_146 = arith.constant 0 : i32
        %dma_start3A_147 = tpu.memref_slice %arg7[%dma_start3A_138, %dma_start3A_145, %dma_start3A_146] : memref<10x80x16xf32, #tpu.memory_space<vmem>> -> memref<1x80x16xf32, #tpu.memory_space<vmem>>
        %dma_start3A_148 = tpu.memref_squeeze %dma_start3A_147 : memref<1x80x16xf32, #tpu.memory_space<vmem>> -> memref<80x16xf32, #tpu.memory_space<vmem>>
        %dma_start3A_149 = arith.constant 0 : i32
        %dma_start3A_150 = tpu.memref_slice %arg3[%mul3A_137, %dma_start3A_149] : memref<320000x16xf32, #tpu.memory_space<hbm>> -> memref<80x16xf32, #tpu.memory_space<hbm>>
        tpu.enqueue_dma source(%dma_start3A_150 : memref<80x16xf32, #tpu.memory_space<hbm>>) target(%dma_start3A_148 : memref<80x16xf32, #tpu.memory_space<vmem>>) target_semaphore(%arg10 : memref<!tpu.dma_semaphore, #tpu.memory_space<semaphore_mem>>)
        %mul3A_151 = arith.constant 250 : i32
        %mul3A_152 = arith.muli %arg1, %mul3A_151 : i32
        %mul3A_153 = arith.constant 10 : i32
        %mul3A_154 = arith.muli %add3A, %mul3A_153 : i32
        %add3A_155 = arith.addi %mul3A_152, %mul3A_154 : i32
        %add3A_156 = arith.constant 6 : i32
        %add3A_157 = arith.addi %add3A_155, %add3A_156 : i32
        %mul3A_158 = arith.constant 80 : i32
        %mul3A_159 = arith.muli %add3A_157, %mul3A_158 : i32
        %dma_start3A_160 = arith.constant 6 : i32
        %dma_start3A_161 = arith.constant 0 : i32
        %dma_start3A_162 = arith.constant 0 : i32
        %dma_start3A_163 = tpu.memref_slice %arg7[%dma_start3A_160, %dma_start3A_161, %dma_start3A_162] : memref<10x80x16xf32, #tpu.memory_space<vmem>> -> memref<1x80x16xf32, #tpu.memory_space<vmem>>
        %dma_start3A_164 = tpu.memref_squeeze %dma_start3A_163 : memref<1x80x16xf32, #tpu.memory_space<vmem>> -> memref<80x16xf32, #tpu.memory_space<vmem>>
        %dma_start3A_165 = arith.constant 0 : i32
        %dma_start3A_166 = tpu.memref_slice %arg3[%mul3A_159, %dma_start3A_165] : memref<320000x16xf32, #tpu.memory_space<hbm>> -> memref<80x16xf32, #tpu.memory_space<hbm>>
        %dma_start3A_167 = arith.constant 0 : i32
        %dma_start3A_168 = arith.constant 0 : i32
        %dma_start3A_169 = tpu.memref_slice %arg7[%dma_start3A_160, %dma_start3A_167, %dma_start3A_168] : memref<10x80x16xf32, #tpu.memory_space<vmem>> -> memref<1x80x16xf32, #tpu.memory_space<vmem>>
        %dma_start3A_170 = tpu.memref_squeeze %dma_start3A_169 : memref<1x80x16xf32, #tpu.memory_space<vmem>> -> memref<80x16xf32, #tpu.memory_space<vmem>>
        %dma_start3A_171 = arith.constant 0 : i32
        %dma_start3A_172 = tpu.memref_slice %arg3[%mul3A_159, %dma_start3A_171] : memref<320000x16xf32, #tpu.memory_space<hbm>> -> memref<80x16xf32, #tpu.memory_space<hbm>>
        tpu.enqueue_dma source(%dma_start3A_172 : memref<80x16xf32, #tpu.memory_space<hbm>>) target(%dma_start3A_170 : memref<80x16xf32, #tpu.memory_space<vmem>>) target_semaphore(%arg10 : memref<!tpu.dma_semaphore, #tpu.memory_space<semaphore_mem>>)
        %mul3A_173 = arith.constant 250 : i32
        %mul3A_174 = arith.muli %arg1, %mul3A_173 : i32
        %mul3A_175 = arith.constant 10 : i32
        %mul3A_176 = arith.muli %add3A, %mul3A_175 : i32
        %add3A_177 = arith.addi %mul3A_174, %mul3A_176 : i32
        %add3A_178 = arith.constant 7 : i32
        %add3A_179 = arith.addi %add3A_177, %add3A_178 : i32
        %mul3A_180 = arith.constant 80 : i32
        %mul3A_181 = arith.muli %add3A_179, %mul3A_180 : i32
        %dma_start3A_182 = arith.constant 7 : i32
        %dma_start3A_183 = arith.constant 0 : i32
        %dma_start3A_184 = arith.constant 0 : i32
        %dma_start3A_185 = tpu.memref_slice %arg7[%dma_start3A_182, %dma_start3A_183, %dma_start3A_184] : memref<10x80x16xf32, #tpu.memory_space<vmem>> -> memref<1x80x16xf32, #tpu.memory_space<vmem>>
        %dma_start3A_186 = tpu.memref_squeeze %dma_start3A_185 : memref<1x80x16xf32, #tpu.memory_space<vmem>> -> memref<80x16xf32, #tpu.memory_space<vmem>>
        %dma_start3A_187 = arith.constant 0 : i32
        %dma_start3A_188 = tpu.memref_slice %arg3[%mul3A_181, %dma_start3A_187] : memref<320000x16xf32, #tpu.memory_space<hbm>> -> memref<80x16xf32, #tpu.memory_space<hbm>>
        %dma_start3A_189 = arith.constant 0 : i32
        %dma_start3A_190 = arith.constant 0 : i32
        %dma_start3A_191 = tpu.memref_slice %arg7[%dma_start3A_182, %dma_start3A_189, %dma_start3A_190] : memref<10x80x16xf32, #tpu.memory_space<vmem>> -> memref<1x80x16xf32, #tpu.memory_space<vmem>>
        %dma_start3A_192 = tpu.memref_squeeze %dma_start3A_191 : memref<1x80x16xf32, #tpu.memory_space<vmem>> -> memref<80x16xf32, #tpu.memory_space<vmem>>
        %dma_start3A_193 = arith.constant 0 : i32
        %dma_start3A_194 = tpu.memref_slice %arg3[%mul3A_181, %dma_start3A_193] : memref<320000x16xf32, #tpu.memory_space<hbm>> -> memref<80x16xf32, #tpu.memory_space<hbm>>
        tpu.enqueue_dma source(%dma_start3A_194 : memref<80x16xf32, #tpu.memory_space<hbm>>) target(%dma_start3A_192 : memref<80x16xf32, #tpu.memory_space<vmem>>) target_semaphore(%arg10 : memref<!tpu.dma_semaphore, #tpu.memory_space<semaphore_mem>>)
        %mul3A_195 = arith.constant 250 : i32
        %mul3A_196 = arith.muli %arg1, %mul3A_195 : i32
        %mul3A_197 = arith.constant 10 : i32
        %mul3A_198 = arith.muli %add3A, %mul3A_197 : i32
        %add3A_199 = arith.addi %mul3A_196, %mul3A_198 : i32
        %add3A_200 = arith.constant 8 : i32
        %add3A_201 = arith.addi %add3A_199, %add3A_200 : i32
        %mul3A_202 = arith.constant 80 : i32
        %mul3A_203 = arith.muli %add3A_201, %mul3A_202 : i32
        %dma_start3A_204 = arith.constant 8 : i32
        %dma_start3A_205 = arith.constant 0 : i32
        %dma_start3A_206 = arith.constant 0 : i32
        %dma_start3A_207 = tpu.memref_slice %arg7[%dma_start3A_204, %dma_start3A_205, %dma_start3A_206] : memref<10x80x16xf32, #tpu.memory_space<vmem>> -> memref<1x80x16xf32, #tpu.memory_space<vmem>>
        %dma_start3A_208 = tpu.memref_squeeze %dma_start3A_207 : memref<1x80x16xf32, #tpu.memory_space<vmem>> -> memref<80x16xf32, #tpu.memory_space<vmem>>
        %dma_start3A_209 = arith.constant 0 : i32
        %dma_start3A_210 = tpu.memref_slice %arg3[%mul3A_203, %dma_start3A_209] : memref<320000x16xf32, #tpu.memory_space<hbm>> -> memref<80x16xf32, #tpu.memory_space<hbm>>
        %dma_start3A_211 = arith.constant 0 : i32
        %dma_start3A_212 = arith.constant 0 : i32
        %dma_start3A_213 = tpu.memref_slice %arg7[%dma_start3A_204, %dma_start3A_211, %dma_start3A_212] : memref<10x80x16xf32, #tpu.memory_space<vmem>> -> memref<1x80x16xf32, #tpu.memory_space<vmem>>
        %dma_start3A_214 = tpu.memref_squeeze %dma_start3A_213 : memref<1x80x16xf32, #tpu.memory_space<vmem>> -> memref<80x16xf32, #tpu.memory_space<vmem>>
        %dma_start3A_215 = arith.constant 0 : i32
        %dma_start3A_216 = tpu.memref_slice %arg3[%mul3A_203, %dma_start3A_215] : memref<320000x16xf32, #tpu.memory_space<hbm>> -> memref<80x16xf32, #tpu.memory_space<hbm>>
        tpu.enqueue_dma source(%dma_start3A_216 : memref<80x16xf32, #tpu.memory_space<hbm>>) target(%dma_start3A_214 : memref<80x16xf32, #tpu.memory_space<vmem>>) target_semaphore(%arg10 : memref<!tpu.dma_semaphore, #tpu.memory_space<semaphore_mem>>)
        %mul3A_217 = arith.constant 250 : i32
        %mul3A_218 = arith.muli %arg1, %mul3A_217 : i32
        %mul3A_219 = arith.constant 10 : i32
        %mul3A_220 = arith.muli %add3A, %mul3A_219 : i32
        %add3A_221 = arith.addi %mul3A_218, %mul3A_220 : i32
        %add3A_222 = arith.constant 9 : i32
        %add3A_223 = arith.addi %add3A_221, %add3A_222 : i32
        %mul3A_224 = arith.constant 80 : i32
        %mul3A_225 = arith.muli %add3A_223, %mul3A_224 : i32
        %dma_start3A_226 = arith.constant 9 : i32
        %dma_start3A_227 = arith.constant 0 : i32
        %dma_start3A_228 = arith.constant 0 : i32
        %dma_start3A_229 = tpu.memref_slice %arg7[%dma_start3A_226, %dma_start3A_227, %dma_start3A_228] : memref<10x80x16xf32, #tpu.memory_space<vmem>> -> memref<1x80x16xf32, #tpu.memory_space<vmem>>
        %dma_start3A_230 = tpu.memref_squeeze %dma_start3A_229 : memref<1x80x16xf32, #tpu.memory_space<vmem>> -> memref<80x16xf32, #tpu.memory_space<vmem>>
        %dma_start3A_231 = arith.constant 0 : i32
        %dma_start3A_232 = tpu.memref_slice %arg3[%mul3A_225, %dma_start3A_231] : memref<320000x16xf32, #tpu.memory_space<hbm>> -> memref<80x16xf32, #tpu.memory_space<hbm>>
        %dma_start3A_233 = arith.constant 0 : i32
        %dma_start3A_234 = arith.constant 0 : i32
        %dma_start3A_235 = tpu.memref_slice %arg7[%dma_start3A_226, %dma_start3A_233, %dma_start3A_234] : memref<10x80x16xf32, #tpu.memory_space<vmem>> -> memref<1x80x16xf32, #tpu.memory_space<vmem>>
        %dma_start3A_236 = tpu.memref_squeeze %dma_start3A_235 : memref<1x80x16xf32, #tpu.memory_space<vmem>> -> memref<80x16xf32, #tpu.memory_space<vmem>>
        %dma_start3A_237 = arith.constant 0 : i32
        %dma_start3A_238 = tpu.memref_slice %arg3[%mul3A_225, %dma_start3A_237] : memref<320000x16xf32, #tpu.memory_space<hbm>> -> memref<80x16xf32, #tpu.memory_space<hbm>>
        tpu.enqueue_dma source(%dma_start3A_238 : memref<80x16xf32, #tpu.memory_space<hbm>>) target(%dma_start3A_236 : memref<80x16xf32, #tpu.memory_space<vmem>>) target_semaphore(%arg10 : memref<!tpu.dma_semaphore, #tpu.memory_space<semaphore_mem>>)
        %dma_wait3A = arith.constant 0 : i32
        %dma_wait3A_239 = arith.constant 0 : i32
        %dma_wait3A_240 = tpu.memref_slice %arg2[%arg1, %add3A, %dma_wait3A, %dma_wait3A_239] : memref<16x25x10x80xi32, #tpu.memory_space<hbm>> -> memref<1x1x10x80xi32, #tpu.memory_space<hbm>>
        %dma_wait3A_241 = tpu.memref_squeeze %dma_wait3A_240 : memref<1x1x10x80xi32, #tpu.memory_space<hbm>> -> memref<10x80xi32, #tpu.memory_space<hbm>>
        %dma_wait3A_242 = arith.constant 0 : i32
        %dma_wait3A_243 = arith.constant 0 : i32
        %dma_wait3A_244 = tpu.memref_slice %arg2[%arg1, %add3A, %dma_wait3A_242, %dma_wait3A_243] : memref<16x25x10x80xi32, #tpu.memory_space<hbm>> -> memref<1x1x10x80xi32, #tpu.memory_space<hbm>>
        %dma_wait3A_245 = tpu.memref_squeeze %dma_wait3A_244 : memref<1x1x10x80xi32, #tpu.memory_space<hbm>> -> memref<10x80xi32, #tpu.memory_space<hbm>>
        tpu.wait_dma2 semaphore(%arg9 : memref<!tpu.dma_semaphore, #tpu.memory_space<semaphore_mem>>) src(%dma_wait3A_245 : memref<10x80xi32, #tpu.memory_space<hbm>>) dst(%arg6 : memref<10x80xi32, #tpu.memory_space<vmem>>)
        %dma_wait3A_246 = arith.constant 0 : i32
        %dma_wait3A_247 = arith.constant 0 : i32
        %dma_wait3A_248 = arith.constant 0 : i32
        %dma_wait3A_249 = tpu.memref_slice %arg7[%dma_wait3A_246, %dma_wait3A_247, %dma_wait3A_248] : memref<10x80x16xf32, #tpu.memory_space<vmem>> -> memref<1x80x16xf32, #tpu.memory_space<vmem>>
        %dma_wait3A_250 = tpu.memref_squeeze %dma_wait3A_249 : memref<1x80x16xf32, #tpu.memory_space<vmem>> -> memref<80x16xf32, #tpu.memory_space<vmem>>
        %dma_wait3A_251 = arith.constant 0 : i32
        %dma_wait3A_252 = tpu.memref_slice %arg3[%mul3A_27, %dma_wait3A_251] : memref<320000x16xf32, #tpu.memory_space<hbm>> -> memref<80x16xf32, #tpu.memory_space<hbm>>
        %dma_wait3A_253 = arith.constant 0 : i32
        %dma_wait3A_254 = arith.constant 0 : i32
        %dma_wait3A_255 = tpu.memref_slice %arg7[%dma_wait3A_246, %dma_wait3A_253, %dma_wait3A_254] : memref<10x80x16xf32, #tpu.memory_space<vmem>> -> memref<1x80x16xf32, #tpu.memory_space<vmem>>
        %dma_wait3A_256 = tpu.memref_squeeze %dma_wait3A_255 : memref<1x80x16xf32, #tpu.memory_space<vmem>> -> memref<80x16xf32, #tpu.memory_space<vmem>>
        %dma_wait3A_257 = arith.constant 0 : i32
        %dma_wait3A_258 = tpu.memref_slice %arg3[%mul3A_27, %dma_wait3A_257] : memref<320000x16xf32, #tpu.memory_space<hbm>> -> memref<80x16xf32, #tpu.memory_space<hbm>>
        tpu.wait_dma2 semaphore(%arg10 : memref<!tpu.dma_semaphore, #tpu.memory_space<semaphore_mem>>) src(%dma_wait3A_258 : memref<80x16xf32, #tpu.memory_space<hbm>>) dst(%dma_wait3A_256 : memref<80x16xf32, #tpu.memory_space<vmem>>)
        %dma_wait3A_259 = arith.constant 1 : i32
        %dma_wait3A_260 = arith.constant 0 : i32
        %dma_wait3A_261 = arith.constant 0 : i32
        %dma_wait3A_262 = tpu.memref_slice %arg7[%dma_wait3A_259, %dma_wait3A_260, %dma_wait3A_261] : memref<10x80x16xf32, #tpu.memory_space<vmem>> -> memref<1x80x16xf32, #tpu.memory_space<vmem>>
        %dma_wait3A_263 = tpu.memref_squeeze %dma_wait3A_262 : memref<1x80x16xf32, #tpu.memory_space<vmem>> -> memref<80x16xf32, #tpu.memory_space<vmem>>
        %dma_wait3A_264 = arith.constant 0 : i32
        %dma_wait3A_265 = tpu.memref_slice %arg3[%mul3A_49, %dma_wait3A_264] : memref<320000x16xf32, #tpu.memory_space<hbm>> -> memref<80x16xf32, #tpu.memory_space<hbm>>
        %dma_wait3A_266 = arith.constant 0 : i32
        %dma_wait3A_267 = arith.constant 0 : i32
        %dma_wait3A_268 = tpu.memref_slice %arg7[%dma_wait3A_259, %dma_wait3A_266, %dma_wait3A_267] : memref<10x80x16xf32, #tpu.memory_space<vmem>> -> memref<1x80x16xf32, #tpu.memory_space<vmem>>
        %dma_wait3A_269 = tpu.memref_squeeze %dma_wait3A_268 : memref<1x80x16xf32, #tpu.memory_space<vmem>> -> memref<80x16xf32, #tpu.memory_space<vmem>>
        %dma_wait3A_270 = arith.constant 0 : i32
        %dma_wait3A_271 = tpu.memref_slice %arg3[%mul3A_49, %dma_wait3A_270] : memref<320000x16xf32, #tpu.memory_space<hbm>> -> memref<80x16xf32, #tpu.memory_space<hbm>>
        tpu.wait_dma2 semaphore(%arg10 : memref<!tpu.dma_semaphore, #tpu.memory_space<semaphore_mem>>) src(%dma_wait3A_271 : memref<80x16xf32, #tpu.memory_space<hbm>>) dst(%dma_wait3A_269 : memref<80x16xf32, #tpu.memory_space<vmem>>)
        %dma_wait3A_272 = arith.constant 2 : i32
        %dma_wait3A_273 = arith.constant 0 : i32
        %dma_wait3A_274 = arith.constant 0 : i32
        %dma_wait3A_275 = tpu.memref_slice %arg7[%dma_wait3A_272, %dma_wait3A_273, %dma_wait3A_274] : memref<10x80x16xf32, #tpu.memory_space<vmem>> -> memref<1x80x16xf32, #tpu.memory_space<vmem>>
        %dma_wait3A_276 = tpu.memref_squeeze %dma_wait3A_275 : memref<1x80x16xf32, #tpu.memory_space<vmem>> -> memref<80x16xf32, #tpu.memory_space<vmem>>
        %dma_wait3A_277 = arith.constant 0 : i32
        %dma_wait3A_278 = tpu.memref_slice %arg3[%mul3A_71, %dma_wait3A_277] : memref<320000x16xf32, #tpu.memory_space<hbm>> -> memref<80x16xf32, #tpu.memory_space<hbm>>
        %dma_wait3A_279 = arith.constant 0 : i32
        %dma_wait3A_280 = arith.constant 0 : i32
        %dma_wait3A_281 = tpu.memref_slice %arg7[%dma_wait3A_272, %dma_wait3A_279, %dma_wait3A_280] : memref<10x80x16xf32, #tpu.memory_space<vmem>> -> memref<1x80x16xf32, #tpu.memory_space<vmem>>
        %dma_wait3A_282 = tpu.memref_squeeze %dma_wait3A_281 : memref<1x80x16xf32, #tpu.memory_space<vmem>> -> memref<80x16xf32, #tpu.memory_space<vmem>>
        %dma_wait3A_283 = arith.constant 0 : i32
        %dma_wait3A_284 = tpu.memref_slice %arg3[%mul3A_71, %dma_wait3A_283] : memref<320000x16xf32, #tpu.memory_space<hbm>> -> memref<80x16xf32, #tpu.memory_space<hbm>>
        tpu.wait_dma2 semaphore(%arg10 : memref<!tpu.dma_semaphore, #tpu.memory_space<semaphore_mem>>) src(%dma_wait3A_284 : memref<80x16xf32, #tpu.memory_space<hbm>>) dst(%dma_wait3A_282 : memref<80x16xf32, #tpu.memory_space<vmem>>)
        %dma_wait3A_285 = arith.constant 3 : i32
        %dma_wait3A_286 = arith.constant 0 : i32
        %dma_wait3A_287 = arith.constant 0 : i32
        %dma_wait3A_288 = tpu.memref_slice %arg7[%dma_wait3A_285, %dma_wait3A_286, %dma_wait3A_287] : memref<10x80x16xf32, #tpu.memory_space<vmem>> -> memref<1x80x16xf32, #tpu.memory_space<vmem>>
        %dma_wait3A_289 = tpu.memref_squeeze %dma_wait3A_288 : memref<1x80x16xf32, #tpu.memory_space<vmem>> -> memref<80x16xf32, #tpu.memory_space<vmem>>
        %dma_wait3A_290 = arith.constant 0 : i32
        %dma_wait3A_291 = tpu.memref_slice %arg3[%mul3A_93, %dma_wait3A_290] : memref<320000x16xf32, #tpu.memory_space<hbm>> -> memref<80x16xf32, #tpu.memory_space<hbm>>
        %dma_wait3A_292 = arith.constant 0 : i32
        %dma_wait3A_293 = arith.constant 0 : i32
        %dma_wait3A_294 = tpu.memref_slice %arg7[%dma_wait3A_285, %dma_wait3A_292, %dma_wait3A_293] : memref<10x80x16xf32, #tpu.memory_space<vmem>> -> memref<1x80x16xf32, #tpu.memory_space<vmem>>
        %dma_wait3A_295 = tpu.memref_squeeze %dma_wait3A_294 : memref<1x80x16xf32, #tpu.memory_space<vmem>> -> memref<80x16xf32, #tpu.memory_space<vmem>>
        %dma_wait3A_296 = arith.constant 0 : i32
        %dma_wait3A_297 = tpu.memref_slice %arg3[%mul3A_93, %dma_wait3A_296] : memref<320000x16xf32, #tpu.memory_space<hbm>> -> memref<80x16xf32, #tpu.memory_space<hbm>>
        tpu.wait_dma2 semaphore(%arg10 : memref<!tpu.dma_semaphore, #tpu.memory_space<semaphore_mem>>) src(%dma_wait3A_297 : memref<80x16xf32, #tpu.memory_space<hbm>>) dst(%dma_wait3A_295 : memref<80x16xf32, #tpu.memory_space<vmem>>)
        %dma_wait3A_298 = arith.constant 4 : i32
        %dma_wait3A_299 = arith.constant 0 : i32
        %dma_wait3A_300 = arith.constant 0 : i32
        %dma_wait3A_301 = tpu.memref_slice %arg7[%dma_wait3A_298, %dma_wait3A_299, %dma_wait3A_300] : memref<10x80x16xf32, #tpu.memory_space<vmem>> -> memref<1x80x16xf32, #tpu.memory_space<vmem>>
        %dma_wait3A_302 = tpu.memref_squeeze %dma_wait3A_301 : memref<1x80x16xf32, #tpu.memory_space<vmem>> -> memref<80x16xf32, #tpu.memory_space<vmem>>
        %dma_wait3A_303 = arith.constant 0 : i32
        %dma_wait3A_304 = tpu.memref_slice %arg3[%mul3A_115, %dma_wait3A_303] : memref<320000x16xf32, #tpu.memory_space<hbm>> -> memref<80x16xf32, #tpu.memory_space<hbm>>
        %dma_wait3A_305 = arith.constant 0 : i32
        %dma_wait3A_306 = arith.constant 0 : i32
        %dma_wait3A_307 = tpu.memref_slice %arg7[%dma_wait3A_298, %dma_wait3A_305, %dma_wait3A_306] : memref<10x80x16xf32, #tpu.memory_space<vmem>> -> memref<1x80x16xf32, #tpu.memory_space<vmem>>
        %dma_wait3A_308 = tpu.memref_squeeze %dma_wait3A_307 : memref<1x80x16xf32, #tpu.memory_space<vmem>> -> memref<80x16xf32, #tpu.memory_space<vmem>>
        %dma_wait3A_309 = arith.constant 0 : i32
        %dma_wait3A_310 = tpu.memref_slice %arg3[%mul3A_115, %dma_wait3A_309] : memref<320000x16xf32, #tpu.memory_space<hbm>> -> memref<80x16xf32, #tpu.memory_space<hbm>>
        tpu.wait_dma2 semaphore(%arg10 : memref<!tpu.dma_semaphore, #tpu.memory_space<semaphore_mem>>) src(%dma_wait3A_310 : memref<80x16xf32, #tpu.memory_space<hbm>>) dst(%dma_wait3A_308 : memref<80x16xf32, #tpu.memory_space<vmem>>)
        %dma_wait3A_311 = arith.constant 5 : i32
        %dma_wait3A_312 = arith.constant 0 : i32
        %dma_wait3A_313 = arith.constant 0 : i32
        %dma_wait3A_314 = tpu.memref_slice %arg7[%dma_wait3A_311, %dma_wait3A_312, %dma_wait3A_313] : memref<10x80x16xf32, #tpu.memory_space<vmem>> -> memref<1x80x16xf32, #tpu.memory_space<vmem>>
        %dma_wait3A_315 = tpu.memref_squeeze %dma_wait3A_314 : memref<1x80x16xf32, #tpu.memory_space<vmem>> -> memref<80x16xf32, #tpu.memory_space<vmem>>
        %dma_wait3A_316 = arith.constant 0 : i32
        %dma_wait3A_317 = tpu.memref_slice %arg3[%mul3A_137, %dma_wait3A_316] : memref<320000x16xf32, #tpu.memory_space<hbm>> -> memref<80x16xf32, #tpu.memory_space<hbm>>
        %dma_wait3A_318 = arith.constant 0 : i32
        %dma_wait3A_319 = arith.constant 0 : i32
        %dma_wait3A_320 = tpu.memref_slice %arg7[%dma_wait3A_311, %dma_wait3A_318, %dma_wait3A_319] : memref<10x80x16xf32, #tpu.memory_space<vmem>> -> memref<1x80x16xf32, #tpu.memory_space<vmem>>
        %dma_wait3A_321 = tpu.memref_squeeze %dma_wait3A_320 : memref<1x80x16xf32, #tpu.memory_space<vmem>> -> memref<80x16xf32, #tpu.memory_space<vmem>>
        %dma_wait3A_322 = arith.constant 0 : i32
        %dma_wait3A_323 = tpu.memref_slice %arg3[%mul3A_137, %dma_wait3A_322] : memref<320000x16xf32, #tpu.memory_space<hbm>> -> memref<80x16xf32, #tpu.memory_space<hbm>>
        tpu.wait_dma2 semaphore(%arg10 : memref<!tpu.dma_semaphore, #tpu.memory_space<semaphore_mem>>) src(%dma_wait3A_323 : memref<80x16xf32, #tpu.memory_space<hbm>>) dst(%dma_wait3A_321 : memref<80x16xf32, #tpu.memory_space<vmem>>)
        %dma_wait3A_324 = arith.constant 6 : i32
        %dma_wait3A_325 = arith.constant 0 : i32
        %dma_wait3A_326 = arith.constant 0 : i32
        %dma_wait3A_327 = tpu.memref_slice %arg7[%dma_wait3A_324, %dma_wait3A_325, %dma_wait3A_326] : memref<10x80x16xf32, #tpu.memory_space<vmem>> -> memref<1x80x16xf32, #tpu.memory_space<vmem>>
        %dma_wait3A_328 = tpu.memref_squeeze %dma_wait3A_327 : memref<1x80x16xf32, #tpu.memory_space<vmem>> -> memref<80x16xf32, #tpu.memory_space<vmem>>
        %dma_wait3A_329 = arith.constant 0 : i32
        %dma_wait3A_330 = tpu.memref_slice %arg3[%mul3A_159, %dma_wait3A_329] : memref<320000x16xf32, #tpu.memory_space<hbm>> -> memref<80x16xf32, #tpu.memory_space<hbm>>
        %dma_wait3A_331 = arith.constant 0 : i32
        %dma_wait3A_332 = arith.constant 0 : i32
        %dma_wait3A_333 = tpu.memref_slice %arg7[%dma_wait3A_324, %dma_wait3A_331, %dma_wait3A_332] : memref<10x80x16xf32, #tpu.memory_space<vmem>> -> memref<1x80x16xf32, #tpu.memory_space<vmem>>
        %dma_wait3A_334 = tpu.memref_squeeze %dma_wait3A_333 : memref<1x80x16xf32, #tpu.memory_space<vmem>> -> memref<80x16xf32, #tpu.memory_space<vmem>>
        %dma_wait3A_335 = arith.constant 0 : i32
        %dma_wait3A_336 = tpu.memref_slice %arg3[%mul3A_159, %dma_wait3A_335] : memref<320000x16xf32, #tpu.memory_space<hbm>> -> memref<80x16xf32, #tpu.memory_space<hbm>>
        tpu.wait_dma2 semaphore(%arg10 : memref<!tpu.dma_semaphore, #tpu.memory_space<semaphore_mem>>) src(%dma_wait3A_336 : memref<80x16xf32, #tpu.memory_space<hbm>>) dst(%dma_wait3A_334 : memref<80x16xf32, #tpu.memory_space<vmem>>)
        %dma_wait3A_337 = arith.constant 7 : i32
        %dma_wait3A_338 = arith.constant 0 : i32
        %dma_wait3A_339 = arith.constant 0 : i32
        %dma_wait3A_340 = tpu.memref_slice %arg7[%dma_wait3A_337, %dma_wait3A_338, %dma_wait3A_339] : memref<10x80x16xf32, #tpu.memory_space<vmem>> -> memref<1x80x16xf32, #tpu.memory_space<vmem>>
        %dma_wait3A_341 = tpu.memref_squeeze %dma_wait3A_340 : memref<1x80x16xf32, #tpu.memory_space<vmem>> -> memref<80x16xf32, #tpu.memory_space<vmem>>
        %dma_wait3A_342 = arith.constant 0 : i32
        %dma_wait3A_343 = tpu.memref_slice %arg3[%mul3A_181, %dma_wait3A_342] : memref<320000x16xf32, #tpu.memory_space<hbm>> -> memref<80x16xf32, #tpu.memory_space<hbm>>
        %dma_wait3A_344 = arith.constant 0 : i32
        %dma_wait3A_345 = arith.constant 0 : i32
        %dma_wait3A_346 = tpu.memref_slice %arg7[%dma_wait3A_337, %dma_wait3A_344, %dma_wait3A_345] : memref<10x80x16xf32, #tpu.memory_space<vmem>> -> memref<1x80x16xf32, #tpu.memory_space<vmem>>
        %dma_wait3A_347 = tpu.memref_squeeze %dma_wait3A_346 : memref<1x80x16xf32, #tpu.memory_space<vmem>> -> memref<80x16xf32, #tpu.memory_space<vmem>>
        %dma_wait3A_348 = arith.constant 0 : i32
        %dma_wait3A_349 = tpu.memref_slice %arg3[%mul3A_181, %dma_wait3A_348] : memref<320000x16xf32, #tpu.memory_space<hbm>> -> memref<80x16xf32, #tpu.memory_space<hbm>>
        tpu.wait_dma2 semaphore(%arg10 : memref<!tpu.dma_semaphore, #tpu.memory_space<semaphore_mem>>) src(%dma_wait3A_349 : memref<80x16xf32, #tpu.memory_space<hbm>>) dst(%dma_wait3A_347 : memref<80x16xf32, #tpu.memory_space<vmem>>)
        %dma_wait3A_350 = arith.constant 8 : i32
        %dma_wait3A_351 = arith.constant 0 : i32
        %dma_wait3A_352 = arith.constant 0 : i32
        %dma_wait3A_353 = tpu.memref_slice %arg7[%dma_wait3A_350, %dma_wait3A_351, %dma_wait3A_352] : memref<10x80x16xf32, #tpu.memory_space<vmem>> -> memref<1x80x16xf32, #tpu.memory_space<vmem>>
        %dma_wait3A_354 = tpu.memref_squeeze %dma_wait3A_353 : memref<1x80x16xf32, #tpu.memory_space<vmem>> -> memref<80x16xf32, #tpu.memory_space<vmem>>
        %dma_wait3A_355 = arith.constant 0 : i32
        %dma_wait3A_356 = tpu.memref_slice %arg3[%mul3A_203, %dma_wait3A_355] : memref<320000x16xf32, #tpu.memory_space<hbm>> -> memref<80x16xf32, #tpu.memory_space<hbm>>
        %dma_wait3A_357 = arith.constant 0 : i32
        %dma_wait3A_358 = arith.constant 0 : i32
        %dma_wait3A_359 = tpu.memref_slice %arg7[%dma_wait3A_350, %dma_wait3A_357, %dma_wait3A_358] : memref<10x80x16xf32, #tpu.memory_space<vmem>> -> memref<1x80x16xf32, #tpu.memory_space<vmem>>
        %dma_wait3A_360 = tpu.memref_squeeze %dma_wait3A_359 : memref<1x80x16xf32, #tpu.memory_space<vmem>> -> memref<80x16xf32, #tpu.memory_space<vmem>>
        %dma_wait3A_361 = arith.constant 0 : i32
        %dma_wait3A_362 = tpu.memref_slice %arg3[%mul3A_203, %dma_wait3A_361] : memref<320000x16xf32, #tpu.memory_space<hbm>> -> memref<80x16xf32, #tpu.memory_space<hbm>>
        tpu.wait_dma2 semaphore(%arg10 : memref<!tpu.dma_semaphore, #tpu.memory_space<semaphore_mem>>) src(%dma_wait3A_362 : memref<80x16xf32, #tpu.memory_space<hbm>>) dst(%dma_wait3A_360 : memref<80x16xf32, #tpu.memory_space<vmem>>)
        %dma_wait3A_363 = arith.constant 9 : i32
        %dma_wait3A_364 = arith.constant 0 : i32
        %dma_wait3A_365 = arith.constant 0 : i32
        %dma_wait3A_366 = tpu.memref_slice %arg7[%dma_wait3A_363, %dma_wait3A_364, %dma_wait3A_365] : memref<10x80x16xf32, #tpu.memory_space<vmem>> -> memref<1x80x16xf32, #tpu.memory_space<vmem>>
        %dma_wait3A_367 = tpu.memref_squeeze %dma_wait3A_366 : memref<1x80x16xf32, #tpu.memory_space<vmem>> -> memref<80x16xf32, #tpu.memory_space<vmem>>
        %dma_wait3A_368 = arith.constant 0 : i32
        %dma_wait3A_369 = tpu.memref_slice %arg3[%mul3A_225, %dma_wait3A_368] : memref<320000x16xf32, #tpu.memory_space<hbm>> -> memref<80x16xf32, #tpu.memory_space<hbm>>
        %dma_wait3A_370 = arith.constant 0 : i32
        %dma_wait3A_371 = arith.constant 0 : i32
        %dma_wait3A_372 = tpu.memref_slice %arg7[%dma_wait3A_363, %dma_wait3A_370, %dma_wait3A_371] : memref<10x80x16xf32, #tpu.memory_space<vmem>> -> memref<1x80x16xf32, #tpu.memory_space<vmem>>
        %dma_wait3A_373 = tpu.memref_squeeze %dma_wait3A_372 : memref<1x80x16xf32, #tpu.memory_space<vmem>> -> memref<80x16xf32, #tpu.memory_space<vmem>>
        %dma_wait3A_374 = arith.constant 0 : i32
        %dma_wait3A_375 = tpu.memref_slice %arg3[%mul3A_225, %dma_wait3A_374] : memref<320000x16xf32, #tpu.memory_space<hbm>> -> memref<80x16xf32, #tpu.memory_space<hbm>>
        tpu.wait_dma2 semaphore(%arg10 : memref<!tpu.dma_semaphore, #tpu.memory_space<semaphore_mem>>) src(%dma_wait3A_375 : memref<80x16xf32, #tpu.memory_space<hbm>>) dst(%dma_wait3A_373 : memref<80x16xf32, #tpu.memory_space<vmem>>)
        %dma_start3A_376 = arith.constant 0 : i32
        %dma_start3A_377 = arith.constant 0 : i32
        %dma_start3A_378 = arith.constant 0 : i32
        %dma_start3A_379 = arith.constant 0 : i32
        %dma_start3A_380 = tpu.memref_slice %arg7[%dma_start3A_376, %dma_start3A_378, %dma_start3A_379] : memref<10x80x16xf32, #tpu.memory_space<vmem>> -> memref<1x80x16xf32, #tpu.memory_space<vmem>>
        %dma_start3A_381 = tpu.memref_squeeze %dma_start3A_380 : memref<1x80x16xf32, #tpu.memory_space<vmem>> -> memref<80x16xf32, #tpu.memory_space<vmem>>
        %dma_start3A_382 = arith.constant 0 : i32
        %dma_start3A_383 = tpu.memref_slice %arg6[%dma_start3A_377, %dma_start3A_382] : memref<10x80xi32, #tpu.memory_space<vmem>> -> memref<1x80xi32, #tpu.memory_space<vmem>>
        %dma_start3A_384 = tpu.memref_squeeze %dma_start3A_383 : memref<1x80xi32, #tpu.memory_space<vmem>> -> memref<80xi32, #tpu.memory_space<vmem>>
        %dma_start3A_385 = arith.constant 0 : i32
        %dma_start3A_386 = arith.constant 0 : i32
        %dma_start3A_387 = tpu.memref_slice %arg8[%dma_start3A_385, %dma_start3A_386] : memref<10240x16xf32, #tpu.memory_space<vmem_shared>> -> memref<10240x16xf32, #tpu.memory_space<vmem_shared>>
        tpu.enqueue_indirect_dma source(%dma_start3A_381 : memref<80x16xf32, #tpu.memory_space<vmem>>) target(%dma_start3A_387 : memref<10240x16xf32, #tpu.memory_space<vmem_shared>>) offsets(%dma_start3A_384 : memref<80xi32, #tpu.memory_space<vmem>>) semaphore(%arg11 : memref<!tpu.dma_semaphore, #tpu.memory_space<semaphore_mem>>) {add = true}
        %dma_start3A_388 = arith.constant 1 : i32
        %dma_start3A_389 = arith.constant 1 : i32
        %dma_start3A_390 = arith.constant 0 : i32
        %dma_start3A_391 = arith.constant 0 : i32
        %dma_start3A_392 = tpu.memref_slice %arg7[%dma_start3A_388, %dma_start3A_390, %dma_start3A_391] : memref<10x80x16xf32, #tpu.memory_space<vmem>> -> memref<1x80x16xf32, #tpu.memory_space<vmem>>
        %dma_start3A_393 = tpu.memref_squeeze %dma_start3A_392 : memref<1x80x16xf32, #tpu.memory_space<vmem>> -> memref<80x16xf32, #tpu.memory_space<vmem>>
        %dma_start3A_394 = arith.constant 0 : i32
        %dma_start3A_395 = tpu.memref_slice %arg6[%dma_start3A_389, %dma_start3A_394] : memref<10x80xi32, #tpu.memory_space<vmem>> -> memref<1x80xi32, #tpu.memory_space<vmem>>
        %dma_start3A_396 = tpu.memref_squeeze %dma_start3A_395 : memref<1x80xi32, #tpu.memory_space<vmem>> -> memref<80xi32, #tpu.memory_space<vmem>>
        %dma_start3A_397 = arith.constant 0 : i32
        %dma_start3A_398 = arith.constant 0 : i32
        %dma_start3A_399 = tpu.memref_slice %arg8[%dma_start3A_397, %dma_start3A_398] : memref<10240x16xf32, #tpu.memory_space<vmem_shared>> -> memref<10240x16xf32, #tpu.memory_space<vmem_shared>>
        tpu.enqueue_indirect_dma source(%dma_start3A_393 : memref<80x16xf32, #tpu.memory_space<vmem>>) target(%dma_start3A_399 : memref<10240x16xf32, #tpu.memory_space<vmem_shared>>) offsets(%dma_start3A_396 : memref<80xi32, #tpu.memory_space<vmem>>) semaphore(%arg11 : memref<!tpu.dma_semaphore, #tpu.memory_space<semaphore_mem>>) {add = true}
        %dma_start3A_400 = arith.constant 2 : i32
        %dma_start3A_401 = arith.constant 2 : i32
        %dma_start3A_402 = arith.constant 0 : i32
        %dma_start3A_403 = arith.constant 0 : i32
        %dma_start3A_404 = tpu.memref_slice %arg7[%dma_start3A_400, %dma_start3A_402, %dma_start3A_403] : memref<10x80x16xf32, #tpu.memory_space<vmem>> -> memref<1x80x16xf32, #tpu.memory_space<vmem>>
        %dma_start3A_405 = tpu.memref_squeeze %dma_start3A_404 : memref<1x80x16xf32, #tpu.memory_space<vmem>> -> memref<80x16xf32, #tpu.memory_space<vmem>>
        %dma_start3A_406 = arith.constant 0 : i32
        %dma_start3A_407 = tpu.memref_slice %arg6[%dma_start3A_401, %dma_start3A_406] : memref<10x80xi32, #tpu.memory_space<vmem>> -> memref<1x80xi32, #tpu.memory_space<vmem>>
        %dma_start3A_408 = tpu.memref_squeeze %dma_start3A_407 : memref<1x80xi32, #tpu.memory_space<vmem>> -> memref<80xi32, #tpu.memory_space<vmem>>
        %dma_start3A_409 = arith.constant 0 : i32
        %dma_start3A_410 = arith.constant 0 : i32
        %dma_start3A_411 = tpu.memref_slice %arg8[%dma_start3A_409, %dma_start3A_410] : memref<10240x16xf32, #tpu.memory_space<vmem_shared>> -> memref<10240x16xf32, #tpu.memory_space<vmem_shared>>
        tpu.enqueue_indirect_dma source(%dma_start3A_405 : memref<80x16xf32, #tpu.memory_space<vmem>>) target(%dma_start3A_411 : memref<10240x16xf32, #tpu.memory_space<vmem_shared>>) offsets(%dma_start3A_408 : memref<80xi32, #tpu.memory_space<vmem>>) semaphore(%arg11 : memref<!tpu.dma_semaphore, #tpu.memory_space<semaphore_mem>>) {add = true}
        %dma_start3A_412 = arith.constant 3 : i32
        %dma_start3A_413 = arith.constant 3 : i32
        %dma_start3A_414 = arith.constant 0 : i32
        %dma_start3A_415 = arith.constant 0 : i32
        %dma_start3A_416 = tpu.memref_slice %arg7[%dma_start3A_412, %dma_start3A_414, %dma_start3A_415] : memref<10x80x16xf32, #tpu.memory_space<vmem>> -> memref<1x80x16xf32, #tpu.memory_space<vmem>>
        %dma_start3A_417 = tpu.memref_squeeze %dma_start3A_416 : memref<1x80x16xf32, #tpu.memory_space<vmem>> -> memref<80x16xf32, #tpu.memory_space<vmem>>
        %dma_start3A_418 = arith.constant 0 : i32
        %dma_start3A_419 = tpu.memref_slice %arg6[%dma_start3A_413, %dma_start3A_418] : memref<10x80xi32, #tpu.memory_space<vmem>> -> memref<1x80xi32, #tpu.memory_space<vmem>>
        %dma_start3A_420 = tpu.memref_squeeze %dma_start3A_419 : memref<1x80xi32, #tpu.memory_space<vmem>> -> memref<80xi32, #tpu.memory_space<vmem>>
        %dma_start3A_421 = arith.constant 0 : i32
        %dma_start3A_422 = arith.constant 0 : i32
        %dma_start3A_423 = tpu.memref_slice %arg8[%dma_start3A_421, %dma_start3A_422] : memref<10240x16xf32, #tpu.memory_space<vmem_shared>> -> memref<10240x16xf32, #tpu.memory_space<vmem_shared>>
        tpu.enqueue_indirect_dma source(%dma_start3A_417 : memref<80x16xf32, #tpu.memory_space<vmem>>) target(%dma_start3A_423 : memref<10240x16xf32, #tpu.memory_space<vmem_shared>>) offsets(%dma_start3A_420 : memref<80xi32, #tpu.memory_space<vmem>>) semaphore(%arg11 : memref<!tpu.dma_semaphore, #tpu.memory_space<semaphore_mem>>) {add = true}
        %dma_start3A_424 = arith.constant 4 : i32
        %dma_start3A_425 = arith.constant 4 : i32
        %dma_start3A_426 = arith.constant 0 : i32
        %dma_start3A_427 = arith.constant 0 : i32
        %dma_start3A_428 = tpu.memref_slice %arg7[%dma_start3A_424, %dma_start3A_426, %dma_start3A_427] : memref<10x80x16xf32, #tpu.memory_space<vmem>> -> memref<1x80x16xf32, #tpu.memory_space<vmem>>
        %dma_start3A_429 = tpu.memref_squeeze %dma_start3A_428 : memref<1x80x16xf32, #tpu.memory_space<vmem>> -> memref<80x16xf32, #tpu.memory_space<vmem>>
        %dma_start3A_430 = arith.constant 0 : i32
        %dma_start3A_431 = tpu.memref_slice %arg6[%dma_start3A_425, %dma_start3A_430] : memref<10x80xi32, #tpu.memory_space<vmem>> -> memref<1x80xi32, #tpu.memory_space<vmem>>
        %dma_start3A_432 = tpu.memref_squeeze %dma_start3A_431 : memref<1x80xi32, #tpu.memory_space<vmem>> -> memref<80xi32, #tpu.memory_space<vmem>>
        %dma_start3A_433 = arith.constant 0 : i32
        %dma_start3A_434 = arith.constant 0 : i32
        %dma_start3A_435 = tpu.memref_slice %arg8[%dma_start3A_433, %dma_start3A_434] : memref<10240x16xf32, #tpu.memory_space<vmem_shared>> -> memref<10240x16xf32, #tpu.memory_space<vmem_shared>>
        tpu.enqueue_indirect_dma source(%dma_start3A_429 : memref<80x16xf32, #tpu.memory_space<vmem>>) target(%dma_start3A_435 : memref<10240x16xf32, #tpu.memory_space<vmem_shared>>) offsets(%dma_start3A_432 : memref<80xi32, #tpu.memory_space<vmem>>) semaphore(%arg11 : memref<!tpu.dma_semaphore, #tpu.memory_space<semaphore_mem>>) {add = true}
        %dma_start3A_436 = arith.constant 5 : i32
        %dma_start3A_437 = arith.constant 5 : i32
        %dma_start3A_438 = arith.constant 0 : i32
        %dma_start3A_439 = arith.constant 0 : i32
        %dma_start3A_440 = tpu.memref_slice %arg7[%dma_start3A_436, %dma_start3A_438, %dma_start3A_439] : memref<10x80x16xf32, #tpu.memory_space<vmem>> -> memref<1x80x16xf32, #tpu.memory_space<vmem>>
        %dma_start3A_441 = tpu.memref_squeeze %dma_start3A_440 : memref<1x80x16xf32, #tpu.memory_space<vmem>> -> memref<80x16xf32, #tpu.memory_space<vmem>>
        %dma_start3A_442 = arith.constant 0 : i32
        %dma_start3A_443 = tpu.memref_slice %arg6[%dma_start3A_437, %dma_start3A_442] : memref<10x80xi32, #tpu.memory_space<vmem>> -> memref<1x80xi32, #tpu.memory_space<vmem>>
        %dma_start3A_444 = tpu.memref_squeeze %dma_start3A_443 : memref<1x80xi32, #tpu.memory_space<vmem>> -> memref<80xi32, #tpu.memory_space<vmem>>
        %dma_start3A_445 = arith.constant 0 : i32
        %dma_start3A_446 = arith.constant 0 : i32
        %dma_start3A_447 = tpu.memref_slice %arg8[%dma_start3A_445, %dma_start3A_446] : memref<10240x16xf32, #tpu.memory_space<vmem_shared>> -> memref<10240x16xf32, #tpu.memory_space<vmem_shared>>
        tpu.enqueue_indirect_dma source(%dma_start3A_441 : memref<80x16xf32, #tpu.memory_space<vmem>>) target(%dma_start3A_447 : memref<10240x16xf32, #tpu.memory_space<vmem_shared>>) offsets(%dma_start3A_444 : memref<80xi32, #tpu.memory_space<vmem>>) semaphore(%arg11 : memref<!tpu.dma_semaphore, #tpu.memory_space<semaphore_mem>>) {add = true}
        %dma_start3A_448 = arith.constant 6 : i32
        %dma_start3A_449 = arith.constant 6 : i32
        %dma_start3A_450 = arith.constant 0 : i32
        %dma_start3A_451 = arith.constant 0 : i32
        %dma_start3A_452 = tpu.memref_slice %arg7[%dma_start3A_448, %dma_start3A_450, %dma_start3A_451] : memref<10x80x16xf32, #tpu.memory_space<vmem>> -> memref<1x80x16xf32, #tpu.memory_space<vmem>>
        %dma_start3A_453 = tpu.memref_squeeze %dma_start3A_452 : memref<1x80x16xf32, #tpu.memory_space<vmem>> -> memref<80x16xf32, #tpu.memory_space<vmem>>
        %dma_start3A_454 = arith.constant 0 : i32
        %dma_start3A_455 = tpu.memref_slice %arg6[%dma_start3A_449, %dma_start3A_454] : memref<10x80xi32, #tpu.memory_space<vmem>> -> memref<1x80xi32, #tpu.memory_space<vmem>>
        %dma_start3A_456 = tpu.memref_squeeze %dma_start3A_455 : memref<1x80xi32, #tpu.memory_space<vmem>> -> memref<80xi32, #tpu.memory_space<vmem>>
        %dma_start3A_457 = arith.constant 0 : i32
        %dma_start3A_458 = arith.constant 0 : i32
        %dma_start3A_459 = tpu.memref_slice %arg8[%dma_start3A_457, %dma_start3A_458] : memref<10240x16xf32, #tpu.memory_space<vmem_shared>> -> memref<10240x16xf32, #tpu.memory_space<vmem_shared>>
        tpu.enqueue_indirect_dma source(%dma_start3A_453 : memref<80x16xf32, #tpu.memory_space<vmem>>) target(%dma_start3A_459 : memref<10240x16xf32, #tpu.memory_space<vmem_shared>>) offsets(%dma_start3A_456 : memref<80xi32, #tpu.memory_space<vmem>>) semaphore(%arg11 : memref<!tpu.dma_semaphore, #tpu.memory_space<semaphore_mem>>) {add = true}
        %dma_start3A_460 = arith.constant 7 : i32
        %dma_start3A_461 = arith.constant 7 : i32
        %dma_start3A_462 = arith.constant 0 : i32
        %dma_start3A_463 = arith.constant 0 : i32
        %dma_start3A_464 = tpu.memref_slice %arg7[%dma_start3A_460, %dma_start3A_462, %dma_start3A_463] : memref<10x80x16xf32, #tpu.memory_space<vmem>> -> memref<1x80x16xf32, #tpu.memory_space<vmem>>
        %dma_start3A_465 = tpu.memref_squeeze %dma_start3A_464 : memref<1x80x16xf32, #tpu.memory_space<vmem>> -> memref<80x16xf32, #tpu.memory_space<vmem>>
        %dma_start3A_466 = arith.constant 0 : i32
        %dma_start3A_467 = tpu.memref_slice %arg6[%dma_start3A_461, %dma_start3A_466] : memref<10x80xi32, #tpu.memory_space<vmem>> -> memref<1x80xi32, #tpu.memory_space<vmem>>
        %dma_start3A_468 = tpu.memref_squeeze %dma_start3A_467 : memref<1x80xi32, #tpu.memory_space<vmem>> -> memref<80xi32, #tpu.memory_space<vmem>>
        %dma_start3A_469 = arith.constant 0 : i32
        %dma_start3A_470 = arith.constant 0 : i32
        %dma_start3A_471 = tpu.memref_slice %arg8[%dma_start3A_469, %dma_start3A_470] : memref<10240x16xf32, #tpu.memory_space<vmem_shared>> -> memref<10240x16xf32, #tpu.memory_space<vmem_shared>>
        tpu.enqueue_indirect_dma source(%dma_start3A_465 : memref<80x16xf32, #tpu.memory_space<vmem>>) target(%dma_start3A_471 : memref<10240x16xf32, #tpu.memory_space<vmem_shared>>) offsets(%dma_start3A_468 : memref<80xi32, #tpu.memory_space<vmem>>) semaphore(%arg11 : memref<!tpu.dma_semaphore, #tpu.memory_space<semaphore_mem>>) {add = true}
        %dma_start3A_472 = arith.constant 8 : i32
        %dma_start3A_473 = arith.constant 8 : i32
        %dma_start3A_474 = arith.constant 0 : i32
        %dma_start3A_475 = arith.constant 0 : i32
        %dma_start3A_476 = tpu.memref_slice %arg7[%dma_start3A_472, %dma_start3A_474, %dma_start3A_475] : memref<10x80x16xf32, #tpu.memory_space<vmem>> -> memref<1x80x16xf32, #tpu.memory_space<vmem>>
        %dma_start3A_477 = tpu.memref_squeeze %dma_start3A_476 : memref<1x80x16xf32, #tpu.memory_space<vmem>> -> memref<80x16xf32, #tpu.memory_space<vmem>>
        %dma_start3A_478 = arith.constant 0 : i32
        %dma_start3A_479 = tpu.memref_slice %arg6[%dma_start3A_473, %dma_start3A_478] : memref<10x80xi32, #tpu.memory_space<vmem>> -> memref<1x80xi32, #tpu.memory_space<vmem>>
        %dma_start3A_480 = tpu.memref_squeeze %dma_start3A_479 : memref<1x80xi32, #tpu.memory_space<vmem>> -> memref<80xi32, #tpu.memory_space<vmem>>
        %dma_start3A_481 = arith.constant 0 : i32
        %dma_start3A_482 = arith.constant 0 : i32
        %dma_start3A_483 = tpu.memref_slice %arg8[%dma_start3A_481, %dma_start3A_482] : memref<10240x16xf32, #tpu.memory_space<vmem_shared>> -> memref<10240x16xf32, #tpu.memory_space<vmem_shared>>
        tpu.enqueue_indirect_dma source(%dma_start3A_477 : memref<80x16xf32, #tpu.memory_space<vmem>>) target(%dma_start3A_483 : memref<10240x16xf32, #tpu.memory_space<vmem_shared>>) offsets(%dma_start3A_480 : memref<80xi32, #tpu.memory_space<vmem>>) semaphore(%arg11 : memref<!tpu.dma_semaphore, #tpu.memory_space<semaphore_mem>>) {add = true}
        %dma_start3A_484 = arith.constant 9 : i32
        %dma_start3A_485 = arith.constant 9 : i32
        %dma_start3A_486 = arith.constant 0 : i32
        %dma_start3A_487 = arith.constant 0 : i32
        %dma_start3A_488 = tpu.memref_slice %arg7[%dma_start3A_484, %dma_start3A_486, %dma_start3A_487] : memref<10x80x16xf32, #tpu.memory_space<vmem>> -> memref<1x80x16xf32, #tpu.memory_space<vmem>>
        %dma_start3A_489 = tpu.memref_squeeze %dma_start3A_488 : memref<1x80x16xf32, #tpu.memory_space<vmem>> -> memref<80x16xf32, #tpu.memory_space<vmem>>
        %dma_start3A_490 = arith.constant 0 : i32
        %dma_start3A_491 = tpu.memref_slice %arg6[%dma_start3A_485, %dma_start3A_490] : memref<10x80xi32, #tpu.memory_space<vmem>> -> memref<1x80xi32, #tpu.memory_space<vmem>>
        %dma_start3A_492 = tpu.memref_squeeze %dma_start3A_491 : memref<1x80xi32, #tpu.memory_space<vmem>> -> memref<80xi32, #tpu.memory_space<vmem>>
        %dma_start3A_493 = arith.constant 0 : i32
        %dma_start3A_494 = arith.constant 0 : i32
        %dma_start3A_495 = tpu.memref_slice %arg8[%dma_start3A_493, %dma_start3A_494] : memref<10240x16xf32, #tpu.memory_space<vmem_shared>> -> memref<10240x16xf32, #tpu.memory_space<vmem_shared>>
        tpu.enqueue_indirect_dma source(%dma_start3A_489 : memref<80x16xf32, #tpu.memory_space<vmem>>) target(%dma_start3A_495 : memref<10240x16xf32, #tpu.memory_space<vmem_shared>>) offsets(%dma_start3A_492 : memref<80xi32, #tpu.memory_space<vmem>>) semaphore(%arg11 : memref<!tpu.dma_semaphore, #tpu.memory_space<semaphore_mem>>) {add = true}
        %dma_wait3A_496 = arith.constant 0 : i32
        %dma_wait3A_497 = arith.constant 0 : i32
        %dma_wait3A_498 = arith.constant 0 : i32
        %dma_wait3A_499 = arith.constant 0 : i32
        %dma_wait3A_500 = tpu.memref_slice %arg7[%dma_wait3A_496, %dma_wait3A_498, %dma_wait3A_499] : memref<10x80x16xf32, #tpu.memory_space<vmem>> -> memref<1x80x16xf32, #tpu.memory_space<vmem>>
        %dma_wait3A_501 = tpu.memref_squeeze %dma_wait3A_500 : memref<1x80x16xf32, #tpu.memory_space<vmem>> -> memref<80x16xf32, #tpu.memory_space<vmem>>
        %dma_wait3A_502 = arith.constant 0 : i32
        %dma_wait3A_503 = tpu.memref_slice %arg6[%dma_wait3A_497, %dma_wait3A_502] : memref<10x80xi32, #tpu.memory_space<vmem>> -> memref<1x80xi32, #tpu.memory_space<vmem>>
        %dma_wait3A_504 = tpu.memref_squeeze %dma_wait3A_503 : memref<1x80xi32, #tpu.memory_space<vmem>> -> memref<80xi32, #tpu.memory_space<vmem>>
        %dma_wait3A_505 = arith.constant 0 : i32
        %dma_wait3A_506 = arith.constant 0 : i32
        %dma_wait3A_507 = tpu.memref_slice %arg8[%dma_wait3A_505, %dma_wait3A_506] : memref<10240x16xf32, #tpu.memory_space<vmem_shared>> -> memref<10240x16xf32, #tpu.memory_space<vmem_shared>>
        tpu.wait_indirect_dma semaphore(%arg11 : memref<!tpu.dma_semaphore, #tpu.memory_space<semaphore_mem>>) src(%dma_wait3A_501 : memref<80x16xf32, #tpu.memory_space<vmem>>) dst(%dma_wait3A_507 : memref<10240x16xf32, #tpu.memory_space<vmem_shared>>)
        %dma_wait3A_508 = arith.constant 1 : i32
        %dma_wait3A_509 = arith.constant 1 : i32
        %dma_wait3A_510 = arith.constant 0 : i32
        %dma_wait3A_511 = arith.constant 0 : i32
        %dma_wait3A_512 = tpu.memref_slice %arg7[%dma_wait3A_508, %dma_wait3A_510, %dma_wait3A_511] : memref<10x80x16xf32, #tpu.memory_space<vmem>> -> memref<1x80x16xf32, #tpu.memory_space<vmem>>
        %dma_wait3A_513 = tpu.memref_squeeze %dma_wait3A_512 : memref<1x80x16xf32, #tpu.memory_space<vmem>> -> memref<80x16xf32, #tpu.memory_space<vmem>>
        %dma_wait3A_514 = arith.constant 0 : i32
        %dma_wait3A_515 = tpu.memref_slice %arg6[%dma_wait3A_509, %dma_wait3A_514] : memref<10x80xi32, #tpu.memory_space<vmem>> -> memref<1x80xi32, #tpu.memory_space<vmem>>
        %dma_wait3A_516 = tpu.memref_squeeze %dma_wait3A_515 : memref<1x80xi32, #tpu.memory_space<vmem>> -> memref<80xi32, #tpu.memory_space<vmem>>
        %dma_wait3A_517 = arith.constant 0 : i32
        %dma_wait3A_518 = arith.constant 0 : i32
        %dma_wait3A_519 = tpu.memref_slice %arg8[%dma_wait3A_517, %dma_wait3A_518] : memref<10240x16xf32, #tpu.memory_space<vmem_shared>> -> memref<10240x16xf32, #tpu.memory_space<vmem_shared>>
        tpu.wait_indirect_dma semaphore(%arg11 : memref<!tpu.dma_semaphore, #tpu.memory_space<semaphore_mem>>) src(%dma_wait3A_513 : memref<80x16xf32, #tpu.memory_space<vmem>>) dst(%dma_wait3A_519 : memref<10240x16xf32, #tpu.memory_space<vmem_shared>>)
        %dma_wait3A_520 = arith.constant 2 : i32
        %dma_wait3A_521 = arith.constant 2 : i32
        %dma_wait3A_522 = arith.constant 0 : i32
        %dma_wait3A_523 = arith.constant 0 : i32
        %dma_wait3A_524 = tpu.memref_slice %arg7[%dma_wait3A_520, %dma_wait3A_522, %dma_wait3A_523] : memref<10x80x16xf32, #tpu.memory_space<vmem>> -> memref<1x80x16xf32, #tpu.memory_space<vmem>>
        %dma_wait3A_525 = tpu.memref_squeeze %dma_wait3A_524 : memref<1x80x16xf32, #tpu.memory_space<vmem>> -> memref<80x16xf32, #tpu.memory_space<vmem>>
        %dma_wait3A_526 = arith.constant 0 : i32
        %dma_wait3A_527 = tpu.memref_slice %arg6[%dma_wait3A_521, %dma_wait3A_526] : memref<10x80xi32, #tpu.memory_space<vmem>> -> memref<1x80xi32, #tpu.memory_space<vmem>>
        %dma_wait3A_528 = tpu.memref_squeeze %dma_wait3A_527 : memref<1x80xi32, #tpu.memory_space<vmem>> -> memref<80xi32, #tpu.memory_space<vmem>>
        %dma_wait3A_529 = arith.constant 0 : i32
        %dma_wait3A_530 = arith.constant 0 : i32
        %dma_wait3A_531 = tpu.memref_slice %arg8[%dma_wait3A_529, %dma_wait3A_530] : memref<10240x16xf32, #tpu.memory_space<vmem_shared>> -> memref<10240x16xf32, #tpu.memory_space<vmem_shared>>
        tpu.wait_indirect_dma semaphore(%arg11 : memref<!tpu.dma_semaphore, #tpu.memory_space<semaphore_mem>>) src(%dma_wait3A_525 : memref<80x16xf32, #tpu.memory_space<vmem>>) dst(%dma_wait3A_531 : memref<10240x16xf32, #tpu.memory_space<vmem_shared>>)
        %dma_wait3A_532 = arith.constant 3 : i32
        %dma_wait3A_533 = arith.constant 3 : i32
        %dma_wait3A_534 = arith.constant 0 : i32
        %dma_wait3A_535 = arith.constant 0 : i32
        %dma_wait3A_536 = tpu.memref_slice %arg7[%dma_wait3A_532, %dma_wait3A_534, %dma_wait3A_535] : memref<10x80x16xf32, #tpu.memory_space<vmem>> -> memref<1x80x16xf32, #tpu.memory_space<vmem>>
        %dma_wait3A_537 = tpu.memref_squeeze %dma_wait3A_536 : memref<1x80x16xf32, #tpu.memory_space<vmem>> -> memref<80x16xf32, #tpu.memory_space<vmem>>
        %dma_wait3A_538 = arith.constant 0 : i32
        %dma_wait3A_539 = tpu.memref_slice %arg6[%dma_wait3A_533, %dma_wait3A_538] : memref<10x80xi32, #tpu.memory_space<vmem>> -> memref<1x80xi32, #tpu.memory_space<vmem>>
        %dma_wait3A_540 = tpu.memref_squeeze %dma_wait3A_539 : memref<1x80xi32, #tpu.memory_space<vmem>> -> memref<80xi32, #tpu.memory_space<vmem>>
        %dma_wait3A_541 = arith.constant 0 : i32
        %dma_wait3A_542 = arith.constant 0 : i32
        %dma_wait3A_543 = tpu.memref_slice %arg8[%dma_wait3A_541, %dma_wait3A_542] : memref<10240x16xf32, #tpu.memory_space<vmem_shared>> -> memref<10240x16xf32, #tpu.memory_space<vmem_shared>>
        tpu.wait_indirect_dma semaphore(%arg11 : memref<!tpu.dma_semaphore, #tpu.memory_space<semaphore_mem>>) src(%dma_wait3A_537 : memref<80x16xf32, #tpu.memory_space<vmem>>) dst(%dma_wait3A_543 : memref<10240x16xf32, #tpu.memory_space<vmem_shared>>)
        %dma_wait3A_544 = arith.constant 4 : i32
        %dma_wait3A_545 = arith.constant 4 : i32
        %dma_wait3A_546 = arith.constant 0 : i32
        %dma_wait3A_547 = arith.constant 0 : i32
        %dma_wait3A_548 = tpu.memref_slice %arg7[%dma_wait3A_544, %dma_wait3A_546, %dma_wait3A_547] : memref<10x80x16xf32, #tpu.memory_space<vmem>> -> memref<1x80x16xf32, #tpu.memory_space<vmem>>
        %dma_wait3A_549 = tpu.memref_squeeze %dma_wait3A_548 : memref<1x80x16xf32, #tpu.memory_space<vmem>> -> memref<80x16xf32, #tpu.memory_space<vmem>>
        %dma_wait3A_550 = arith.constant 0 : i32
        %dma_wait3A_551 = tpu.memref_slice %arg6[%dma_wait3A_545, %dma_wait3A_550] : memref<10x80xi32, #tpu.memory_space<vmem>> -> memref<1x80xi32, #tpu.memory_space<vmem>>
        %dma_wait3A_552 = tpu.memref_squeeze %dma_wait3A_551 : memref<1x80xi32, #tpu.memory_space<vmem>> -> memref<80xi32, #tpu.memory_space<vmem>>
        %dma_wait3A_553 = arith.constant 0 : i32
        %dma_wait3A_554 = arith.constant 0 : i32
        %dma_wait3A_555 = tpu.memref_slice %arg8[%dma_wait3A_553, %dma_wait3A_554] : memref<10240x16xf32, #tpu.memory_space<vmem_shared>> -> memref<10240x16xf32, #tpu.memory_space<vmem_shared>>
        tpu.wait_indirect_dma semaphore(%arg11 : memref<!tpu.dma_semaphore, #tpu.memory_space<semaphore_mem>>) src(%dma_wait3A_549 : memref<80x16xf32, #tpu.memory_space<vmem>>) dst(%dma_wait3A_555 : memref<10240x16xf32, #tpu.memory_space<vmem_shared>>)
        %dma_wait3A_556 = arith.constant 5 : i32
        %dma_wait3A_557 = arith.constant 5 : i32
        %dma_wait3A_558 = arith.constant 0 : i32
        %dma_wait3A_559 = arith.constant 0 : i32
        %dma_wait3A_560 = tpu.memref_slice %arg7[%dma_wait3A_556, %dma_wait3A_558, %dma_wait3A_559] : memref<10x80x16xf32, #tpu.memory_space<vmem>> -> memref<1x80x16xf32, #tpu.memory_space<vmem>>
        %dma_wait3A_561 = tpu.memref_squeeze %dma_wait3A_560 : memref<1x80x16xf32, #tpu.memory_space<vmem>> -> memref<80x16xf32, #tpu.memory_space<vmem>>
        %dma_wait3A_562 = arith.constant 0 : i32
        %dma_wait3A_563 = tpu.memref_slice %arg6[%dma_wait3A_557, %dma_wait3A_562] : memref<10x80xi32, #tpu.memory_space<vmem>> -> memref<1x80xi32, #tpu.memory_space<vmem>>
        %dma_wait3A_564 = tpu.memref_squeeze %dma_wait3A_563 : memref<1x80xi32, #tpu.memory_space<vmem>> -> memref<80xi32, #tpu.memory_space<vmem>>
        %dma_wait3A_565 = arith.constant 0 : i32
        %dma_wait3A_566 = arith.constant 0 : i32
        %dma_wait3A_567 = tpu.memref_slice %arg8[%dma_wait3A_565, %dma_wait3A_566] : memref<10240x16xf32, #tpu.memory_space<vmem_shared>> -> memref<10240x16xf32, #tpu.memory_space<vmem_shared>>
        tpu.wait_indirect_dma semaphore(%arg11 : memref<!tpu.dma_semaphore, #tpu.memory_space<semaphore_mem>>) src(%dma_wait3A_561 : memref<80x16xf32, #tpu.memory_space<vmem>>) dst(%dma_wait3A_567 : memref<10240x16xf32, #tpu.memory_space<vmem_shared>>)
        %dma_wait3A_568 = arith.constant 6 : i32
        %dma_wait3A_569 = arith.constant 6 : i32
        %dma_wait3A_570 = arith.constant 0 : i32
        %dma_wait3A_571 = arith.constant 0 : i32
        %dma_wait3A_572 = tpu.memref_slice %arg7[%dma_wait3A_568, %dma_wait3A_570, %dma_wait3A_571] : memref<10x80x16xf32, #tpu.memory_space<vmem>> -> memref<1x80x16xf32, #tpu.memory_space<vmem>>
        %dma_wait3A_573 = tpu.memref_squeeze %dma_wait3A_572 : memref<1x80x16xf32, #tpu.memory_space<vmem>> -> memref<80x16xf32, #tpu.memory_space<vmem>>
        %dma_wait3A_574 = arith.constant 0 : i32
        %dma_wait3A_575 = tpu.memref_slice %arg6[%dma_wait3A_569, %dma_wait3A_574] : memref<10x80xi32, #tpu.memory_space<vmem>> -> memref<1x80xi32, #tpu.memory_space<vmem>>
        %dma_wait3A_576 = tpu.memref_squeeze %dma_wait3A_575 : memref<1x80xi32, #tpu.memory_space<vmem>> -> memref<80xi32, #tpu.memory_space<vmem>>
        %dma_wait3A_577 = arith.constant 0 : i32
        %dma_wait3A_578 = arith.constant 0 : i32
        %dma_wait3A_579 = tpu.memref_slice %arg8[%dma_wait3A_577, %dma_wait3A_578] : memref<10240x16xf32, #tpu.memory_space<vmem_shared>> -> memref<10240x16xf32, #tpu.memory_space<vmem_shared>>
        tpu.wait_indirect_dma semaphore(%arg11 : memref<!tpu.dma_semaphore, #tpu.memory_space<semaphore_mem>>) src(%dma_wait3A_573 : memref<80x16xf32, #tpu.memory_space<vmem>>) dst(%dma_wait3A_579 : memref<10240x16xf32, #tpu.memory_space<vmem_shared>>)
        %dma_wait3A_580 = arith.constant 7 : i32
        %dma_wait3A_581 = arith.constant 7 : i32
        %dma_wait3A_582 = arith.constant 0 : i32
        %dma_wait3A_583 = arith.constant 0 : i32
        %dma_wait3A_584 = tpu.memref_slice %arg7[%dma_wait3A_580, %dma_wait3A_582, %dma_wait3A_583] : memref<10x80x16xf32, #tpu.memory_space<vmem>> -> memref<1x80x16xf32, #tpu.memory_space<vmem>>
        %dma_wait3A_585 = tpu.memref_squeeze %dma_wait3A_584 : memref<1x80x16xf32, #tpu.memory_space<vmem>> -> memref<80x16xf32, #tpu.memory_space<vmem>>
        %dma_wait3A_586 = arith.constant 0 : i32
        %dma_wait3A_587 = tpu.memref_slice %arg6[%dma_wait3A_581, %dma_wait3A_586] : memref<10x80xi32, #tpu.memory_space<vmem>> -> memref<1x80xi32, #tpu.memory_space<vmem>>
        %dma_wait3A_588 = tpu.memref_squeeze %dma_wait3A_587 : memref<1x80xi32, #tpu.memory_space<vmem>> -> memref<80xi32, #tpu.memory_space<vmem>>
        %dma_wait3A_589 = arith.constant 0 : i32
        %dma_wait3A_590 = arith.constant 0 : i32
        %dma_wait3A_591 = tpu.memref_slice %arg8[%dma_wait3A_589, %dma_wait3A_590] : memref<10240x16xf32, #tpu.memory_space<vmem_shared>> -> memref<10240x16xf32, #tpu.memory_space<vmem_shared>>
        tpu.wait_indirect_dma semaphore(%arg11 : memref<!tpu.dma_semaphore, #tpu.memory_space<semaphore_mem>>) src(%dma_wait3A_585 : memref<80x16xf32, #tpu.memory_space<vmem>>) dst(%dma_wait3A_591 : memref<10240x16xf32, #tpu.memory_space<vmem_shared>>)
        %dma_wait3A_592 = arith.constant 8 : i32
        %dma_wait3A_593 = arith.constant 8 : i32
        %dma_wait3A_594 = arith.constant 0 : i32
        %dma_wait3A_595 = arith.constant 0 : i32
        %dma_wait3A_596 = tpu.memref_slice %arg7[%dma_wait3A_592, %dma_wait3A_594, %dma_wait3A_595] : memref<10x80x16xf32, #tpu.memory_space<vmem>> -> memref<1x80x16xf32, #tpu.memory_space<vmem>>
        %dma_wait3A_597 = tpu.memref_squeeze %dma_wait3A_596 : memref<1x80x16xf32, #tpu.memory_space<vmem>> -> memref<80x16xf32, #tpu.memory_space<vmem>>
        %dma_wait3A_598 = arith.constant 0 : i32
        %dma_wait3A_599 = tpu.memref_slice %arg6[%dma_wait3A_593, %dma_wait3A_598] : memref<10x80xi32, #tpu.memory_space<vmem>> -> memref<1x80xi32, #tpu.memory_space<vmem>>
        %dma_wait3A_600 = tpu.memref_squeeze %dma_wait3A_599 : memref<1x80xi32, #tpu.memory_space<vmem>> -> memref<80xi32, #tpu.memory_space<vmem>>
        %dma_wait3A_601 = arith.constant 0 : i32
        %dma_wait3A_602 = arith.constant 0 : i32
        %dma_wait3A_603 = tpu.memref_slice %arg8[%dma_wait3A_601, %dma_wait3A_602] : memref<10240x16xf32, #tpu.memory_space<vmem_shared>> -> memref<10240x16xf32, #tpu.memory_space<vmem_shared>>
        tpu.wait_indirect_dma semaphore(%arg11 : memref<!tpu.dma_semaphore, #tpu.memory_space<semaphore_mem>>) src(%dma_wait3A_597 : memref<80x16xf32, #tpu.memory_space<vmem>>) dst(%dma_wait3A_603 : memref<10240x16xf32, #tpu.memory_space<vmem_shared>>)
        %dma_wait3A_604 = arith.constant 9 : i32
        %dma_wait3A_605 = arith.constant 9 : i32
        %dma_wait3A_606 = arith.constant 0 : i32
        %dma_wait3A_607 = arith.constant 0 : i32
        %dma_wait3A_608 = tpu.memref_slice %arg7[%dma_wait3A_604, %dma_wait3A_606, %dma_wait3A_607] : memref<10x80x16xf32, #tpu.memory_space<vmem>> -> memref<1x80x16xf32, #tpu.memory_space<vmem>>
        %dma_wait3A_609 = tpu.memref_squeeze %dma_wait3A_608 : memref<1x80x16xf32, #tpu.memory_space<vmem>> -> memref<80x16xf32, #tpu.memory_space<vmem>>
        %dma_wait3A_610 = arith.constant 0 : i32
        %dma_wait3A_611 = tpu.memref_slice %arg6[%dma_wait3A_605, %dma_wait3A_610] : memref<10x80xi32, #tpu.memory_space<vmem>> -> memref<1x80xi32, #tpu.memory_space<vmem>>
        %dma_wait3A_612 = tpu.memref_squeeze %dma_wait3A_611 : memref<1x80xi32, #tpu.memory_space<vmem>> -> memref<80xi32, #tpu.memory_space<vmem>>
        %dma_wait3A_613 = arith.constant 0 : i32
        %dma_wait3A_614 = arith.constant 0 : i32
        %dma_wait3A_615 = tpu.memref_slice %arg8[%dma_wait3A_613, %dma_wait3A_614] : memref<10240x16xf32, #tpu.memory_space<vmem_shared>> -> memref<10240x16xf32, #tpu.memory_space<vmem_shared>>
        tpu.wait_indirect_dma semaphore(%arg11 : memref<!tpu.dma_semaphore, #tpu.memory_space<semaphore_mem>>) src(%dma_wait3A_609 : memref<80x16xf32, #tpu.memory_space<vmem>>) dst(%dma_wait3A_615 : memref<10240x16xf32, #tpu.memory_space<vmem_shared>>)
      } else {
      }
    }
    %scan3A_5 = arith.constant 13 : i32
    %barrier3A_6 = arith.constant 0 : index
    tpu.barrier barrier_id(%barrier3A_6)
    "tpu.region"() ({
      %run_scoped3A = tpu.sem_alloc : memref<!tpu.dma_semaphore, #tpu.memory_space<semaphore_mem>>
      %dma_start3A = arith.constant 0 : i32
      %dma_start3A_7 = tpu.memref_slice %arg5[%arg0, %mul3A_0, %dma_start3A] : memref<2x10240x16xf32, #tpu.memory_space<hbm>> -> memref<1x640x16xf32, #tpu.memory_space<hbm>>
      %dma_start3A_8 = tpu.memref_squeeze %dma_start3A_7 : memref<1x640x16xf32, #tpu.memory_space<hbm>> -> memref<640x16xf32, #tpu.memory_space<hbm>>
      %dma_start3A_9 = arith.constant 0 : i32
      %dma_start3A_10 = tpu.memref_slice %arg8[%mul3A_0, %dma_start3A_9] : memref<10240x16xf32, #tpu.memory_space<vmem_shared>> -> memref<640x16xf32, #tpu.memory_space<vmem_shared>>
      tpu.enqueue_dma source(%dma_start3A_10 : memref<640x16xf32, #tpu.memory_space<vmem_shared>>) target(%dma_start3A_8 : memref<640x16xf32, #tpu.memory_space<hbm>>) target_semaphore(%run_scoped3A : memref<!tpu.dma_semaphore, #tpu.memory_space<semaphore_mem>>)
      %dma_wait3A = arith.constant 0 : i32
      %dma_wait3A_11 = tpu.memref_slice %arg5[%arg0, %mul3A_0, %dma_wait3A] : memref<2x10240x16xf32, #tpu.memory_space<hbm>> -> memref<1x640x16xf32, #tpu.memory_space<hbm>>
      %dma_wait3A_12 = tpu.memref_squeeze %dma_wait3A_11 : memref<1x640x16xf32, #tpu.memory_space<hbm>> -> memref<640x16xf32, #tpu.memory_space<hbm>>
      %dma_wait3A_13 = arith.constant 0 : i32
      %dma_wait3A_14 = tpu.memref_slice %arg8[%mul3A_0, %dma_wait3A_13] : memref<10240x16xf32, #tpu.memory_space<vmem_shared>> -> memref<640x16xf32, #tpu.memory_space<vmem_shared>>
      tpu.wait_dma2 semaphore(%run_scoped3A : memref<!tpu.dma_semaphore, #tpu.memory_space<semaphore_mem>>) src(%dma_wait3A_14 : memref<640x16xf32, #tpu.memory_space<vmem_shared>>) dst(%dma_wait3A_12 : memref<640x16xf32, #tpu.memory_space<hbm>>)
      tpu.yield
    }) : () -> ()
    return
  }
}

module attributes {stable_mosaic.version = 14 : i64} {
  func.func @_tc_xs_body(%arg0: i32, %arg1: memref<2x2000x64xf32, #tpu.memory_space<vmem>>, %arg2: memref<128x128xf32, #tpu.memory_space<vmem>>, %arg3: memref<128x128xf32, #tpu.memory_space<vmem>>, %arg4: memref<2000x128xf32, #tpu.memory_space<vmem>>) attributes {dimension_semantics = [#tpu.dimension_semantics<arbitrary>], iteration_bounds = array<i64: 5>, scalar_prefetch = 0 : i64, scratch_operands = 0 : i64, tpu.core_type = #tpu.core_type<tc>, window_params = [{transform_indices = @transform_0, window_bounds = array<i64: 2, 2000, 64>}, {pipeline_mode = #tpu.pipeline_mode<synchronous>, transform_indices = @transform_1, window_bounds = array<i64: 128, 128>}, {pipeline_mode = #tpu.pipeline_mode<synchronous>, transform_indices = @transform_2, window_bounds = array<i64: 128, 128>}, {transform_indices = @transform_3, window_bounds = array<i64: 2000, 128>}]} {
    %get3A = arith.constant 0 : index
    %get3A_0 = arith.constant 0 : index
    %get3A_1 = vector.load %arg3[%get3A, %get3A_0] : memref<128x128xf32, #tpu.memory_space<vmem>>, vector<128x128xf32>
    %get3A_2 = arith.constant 0 : index
    %get3A_3 = arith.constant 0 : index
    %get3A_4 = vector.load %arg2[%get3A_2, %get3A_3] : memref<128x128xf32, #tpu.memory_space<vmem>>, vector<128x128xf32>
    %dot_general3A = arith.constant dense<0.000000e+00> : vector<128x128xf32>
    %dot_general3A_5 = tpu.matmul %get3A_1, %get3A_4, %dot_general3A {dimension_numbers = #tpu.dot_dimension_numbers<[1], [0], [0], [1], [0, 0, 1, 1], [], []>, precision = #tpu.contract_precision<fp32>, transpose_lhs_hint = false} : vector<128x128xf32>, vector<128x128xf32>, vector<128x128xf32> -> vector<128x128xf32>
    %get3A_6 = arith.constant 0 : index
    %get3A_7 = arith.constant 0 : index
    %get3A_8 = arith.constant 0 : index
    %get3A_9 = vector.load %arg1[%get3A_6, %get3A_7, %get3A_8] : memref<2x2000x64xf32, #tpu.memory_space<vmem>>, vector<1x2000x64xf32>
    %get3A_10 = vector.shape_cast %get3A_9 : vector<1x2000x64xf32> to vector<2000x64xf32>
    %slice3A = vector.extract_strided_slice %dot_general3A_5 {offsets = [0, 0], sizes = [128, 64], strides = [1, 1]} : vector<128x128xf32> to vector<128x64xf32>
    %dot_general3A_11 = arith.constant dense<0.000000e+00> : vector<2000x128xf32>
    %dot_general3A_12 = tpu.matmul %get3A_10, %slice3A, %dot_general3A_11 {dimension_numbers = #tpu.dot_dimension_numbers<[1], [1], [0], [0], [0, 0, 1, 0], [], []>, precision = #tpu.contract_precision<fp32>, transpose_lhs_hint = false} : vector<2000x64xf32>, vector<128x64xf32>, vector<2000x128xf32> -> vector<2000x128xf32>
    %get3A_13 = arith.constant 1 : index
    %get3A_14 = arith.constant 0 : index
    %get3A_15 = arith.constant 0 : index
    %get3A_16 = vector.load %arg1[%get3A_13, %get3A_14, %get3A_15] : memref<2x2000x64xf32, #tpu.memory_space<vmem>>, vector<1x2000x64xf32>
    %get3A_17 = vector.shape_cast %get3A_16 : vector<1x2000x64xf32> to vector<2000x64xf32>
    %slice3A_18 = vector.extract_strided_slice %dot_general3A_5 {offsets = [0, 64], sizes = [128, 64], strides = [1, 1]} : vector<128x128xf32> to vector<128x64xf32>
    %dot_general3A_19 = arith.constant dense<0.000000e+00> : vector<2000x128xf32>
    %dot_general3A_20 = tpu.matmul %get3A_17, %slice3A_18, %dot_general3A_19 {dimension_numbers = #tpu.dot_dimension_numbers<[1], [1], [0], [0], [0, 0, 1, 0], [], []>, precision = #tpu.contract_precision<fp32>, transpose_lhs_hint = false} : vector<2000x64xf32>, vector<128x64xf32>, vector<2000x128xf32> -> vector<2000x128xf32>
    %add3A = arith.addf %dot_general3A_12, %dot_general3A_20 : vector<2000x128xf32>
    %swap3A = arith.constant 0 : index
    %swap3A_21 = arith.constant 0 : index
    %swap3A_22 = vector.load %arg4[%swap3A, %swap3A_21] : memref<2000x128xf32, #tpu.memory_space<vmem>>, vector<2000x128xf32>
    tpu.vector_store %arg4[%swap3A, %swap3A_21], %add3A {strides = array<i32>} : memref<2000x128xf32, #tpu.memory_space<vmem>>, vector<2000x128xf32>,
    return
  }
  func.func @transform_0(%arg0: i32) -> (i32, i32, i32) {
    %c0_i32 = arith.constant 0 : i32
    %c0_i32_0 = arith.constant 0 : i32
    %c0_i32_1 = arith.constant 0 : i32
    return %c0_i32, %arg0, %c0_i32_0 : i32, i32, i32
  }
  func.func @transform_1(%arg0: i32) -> (i32, i32) {
    %c0_i32 = arith.constant 0 : i32
    %c0_i32_0 = arith.constant 0 : i32
    %c0_i32_1 = arith.constant 0 : i32
    return %c0_i32, %c0_i32_0 : i32, i32
  }
  func.func @transform_2(%arg0: i32) -> (i32, i32) {
    %c0_i32 = arith.constant 0 : i32
    %c0_i32_0 = arith.constant 0 : i32
    %c0_i32_1 = arith.constant 0 : i32
    return %c0_i32, %c0_i32_0 : i32, i32
  }
  func.func @transform_3(%arg0: i32) -> (i32, i32) {
    %c0_i32 = arith.constant 0 : i32
    %c0_i32_0 = arith.constant 0 : i32
    return %arg0, %c0_i32 : i32, i32
  }
}

module attributes {stable_mosaic.version = 14 : i64} {
  func.func @_tc_fin_body(%arg0: i32, %arg1: memref<2000x128xf32, #tpu.memory_space<vmem>>, %arg2: memref<2x2000x16xf32, #tpu.memory_space<vmem>>, %arg3: memref<2x2000x16xf32, #tpu.memory_space<vmem>>, %arg4: memref<128x16xf32, #tpu.memory_space<vmem>>, %arg5: memref<128x128xf32, #tpu.memory_space<vmem>>, %arg6: memref<128xf32, #tpu.memory_space<vmem>>, %arg7: memref<128xf32, #tpu.memory_space<vmem>>, %arg8: memref<128xf32, #tpu.memory_space<vmem>>, %arg9: memref<2000x128xf32, #tpu.memory_space<vmem>>) attributes {dimension_semantics = [#tpu.dimension_semantics<arbitrary>], iteration_bounds = array<i64: 5>, scalar_prefetch = 0 : i64, scratch_operands = 0 : i64, tpu.core_type = #tpu.core_type<tc>, window_params = [{transform_indices = @transform_0, window_bounds = array<i64: 2000, 128>}, {transform_indices = @transform_1, window_bounds = array<i64: 2, 2000, 16>}, {transform_indices = @transform_2, window_bounds = array<i64: 2, 2000, 16>}, {pipeline_mode = #tpu.pipeline_mode<synchronous>, transform_indices = @transform_3, window_bounds = array<i64: 128, 16>}, {pipeline_mode = #tpu.pipeline_mode<synchronous>, transform_indices = @transform_4, window_bounds = array<i64: 128, 128>}, {pipeline_mode = #tpu.pipeline_mode<synchronous>, transform_indices = @transform_5, window_bounds = array<i64: 128>}, {pipeline_mode = #tpu.pipeline_mode<synchronous>, transform_indices = @transform_6, window_bounds = array<i64: 128>}, {pipeline_mode = #tpu.pipeline_mode<synchronous>, transform_indices = @transform_7, window_bounds = array<i64: 128>}, {transform_indices = @transform_8, window_bounds = array<i64: 2000, 128>}]} {
    %get3A = arith.constant 0 : index
    %get3A_0 = arith.constant 0 : index
    %get3A_1 = vector.load %arg5[%get3A, %get3A_0] : memref<128x128xf32, #tpu.memory_space<vmem>>, vector<128x128xf32>
    %get3A_2 = arith.constant 0 : index
    %get3A_3 = arith.constant 0 : index
    %get3A_4 = vector.load %arg4[%get3A_2, %get3A_3] : memref<128x16xf32, #tpu.memory_space<vmem>>, vector<128x16xf32>
    %dot_general3A = arith.constant dense<0.000000e+00> : vector<128x16xf32>
    %dot_general3A_5 = tpu.matmul %get3A_1, %get3A_4, %dot_general3A {dimension_numbers = #tpu.dot_dimension_numbers<[1], [0], [0], [1], [0, 0, 1, 1], [], []>, precision = #tpu.contract_precision<fp32>, transpose_lhs_hint = false} : vector<128x128xf32>, vector<128x16xf32>, vector<128x16xf32> -> vector<128x16xf32>
    %get3A_6 = arith.constant 0 : index
    %get3A_7 = vector.load %arg6[%get3A_6] : memref<128xf32, #tpu.memory_space<vmem>>, vector<128xf32>
    %get3A_8 = arith.constant 0 : index
    %get3A_9 = vector.load %arg7[%get3A_8] : memref<128xf32, #tpu.memory_space<vmem>>, vector<128xf32>
    %add3A = arith.addf %get3A_7, %get3A_9 : vector<128xf32>
    %broadcast_in_dim3A = vector.shape_cast %add3A : vector<128xf32> to vector<1x128xf32>
    %dot_general3A_10 = arith.constant dense<0.000000e+00> : vector<1x128xf32>
    %dot_general3A_11 = tpu.matmul %broadcast_in_dim3A, %get3A_1, %dot_general3A_10 {dimension_numbers = #tpu.dot_dimension_numbers<[1], [1], [0], [0], [0, 0, 1, 0], [], []>, precision = #tpu.contract_precision<fp32>, transpose_lhs_hint = false} : vector<1x128xf32>, vector<128x128xf32>, vector<1x128xf32> -> vector<1x128xf32>
    %get3A_12 = arith.constant 0 : index
    %get3A_13 = vector.load %arg8[%get3A_12] : memref<128xf32, #tpu.memory_space<vmem>>, vector<128xf32>
    %broadcast_in_dim3A_14 = vector.shape_cast %get3A_13 : vector<128xf32> to vector<1x128xf32>
    %add3A_15 = arith.addf %dot_general3A_11, %broadcast_in_dim3A_14 : vector<1x128xf32>
    %get3A_16 = arith.constant 0 : index
    %get3A_17 = arith.constant 0 : index
    %get3A_18 = arith.constant 0 : index
    %get3A_19 = vector.load %arg2[%get3A_16, %get3A_17, %get3A_18] : memref<2x2000x16xf32, #tpu.memory_space<vmem>>, vector<1x2000x16xf32>
    %get3A_20 = vector.shape_cast %get3A_19 : vector<1x2000x16xf32> to vector<2000x16xf32>
    %get3A_21 = arith.constant 1 : index
    %get3A_22 = arith.constant 0 : index
    %get3A_23 = arith.constant 0 : index
    %get3A_24 = vector.load %arg2[%get3A_21, %get3A_22, %get3A_23] : memref<2x2000x16xf32, #tpu.memory_space<vmem>>, vector<1x2000x16xf32>
    %get3A_25 = vector.shape_cast %get3A_24 : vector<1x2000x16xf32> to vector<2000x16xf32>
    %add3A_26 = arith.addf %get3A_20, %get3A_25 : vector<2000x16xf32>
    %get3A_27 = arith.constant 0 : index
    %get3A_28 = arith.constant 0 : index
    %get3A_29 = arith.constant 0 : index
    %get3A_30 = vector.load %arg3[%get3A_27, %get3A_28, %get3A_29] : memref<2x2000x16xf32, #tpu.memory_space<vmem>>, vector<1x2000x16xf32>
    %get3A_31 = vector.shape_cast %get3A_30 : vector<1x2000x16xf32> to vector<2000x16xf32>
    %get3A_32 = arith.constant 1 : index
    %get3A_33 = arith.constant 0 : index
    %get3A_34 = arith.constant 0 : index
    %get3A_35 = vector.load %arg3[%get3A_32, %get3A_33, %get3A_34] : memref<2x2000x16xf32, #tpu.memory_space<vmem>>, vector<1x2000x16xf32>
    %get3A_36 = vector.shape_cast %get3A_35 : vector<1x2000x16xf32> to vector<2000x16xf32>
    %add3A_37 = arith.addf %get3A_31, %get3A_36 : vector<2000x16xf32>
    %reduce_max3A = arith.constant dense<0xFF800000> : vector<2000xf32>
    %reduce_max3A_38 = vector.multi_reduction <maximumf>, %add3A_37, %reduce_max3A [1] : vector<2000x16xf32> to vector<2000xf32>
    %broadcast_in_dim3A_39 = vector.shape_cast %reduce_max3A_38 : vector<2000xf32> to vector<2000x1xf32>
    %get3A_40 = arith.constant 0 : index
    %get3A_41 = arith.constant 0 : index
    %get3A_42 = vector.load %arg1[%get3A_40, %get3A_41] : memref<2000x128xf32, #tpu.memory_space<vmem>>, vector<2000x128xf32>
    %dot_general3A_43 = arith.constant dense<0.000000e+00> : vector<2000x128xf32>
    %dot_general3A_44 = tpu.matmul %add3A_26, %dot_general3A_5, %dot_general3A_43 {dimension_numbers = #tpu.dot_dimension_numbers<[1], [1], [0], [0], [0, 0, 1, 0], [], []>, precision = #tpu.contract_precision<fp32>, transpose_lhs_hint = false} : vector<2000x16xf32>, vector<128x16xf32>, vector<2000x128xf32> -> vector<2000x128xf32>
    %add3A_45 = arith.addf %get3A_42, %dot_general3A_44 : vector<2000x128xf32>
    %mul3A = vector.broadcast %broadcast_in_dim3A_39 : vector<2000x1xf32> to vector<2000x128xf32>
    %mul3A_46 = vector.broadcast %add3A_15 : vector<1x128xf32> to vector<2000x128xf32>
    %mul3A_47 = arith.mulf %mul3A, %mul3A_46 : vector<2000x128xf32>
    %add3A_48 = arith.addf %add3A_45, %mul3A_47 : vector<2000x128xf32>
    %max3A = arith.constant 1.000000e+00 : f32
    %max3A_49 = vector.broadcast %max3A : f32 to vector<2000x1xf32>
    %max3A_50 = arith.maximumf %broadcast_in_dim3A_39, %max3A_49 : vector<2000x1xf32>
    %div3A = vector.broadcast %max3A_50 : vector<2000x1xf32> to vector<2000x128xf32>
    %div3A_51 = arith.divf %add3A_48, %div3A : vector<2000x128xf32>
    %swap3A = arith.constant 0 : index
    %swap3A_52 = arith.constant 0 : index
    %swap3A_53 = vector.load %arg9[%swap3A, %swap3A_52] : memref<2000x128xf32, #tpu.memory_space<vmem>>, vector<2000x128xf32>
    tpu.vector_store %arg9[%swap3A, %swap3A_52], %div3A_51 {strides = array<i32>} : memref<2000x128xf32, #tpu.memory_space<vmem>>, vector<2000x128xf32>,
    return
  }
  func.func @transform_0(%arg0: i32) -> (i32, i32) {
    %c0_i32 = arith.constant 0 : i32
    %c0_i32_0 = arith.constant 0 : i32
    return %arg0, %c0_i32 : i32, i32
  }
  func.func @transform_1(%arg0: i32) -> (i32, i32, i32) {
    %c0_i32 = arith.constant 0 : i32
    %c0_i32_0 = arith.constant 0 : i32
    %c0_i32_1 = arith.constant 0 : i32
    return %c0_i32, %arg0, %c0_i32_0 : i32, i32, i32
  }
  func.func @transform_2(%arg0: i32) -> (i32, i32, i32) {
    %c0_i32 = arith.constant 0 : i32
    %c0_i32_0 = arith.constant 0 : i32
    %c0_i32_1 = arith.constant 0 : i32
    return %c0_i32, %arg0, %c0_i32_0 : i32, i32, i32
  }
  func.func @transform_3(%arg0: i32) -> (i32, i32) {
    %c0_i32 = arith.constant 0 : i32
    %c0_i32_0 = arith.constant 0 : i32
    %c0_i32_1 = arith.constant 0 : i32
    return %c0_i32, %c0_i32_0 : i32, i32
  }
  func.func @transform_4(%arg0: i32) -> (i32, i32) {
    %c0_i32 = arith.constant 0 : i32
    %c0_i32_0 = arith.constant 0 : i32
    %c0_i32_1 = arith.constant 0 : i32
    return %c0_i32, %c0_i32_0 : i32, i32
  }
  func.func @transform_5(%arg0: i32) -> i32 {
    %c0_i32 = arith.constant 0 : i32
    %c0_i32_0 = arith.constant 0 : i32
    return %c0_i32 : i32
  }
  func.func @transform_6(%arg0: i32) -> i32 {
    %c0_i32 = arith.constant 0 : i32
    %c0_i32_0 = arith.constant 0 : i32
    return %c0_i32 : i32
  }
  func.func @transform_7(%arg0: i32) -> i32 {
    %c0_i32 = arith.constant 0 : i32
    %c0_i32_0 = arith.constant 0 : i32
    return %c0_i32 : i32
  }
  func.func @transform_8(%arg0: i32) -> (i32, i32) {
    %c0_i32 = arith.constant 0 : i32
    %c0_i32_0 = arith.constant 0 : i32
    return %arg0, %c0_i32 : i32, i32
  }
}

</mosaic_0001>

<sc_bundles>
// kernel: kernel.6.cloned.1.call-start
scs
__scs_entry_jumppad:
0x0: {  	(pc) =	sbr.rel $0x88, $3  }
0x1: {  	(tag) =	ssettag $0x0;
	lr =	simm.s32 $0x1  }
0x2: {  	[smem:$0x3F98] =	sst lr;
	_ =	strace $0xD0000000  }
0x3: {  	_ = 	snop  }
0x4: {  	_ = 	snop  }
0x5: {  	_ = 	snop  }
0x6: {  	_ = 	snop  }
0x7: {  	_ = 	snop  }
__scs_overlays_trampoline_lowered:
0x8: {  	[smem:$0x3FA7] =	sst s0  }
0x9: {  	[smem:$0x3FA8] =	sst s1  }
0xa: {  	[smem:$0x3FA9] =	sst s2  }
0xb: {  	[smem:$0x3FAA] =	sst s3  }
0xc: {  	[smem:$0x3FAB] =	sst s4  }
0xd: {  	[smem:$0x3FAC] =	sst s5  }
0xe: {  	[smem:$0x3FAD] =	sst s6  }
0xf: {  	[smem:$0x3FAE] =	sst s7  }
0x10: {  	[smem:$0x3FAF] =	sst s8  }
0x11: {  	[smem:$0x3FB0] =	sst s9;
	s0 =	simm.s32 @!p0 $0x0  }
0x12: {  	s1 =	sld [smem:$0x3F96];
	s0 =	simm.s32 @p0 $0x1  }
0x13: {  	[smem:$0x3FB1] =	sst s0;
	s0 =	simm.s32 @!p1 $0x0  }
0x14: {  	s2 =	sld [smem:$0x3F95];
	s0 =	simm.s32 @p1 $0x1  }
0x15: {  	[smem:$0x3FB2] =	sst s0;
	s0 =	simm.s32 @!p2 $0x0  }
0x16: {  	s3 =	sld [smem:$0x3FDB];
	s0 =	simm.s32 @p2 $0x1  }
0x17: {  	s4 =	simm.s32 $0x1BF5;
	[smem:$0x3FB4] =	sst s0  }
0x18: {  	s0 =	sld [smem:$0x3F97];
	_ =	swait.ge [sflag:s4], $0x0  }
0x19: {  	s7 =	sld [smem:$0x3F98]  }
0x1a: {  	s8 =	sadd.s32 $0xFFFFE003, lr  }
0x1b: {  	s9 =	sadd.s32 $0xFFFFFEF7, lr;
	s5 =	simm.s32 $0xFFFFFFFF;
	p2 =	slt.u32 s8, $0xFFFFF086  }
0x1c: {  	p1 =	slt.u32 s9, $0xF7A;
	s5 =	simm.s32 @!p2 $0x0  }
0x1d: {  	s5 =	simm.s32 @p1 $0x1;
	p0 =	seq.s32 s7, s2  }
0x1e: {  	s7 =	smul.u32 @!p0 $0xF7A, s2;
	p2 =	seq.s32 @!p0 s5, $0x0  }
0x1f: {  	s9 =	smul.u32 $0xF7A, s1;
	s8 =	simm.s32 @!p0 $0x1BF5;
	p2 =	por !p2, p0  }
0x20: {  	[sflag:s8] =	ssyncset.s32 @!p0 $0xFFFFF086;
	s6 =	sadd.s32 @!p0 s3, s7;
	s7 =	simm.s32 @!p0 $0x108  }
0x21: {  	s3 =	sadd.s32 s3, s9;
	s6 =	sadd.s32 @!p0 $0x88, s6;
	s7 =	simm.s32 @p2 $0x1082  }
0x22: {  	[simem:s7], [sflag:s8] =	dma.local @!p0 [hbm:s6], $0xF7A  }
0x23: {  	s9 =	sor.u32 $0xD0000000, s2;
	s6 =	simm.s32 $0x108;
	_ =	swait.ge @!p0 [sflag:s8], $0x0  }
0x24: {  	s3 =	sadd.s32 $0x88, s3;
	s6 =	simm.s32 @!p1 $0x1082;
	[sflag:s4] =	ssyncset.s32 $0xFFFFF086  }
0x25: {  	[simem:s6], [sflag:s4] =	dma.local [hbm:s3], $0xF7A  }
0x26: {  	[smem:$0x3F98] =	sst s1;
	(tag) =	ssettag s2;
	_ =	strace s9  }
0x27: {  	s1 =	sld [smem:$0x3FA8]  }
0x28: {  	s2 =	sld [smem:$0x3FA9]  }
0x29: {  	s4 =	sld [smem:$0x3FAB]  }
0x2a: {  	p0 =	seq.s32 s5, $0x0;
	s5 =	sld [smem:$0x3FAC]  }
0x2b: {  	s6 =	sld [smem:$0x3FAD]  }
0x2c: {  	s7 =	sld [smem:$0x3FAE]  }
0x2d: {  	s3 =	simm.s32 $0x108;
	s8 =	sld [smem:$0x3FAF]  }
0x2e: {  	s3 =	simm.s32 @!p0 $0x1082;
	s9 =	sld [smem:$0x3FB0]  }
0x2f: {  	lr =	sadd.s32 s0, s3;
	s0 =	sld [smem:$0x3FA7]  }
0x30: {  	s3 =	sld [smem:$0x3FAA]  }
0x31: {  	[smem:$0x3FB3] =	sst s10  }
0x32: {  	s10 =	sld [smem:$0x3FB1];
	_ =	sdelay $0x3  }
0x33: {  	p0 =	seq.s32 s10, $0x1;
	s10 =	sld [smem:$0x3FB3];
	_ =	sdelay $0x3  }
0x34: {  	[smem:$0x3FB3] =	sst s10  }
0x35: {  	s10 =	sld [smem:$0x3FB2];
	_ =	sdelay $0x3  }
0x36: {  	p1 =	seq.s32 s10, $0x1;
	s10 =	sld [smem:$0x3FB3];
	_ =	sdelay $0x3  }
0x37: {  	[smem:$0x3FB3] =	sst s10  }
0x38: {  	s10 =	sld [smem:$0x3FB4]  }
0x39: {  	_ = 	snop;
	(pc) =	sbr.ind lr, $3  }
0x3a: {  	_ = 	snop  }
0x3b: {  	_ = 	snop  }
0x3c: {  	p2 =	seq.s32 s10, $0x1;
	s10 =	sld [smem:$0x3FB3]  }
0x3d: {  	_ =	shalt  }
0x3e: {  	_ =	shalt  }
0x3f: {  	_ =	shalt  }
0x40: {  	_ =	shalt  }
0x41: {  	_ =	shalt  }
0x42: {  	_ =	shalt  }
0x43: {  	_ =	shalt  }
0x44: {  	_ =	shalt  }
0x45: {  	_ =	shalt  }
0x46: {  	_ =	shalt  }
0x47: {  	_ =	shalt  }
0x48: {  	_ =	shalt  }
0x49: {  	_ =	shalt  }
0x4a: {  	_ =	shalt  }
0x4b: {  	_ =	shalt  }
0x4c: {  	_ =	shalt  }
0x4d: {  	_ =	shalt  }
0x4e: {  	_ =	shalt  }
0x4f: {  	_ =	shalt  }
0x50: {  	_ =	shalt  }
0x51: {  	_ =	shalt  }
0x52: {  	_ =	shalt  }
0x53: {  	_ =	shalt  }
0x54: {  	_ =	shalt  }
0x55: {  	_ =	shalt  }
0x56: {  	_ =	shalt  }
0x57: {  	_ =	shalt  }
0x58: {  	_ =	shalt  }
0x59: {  	_ =	shalt  }
0x5a: {  	_ =	shalt  }
0x5b: {  	_ =	shalt  }
0x5c: {  	_ =	shalt  }
0x5d: {  	_ =	shalt  }
0x5e: {  	_ =	shalt  }
0x5f: {  	_ =	shalt  }
0x60: {  	_ =	shalt  }
0x61: {  	_ =	shalt  }
0x62: {  	_ =	shalt  }
0x63: {  	_ =	shalt  }
0x64: {  	_ =	shalt  }
0x65: {  	_ =	shalt  }
0x66: {  	_ =	shalt  }
0x67: {  	_ =	shalt  }
0x68: {  	_ =	shalt  }
0x69: {  	_ =	shalt  }
0x6a: {  	_ =	shalt  }
0x6b: {  	_ =	shalt  }
0x6c: {  	_ =	shalt  }
0x6d: {  	_ =	shalt  }
0x6e: {  	_ =	shalt  }
0x6f: {  	_ =	shalt  }
0x70: {  	_ =	shalt  }
0x71: {  	_ =	shalt  }
0x72: {  	_ =	shalt  }
0x73: {  	_ =	shalt  }
0x74: {  	_ =	shalt  }
0x75: {  	_ =	shalt  }
0x76: {  	_ =	shalt  }
0x77: {  	_ =	shalt  }
0x78: {  	_ =	shalt  }
0x79: {  	_ =	shalt  }
0x7a: {  	_ =	shalt  }
0x7b: {  	_ =	shalt  }
0x7c: {  	_ =	shalt  }
0x7d: {  	_ =	shalt  }
0x7e: {  	_ =	shalt  }
0x7f: {  	_ =	shalt  }
0x80: {  	_ =	shalt  }
0x81: {  	_ =	shalt  }
0x82: {  	_ =	shalt  }
0x83: {  	_ =	shalt  }
0x84: {  	_ =	shalt  }
0x85: {  	_ =	shalt  }
0x86: {  	_ =	shalt  }
0x87: {  	_ =	shalt  }
.Lfunc_end0:
.L_simem_size_0:
called_computation_lowered:
.L_overlay_start_0:
0x88: {  	s2 =	sld [smem:$0x3FD9]  }
0x89: {  	s3 =	sld [smem:$0x3FFE];
	_ =	sdelay $0x1  }
0x8a: {  	s1 =	srdreg.scid  }
0x8b: {  	s0 =	sand.u32 $0x1, s1  }
0x8c: {  	s17 =	sshll.u32 s0, $0xA;
	s2 =	sadd.s32 s3, s2  }
0x8d: {  	s2 =	sadd.s32 s2, s17  }
0x8e: {  	[smem:$0x3FBF] =	sst s2  }
0x8f: {  	_ = 	snop  }
0x90: {  	s2 =	sld [smem:$0x3FC9];
	(tm) =	ssettm $0x1  }
0x91: {  	s18 =	sld [smem:$0x3FFB];
	_ =	sdelay $0x3  }
0x92: {  	_ =	strace s18  }
0x93: {  	s3 =	sld [smem:$0x3FFC];
	_ =	sdelay $0x3  }
0x94: {  	_ =	strace s3  }
0x95: {  	s3 =	sld [smem:$0x3FFD];
	_ =	sdelay $0x3  }
0x96: {  	_ =	strace s3  }
0x97: {  	_ =	strace $0x8FFFFFFF  }
0x98: {  	s19 =	sld [smem:$0x3FDB];
	_ =	sdelay $0x1  }
0x99: {  	s4 =	simm.s32 $_scs_section_size  }
0x9a: {  	s5 =	simm.s32 $_size__tile_overlayer_lowered;
	s6 =	simm.s32 $_tile_overlayer_lowered  }
0x9b: {  	s22 =	simm.s32 $0x1BFF;
	s21 =	sshll.u32 s6, $0x1;
	s3 =	sadd.s32 s4, s19  }
0x9c: {  	s7 =	simm.s32 $0x0;
	s20 =	sshll.u32 s5, $0x1;
	s5 =	sadd.s32 s21, s3  }
0x9d: {  	[timem:s7], [sflag:s22] =	dma.local [hbm:s5], s20  }
0x9e: {  	_ =	swait.ge [sflag:s22], s20  }
0x9f: {  	s4 =	ssub.s32 $0x0, s20;
	[sflag:s22] =	ssyncset.done $0x0  }
0xa0: {  	[sflag:s22] =	ssyncadd.s32 s4;
	_ =	sdelay $0x1  }
0xa1: {  	s23 =	simm.s32 $0x1B8B  }
0xa2: {  	_ =	swait.ge [sflag:s23], $0x1  }
0xa3: {  	[sflag:s23] =	ssyncset.done $0x0  }
0xa4: {  	s25 =	simm.s32 $0x1B8E;
	s24 =	sld [smem:$0x3FFE];
	[sflag:s23] =	ssyncadd.s32 $0xFFFFFFFF  }
0xa5: {  	s26 =	simm.s32 $execute0_lowered;
	[smem:$0x3FD2] =	sst s25  }
0xa6: {  	s5 =	sshll.u32 s26, $0x1;
	_ =	strace $0x80000046;
	[dreg:$0x1] =	wrdreg $0xFFFFFFFF  }
0xa7: {  	s28 =	simm.s32 $_size_execute0_lowered;
	s3 =	sadd.s32 s3, s5;
	[dreg:$0x0] =	wrdreg $0x0  }
0xa8: {  	s5 =	sshll.u32 s28, $0x1;
	[dreg:$0x2] =	wrdreg s3  }
0xa9: {  	[dreg:$0x3] =	wrdreg s5  }
0xaa: {  	[dreg:$0x4] =	wrdreg $0xC0  }
0xab: {  	_ =	task [dreg:s7], $0x5FFFF  }
0xac: {  	[dreg:$0x1] =	wrdreg $0xFFFFFFFF  }
0xad: {  	[dreg:$0x0] =	wrdreg $0x60  }
0xae: {  	[dreg:$0x2] =	wrdreg s24  }
0xaf: {  	[dreg:$0x3] =	wrdreg s2  }
0xb0: {  	[dreg:$0x4] =	wrdreg $0x11E400  }
0xb1: {  	[dreg:$0x5] =	wrdreg $0x1BE400  }
0xb2: {  	[dreg:$0x6] =	wrdreg $0x9  }
0xb3: {  	_ =	task.clear_ibuf [dreg:s7], $0x7FFFF;
	_ =	strace $0x90000046  }
0xb4: {  	s29 =	simm.s32 $0x9;
	_ =	strace $0x80000048  }
0xb5: {  	_ =	swait.ge [sflag:s29], $0x1  }
0xb6: {  	[sflag:s29] =	ssyncadd.s32 $0xFFFFFFFF  }
0xb7: {  	_ =	strace $0x90000048  }
0xb8: {  	_ =	sfence  }
0xb9: {  	s30 =	sld [smem:$0x0];
	_ =	sdelay $0x2  }
0xba: {  	s31 =	sshll.u32 s1, $0xD;
	s1 =	sshrl.u32 s1, $0x2  }
0xbb: {  	s3 =	sand.u32 $0x4000, s31;
	s1 =	sadd.s32 s1, s30  }
0xbc: {  	s0 =	sor.u32 s3, s0;
	s1 =	sshll.u32 s1, $0x11  }
0xbd: {  	s0 =	sor.u32 s1, s0  }
0xbe: {  	s0 =	sadd.s32 $0x8F2B, s0  }
0xbf: {  	[sflag:s0] =	ssyncadd.remote.s32 $0x1  }
0xc0: {  	_ =	sfence.sel $0xFFFF  }
0xc1: {  	[dreg:$0x0] =	wrdreg $0xFFFFFFFF;
	(pc) =	sbr.abs _section_cstart, $3  }
0xc2: {  	[dreg:$0x1] =	wrdreg $0xFFFFFFFF  }
0xc3: {  	_ =	task.clear_ibuf [dreg:s7], $0x2FFFF;
	_ =	strace $0x9FFFFFFF  }
0xc4: {  	(tm) =	ssettm $0x7FFFFFFF  }
0xc5: {  	_ =	shalt  }
tec
execute0_lowered:
.L_overlay_start_1:
0x0: {  	(tag) =	ssettag $0x1  }
0x1: {  	s0 =	rddreg [dreg:$0x0]  }
0x2: {  	s2 =	rddreg [dreg:$0x1]  }
0x3: {  	s3 =	rddreg [dreg:$0x2]  }
0x4: {  	s4 =	rddreg [dreg:$0x3];
	s5 =	stileid.u32  }
0x5: {  	s7 =	srdreg.scid;
	s8 =	simm.s32 $0x0;
	s14 =	simm.s32 $0x4FB0  }
0x6: {  	s15 =	simm.s32 $0x5000;
	s16 =	simm.s32 $0x5050;
	s17 =	simm.s32 $0x50A0  }
0x7: {  	s18 =	simm.s32 $0x50F0;
	s28 =	simm.s32 $0x6540;
	s1 =	smul.u32 $0x4E20, s5  }
0x8: {  	s29 =	simm.s32 $0x7940;
	s30 =	simm.s32 $0x8D40;
	s6 =	smul.u32 $0x9C4, s5  }
0x9: {  	s31 =	simm.s32 $0xA140;
	s9 =	sand.u32 $0x1, s7;
	s19 =	smul.u32 $0xA000, s5  }
0xa: {  	[smem:$0x7FF] =	sst s8;
	s10 =	smul.u32 $0x2800, s5;
	s11 =	sadd.s32 $0x15000, s0  }
0xb: {  	s12 =	sadd.s32 $0x16400, s0;
	s22 =	sadd.s32 $0x16A00, s0;
	s25 =	sshll.u32 s5, $0x6  }
0xc: {  	s20 =	smul.u32 $0xA0000, s9;
	_ =	strace $0x80000047;
	[dreg:$0xe] =	wrdreg s11  }
0xd: {  	s5 =	simm.s32 $0x0;
	s21 =	smul.u32 $0x28000, s9;
	[dreg:$0xf] =	wrdreg s12  }
0xe: {  	[dreg:$0x10] =	wrdreg s22;
	s23 =	ssub.s32 $0x2, s9;
	s12 =	sor.u32 $0x1C07, s25  }
0xf: {  	p0 =	seq.s32 s9, $0x1;
	s25 =	simm.s32 $0x50;
	s22 =	simm.s32 $0x0  }
0x10: {  	s1 =	sshrl.u32 s1, $0x3;
	s6 =	sadd.s32 s6, s0;
	[dreg:$0x11] =	wrdreg s12  }
0x11: {  	s13 =	sshrl.u32 s23, $0x1;
	s7 =	sadd.s32 s19, s3;
	[dreg:$0x19] =	wrdreg s22  }
0x12: {  	s1 =	sadd.s32 s1, s0;
	s8 =	sadd.s32 s19, s20;
	s11 =	sadd.s32 s10, s21  }
0x13: {  	s24 =	ssub.s32 s23, s13;
	s10 =	sadd.s32 s10, s4;
	s12 =	sshrl.u32 s7, $0x3  }
0x14: {  	s13 =	simm.s32 $0x4EC0;
	s19 =	simm.s32 $0x4F10;
	s21 =	simm.s32 $0x4F60  }
0x15: {  	s23 =	simm.s32 $0x11940;
	s7 =	simm.s32 $0xF140;
	[dreg:$0x17] =	wrdreg s12  }
0x16: {  	s8 =	sshrl.u32 s8, $0x3;
	s11 =	sshrl.u32 s11, $0x3;
	[dreg:$0xb] =	wrdreg s13  }
0x17: {  	s1 =	sadd.s32 $0x1400, s1;
	s20 =	sshrl.u32 s10, $0x3;
	[dreg:$0xc] =	wrdreg s19  }
0x18: {  	[dreg:$0xd] =	wrdreg s21;
	s10 =	simm.s32 $0x1;
	s12 =	simm.s32 $0x6  }
0x19: {  	s13 =	simm.s32 $0x3;
	s19 =	simm.s32 $0x5;
	s8 =	sadd.s32 s8, s0  }
0x1a: {  	s0 =	sadd.s32 s11, s0;
	[dreg:$0x12] =	wrdreg s1;
	s1 =	smax.u32 s24, $0x1  }
0x1b: {  	s11 =	simm.s32 $0x4E70;
	[dreg:$0x18] =	wrdreg s20;
	s24 =	simm.s32 $0x4E20  }
0x1c: {  	s20 =	simm.s32 $0x4;
	s26 =	sadd.s32 $0x16C00, s8;
	[dreg:$0x15] =	wrdreg s1  }
0x1d: {  	s0 =	sadd.s32 $0x3EC00, s0;
	s1 =	simm.s32 $0x5000;
	[dreg:$0xa] =	wrdreg s11  }
0x1e: {  	s8 =	sadd.s32 $0xB200, s6;
	s6 =	simm.s32 $0xDD40;
	[dreg:$0x13] =	wrdreg s26  }
0x1f: {  	s11 =	simm.s32 $0x2;
	[dreg:$0x14] =	wrdreg s0;
	s0 =	simm.s32 $0x4FB0  }
0x20: {  	s1 =	simm.s32 @!p0 $0x4E70;
	[dreg:$0x16] =	wrdreg s8;
	s0 =	simm.s32 @!p0 $0x4E20  }
0x21: {  	s26 =	simm.s32 $0x5140;
	[dreg:$0x5] =	wrdreg s0;
	s0 =	simm.s32 $0x5050  }
0x22: {  	[dreg:$0x6] =	wrdreg s1;
	s1 =	simm.s32 $0x50F0;
	s0 =	simm.s32 @!p0 $0x4EC0  }
0x23: {  	s1 =	simm.s32 @!p0 $0x4F60;
	[dreg:$0x7] =	wrdreg s0;
	s0 =	simm.s32 $0x50A0  }
0x24: {  	s8 =	simm.s32 $0x10540;
	[dreg:$0x9] =	wrdreg s1;
	s0 =	simm.s32 @!p0 $0x4F10  }
0x25: {  	v0 =	vmov s9;
	s1 =	simm.s32 $0xC940;
	[dreg:$0x8] =	wrdreg s0;
	s0 =	simm.s32 $0xB540  }
.LBB2_1:
0x26: {  	s9 =	rddreg [dreg:$0xe]  }
0x27: {  	s22 =	rddreg [dreg:$0x17]  }
0x28: {  	s21 =	rddreg [dreg:$0x11]  }
0x29: {  	[spmem:s22], [sflag:s21] =	dma.local [hbm:s9], $0x1400  }
0x2a: {  	s21 =	simm.s32 $0x7  }
0x2b: {  	_ =	swait.ge [sflag:s21], $0x1400  }
0x2c: {  	s9 =	rddreg [dreg:$0xf]  }
0x2d: {  	[sflag:s21] =	ssyncset.done $0x0;
	s22 =	rddreg [dreg:$0x18]  }
0x2e: {  	[sflag:s21] =	ssyncadd.s32 $0xFFFFEC00;
	s21 =	rddreg [dreg:$0x11]  }
0x2f: {  	[spmem:s22], [sflag:s21] =	dma.local [hbm:s9], $0x500  }
0x30: {  	s21 =	simm.s32 $0x7  }
0x31: {  	_ =	swait.ge [sflag:s21], $0x500  }
0x32: {  	[sflag:s21] =	ssyncset.done $0x0  }
0x33: {  	s22 =	rddreg [dreg:$0x10];
	[sflag:s21] =	ssyncadd.s32 $0xFFFFFB00  }
0x34: {  	[tilespmem:s23], [sflag:$0x7] =	stream.linear.gather [hbm4b:s22+s5], $0x500, $0x38;
	[tilespmem:$0x1E640] =	vst v63  }
0x35: {  	_ =	swait.ge [sflag:s21], $0x500  }
0x36: {  	[sflag:s21] =	ssyncset.done $0x0  }
0x37: {  	s22 =	rddreg [dreg:$0x12];
	[sflag:s21] =	ssyncadd.s32 $0xFFFFFB00  }
0x38: {  	[tilespmem:s5], [sflag:$0x7] =	stream.linear.gather [hbm4b:s22+s5], $0x4E20, $0x38;
	[tilespmem:$0x1E640] =	vst v63  }
0x39: {  	_ =	swait.ge [sflag:s21], $0x4E20  }
0x3a: {  	[sflag:s21] =	ssyncset.done $0x0  }
0x3b: {  	s9 =	simm.s32 $0x0;
	[sflag:s21] =	ssyncadd.s32 $0xFFFFB1E0  }
0x3c: {  	v3 =	vld [tilespmem:s9+$0x0]  }
0x3d: {  	v4 =	vld [tilespmem:s9+$0x10]  }
0x3e: {  	v2 =	vld [tilespmem:s9+$0x20]  }
0x3f: {  	s22 =	simm.s32 $0x140;
	v1 =	vld [tilespmem:s9+$0x30]  }
.LBB2_2:
0x40: {  	p0 =	sne.s32 s22, $0x13740;
	v5 =	vld [tilespmem:s9+$0x40]  }
0x41: {  	v3 =	vshll.u32 v3, $0x1  }
0x42: {  	v3 =	vor.u32 v0, v3;
	v4 =	vshll.u32 v4, $0x1  }
.Ltmp0:
0x43: {  	s21 =	sshra.s32 s22, $0x2;
	[tilespmem:s9+$0x0] =	vst v3;
	v4 =	vor.u32 v0, v4;
	v2 =	vshll.u32 v2, $0x1;
	(pc) =	sbr.rel @p0 .LBB2_2-.Ltmp0, $4  }
0x44: {  	v3 =	vld [tilespmem:s21+$0x0];
	[tilespmem:s9+$0x10] =	vst v4;
	v2 =	vor.u32 v0, v2;
	v1 =	vshll.u32 v1, $0x1  }
0x45: {  	v4 =	vld [tilespmem:s21+$0x10];
	[tilespmem:s9+$0x20] =	vst v2;
	v1 =	vor.u32 v0, v1;
	v5 =	vshll.u32 v5, $0x1  }
0x46: {  	v2 =	vld [tilespmem:s21+$0x20];
	[tilespmem:s9+$0x30] =	vst v1;
	v5 =	vor.u32 v0, v5  }
0x47: {  	s22 =	sadd.s32 $0x140, s22;
	v1 =	vld [tilespmem:s21+$0x30];
	[tilespmem:s9+$0x40] =	vst v5;
	s9 =	smov.u32 s21  }
0x48: {  	v5 =	vld [tilespmem:s9+$0x40]  }
0x49: {  	v3 =	vshll.u32 v3, $0x1  }
0x4a: {  	v3 =	vor.u32 v0, v3;
	v4 =	vshll.u32 v4, $0x1  }
0x4b: {  	[tilespmem:s9+$0x0] =	vst v3;
	v3 =	vor.u32 v0, v4;
	v2 =	vshll.u32 v2, $0x1  }
0x4c: {  	[tilespmem:s9+$0x10] =	vst v3;
	v2 =	vor.u32 v0, v2;
	v1 =	vshll.u32 v1, $0x1  }
0x4d: {  	[tilespmem:s9+$0x20] =	vst v2;
	v1 =	vor.u32 v0, v1;
	v2 =	vshll.u32 v5, $0x1  }
0x4e: {  	[tilespmem:s9+$0x30] =	vst v1;
	v1 =	vor.u32 v0, v2  }
0x4f: {  	[tilespmem:s9+$0x40] =	vst v1  }
0x50: {  	[bflag:$0x0] =	sbarrier.arrive $0xFFFF  }
0x51: {  	s22 =	rddreg [dreg:$0x16]  }
0x52: {  	[tilespmem:s24], [sflag:$0x1] =	stream.linear.gather [hbm4b:s22+s5], $0x320, $0x38;
	[tilespmem:$0x1E640] =	vst v63  }
0x53: {  	s21 =	simm.s32 $0x0  }
0x54: {  	[tilespmem:s26], [sflag:$0x2] =	stream.indirect.gather [hbm4b:s2+s25], $0x40, s21, s25, $0xb8;
	[tilespmem:$0x1E640] =	vst v63  }
0x55: {  	s21 =	simm.s32 $0x50  }
0x56: {  	[tilespmem:s28], [sflag:$0x2] =	stream.indirect.gather [hbm4b:s2+s25], $0x40, s21, s25, $0xb8;
	[tilespmem:$0x1E640] =	vst v63  }
0x57: {  	s21 =	simm.s32 $0xA0  }
0x58: {  	[tilespmem:s29], [sflag:$0x2] =	stream.indirect.gather [hbm4b:s2+s25], $0x40, s21, s25, $0xb8;
	[tilespmem:$0x1E640] =	vst v63  }
0x59: {  	s21 =	simm.s32 $0xF0  }
0x5a: {  	[tilespmem:s30], [sflag:$0x2] =	stream.indirect.gather [hbm4b:s2+s25], $0x40, s21, s25, $0xb8;
	[tilespmem:$0x1E640] =	vst v63  }
0x5b: {  	s21 =	simm.s32 $0x140  }
0x5c: {  	[tilespmem:s31], [sflag:$0x2] =	stream.indirect.gather [hbm4b:s2+s25], $0x40, s21, s25, $0xb8;
	[tilespmem:$0x1E640] =	vst v63  }
0x5d: {  	s21 =	simm.s32 $0x190  }
0x5e: {  	[tilespmem:s0], [sflag:$0x3] =	stream.indirect.gather [hbm4b:s2+s25], $0x40, s21, s25, $0xb8;
	[tilespmem:$0x1E640] =	vst v63  }
0x5f: {  	s21 =	simm.s32 $0x1E0  }
0x60: {  	[tilespmem:s1], [sflag:$0x3] =	stream.indirect.gather [hbm4b:s2+s25], $0x40, s21, s25, $0xb8;
	[tilespmem:$0x1E640] =	vst v63  }
0x61: {  	s21 =	simm.s32 $0x230  }
0x62: {  	[tilespmem:s6], [sflag:$0x3] =	stream.indirect.gather [hbm4b:s2+s25], $0x40, s21, s25, $0xb8;
	[tilespmem:$0x1E640] =	vst v63  }
0x63: {  	s21 =	simm.s32 $0x280  }
0x64: {  	[tilespmem:s7], [sflag:$0x3] =	stream.indirect.gather [hbm4b:s2+s25], $0x40, s21, s25, $0xb8;
	[tilespmem:$0x1E640] =	vst v63  }
0x65: {  	s21 =	simm.s32 $0x2D0  }
0x66: {  	[tilespmem:s8], [sflag:$0x3] =	stream.indirect.gather [hbm4b:s2+s25], $0x40, s21, s25, $0xb8;
	[tilespmem:$0x1E640] =	vst v63  }
0x67: {  	_ =	swait.ge [sflag:s10], $0x320  }
0x68: {  	[sflag:s10] =	ssyncset.done $0x0  }
0x69: {  	[sflag:s10] =	ssyncadd.s32 $0xFFFFFCE0  }
0x6a: {  	_ =	swait.ge [sflag:s11], $0x1400  }
0x6b: {  	[sflag:s11] =	ssyncset.done $0x0  }
0x6c: {  	[sflag:s11] =	ssyncadd.s32 $0xFFFFEC00  }
0x6d: {  	_ =	swait.ge [sflag:s11], $0x1400  }
0x6e: {  	[sflag:s11] =	ssyncset.done $0x0  }
0x6f: {  	[sflag:s11] =	ssyncadd.s32 $0xFFFFEC00  }
0x70: {  	_ =	swait.ge [sflag:s11], $0x1400  }
0x71: {  	[sflag:s11] =	ssyncset.done $0x0  }
0x72: {  	[sflag:s11] =	ssyncadd.s32 $0xFFFFEC00  }
0x73: {  	_ =	swait.ge [sflag:s11], $0x1400  }
0x74: {  	[sflag:s11] =	ssyncset.done $0x0  }
0x75: {  	[sflag:s11] =	ssyncadd.s32 $0xFFFFEC00  }
0x76: {  	_ =	swait.ge [sflag:s11], $0x1400  }
0x77: {  	[sflag:s11] =	ssyncset.done $0x0  }
0x78: {  	[sflag:s11] =	ssyncadd.s32 $0xFFFFEC00  }
0x79: {  	[spmem:s3] =	stream.indirect.scatter.add.f32 [tilespmem:s26], [sflag:$0x4], $0x40, s24, s25, $0xb8;
	[tilespmem:$0x1E640] =	vst v63  }
0x7a: {  	s9 =	rddreg [dreg:$0xa]  }
0x7b: {  	[spmem:s3] =	stream.indirect.scatter.add.f32 [tilespmem:s28], [sflag:$0x4], $0x40, s9, s25, $0xb8;
	[tilespmem:$0x1E640] =	vst v63  }
0x7c: {  	s21 =	rddreg [dreg:$0xb]  }
0x7d: {  	[spmem:s3] =	stream.indirect.scatter.add.f32 [tilespmem:s29], [sflag:$0x4], $0x40, s21, s25, $0xb8;
	[tilespmem:$0x1E640] =	vst v63  }
0x7e: {  	s9 =	rddreg [dreg:$0xc]  }
0x7f: {  	[spmem:s3] =	stream.indirect.scatter.add.f32 [tilespmem:s30], [sflag:$0x4], $0x40, s9, s25, $0xb8;
	[tilespmem:$0x1E640] =	vst v63  }
0x80: {  	s21 =	rddreg [dreg:$0xd]  }
0x81: {  	[spmem:s3] =	stream.indirect.scatter.add.f32 [tilespmem:s31], [sflag:$0x4], $0x40, s21, s25, $0xb8;
	[tilespmem:$0x1E640] =	vst v63  }
0x82: {  	s9 =	rddreg [dreg:$0x5]  }
0x83: {  	[spmem:s4] =	stream.indirect.scatter.add.f32 [tilespmem:s23], [sflag:$0x6], $0x10, s9, s25, $0xb8;
	[tilespmem:$0x1E640] =	vst v63  }
0x84: {  	s21 =	rddreg [dreg:$0x6]  }
0x85: {  	[spmem:s4] =	stream.indirect.scatter.add.f32 [tilespmem:s23], [sflag:$0x6], $0x10, s21, s25, $0xb8;
	[tilespmem:$0x1E640] =	vst v63  }
0x86: {  	s9 =	rddreg [dreg:$0x7]  }
0x87: {  	[spmem:s4] =	stream.indirect.scatter.add.f32 [tilespmem:s23], [sflag:$0x6], $0x10, s9, s25, $0xb8;
	[tilespmem:$0x1E640] =	vst v63  }
0x88: {  	s21 =	rddreg [dreg:$0x8]  }
0x89: {  	[spmem:s4] =	stream.indirect.scatter.add.f32 [tilespmem:s23], [sflag:$0x6], $0x10, s21, s25, $0xb8;
	[tilespmem:$0x1E640] =	vst v63  }
0x8a: {  	s9 =	rddreg [dreg:$0x9]  }
0x8b: {  	[spmem:s4] =	stream.indirect.scatter.add.f32 [tilespmem:s23], [sflag:$0x6], $0x10, s9, s25, $0xb8;
	[tilespmem:$0x1E640] =	vst v63  }
0x8c: {  	_ =	swait.ge [sflag:s12], $0x500  }
0x8d: {  	[sflag:s12] =	ssyncset.done $0x0  }
0x8e: {  	[sflag:s12] =	ssyncadd.s32 $0xFFFFFB00  }
0x8f: {  	_ =	swait.ge [sflag:s12], $0x500  }
0x90: {  	[sflag:s12] =	ssyncset.done $0x0  }
0x91: {  	[sflag:s12] =	ssyncadd.s32 $0xFFFFFB00  }
0x92: {  	_ =	swait.ge [sflag:s12], $0x500  }
0x93: {  	[sflag:s12] =	ssyncset.done $0x0  }
0x94: {  	[sflag:s12] =	ssyncadd.s32 $0xFFFFFB00  }
0x95: {  	_ =	swait.ge [sflag:s12], $0x500  }
0x96: {  	[sflag:s12] =	ssyncset.done $0x0  }
0x97: {  	[sflag:s12] =	ssyncadd.s32 $0xFFFFFB00  }
0x98: {  	_ =	swait.ge [sflag:s12], $0x500  }
0x99: {  	[sflag:s12] =	ssyncset.done $0x0  }
0x9a: {  	[sflag:s12] =	ssyncadd.s32 $0xFFFFFB00  }
0x9b: {  	_ =	swait.ge [sflag:s13], $0x1400  }
0x9c: {  	[sflag:s13] =	ssyncset.done $0x0  }
0x9d: {  	[sflag:s13] =	ssyncadd.s32 $0xFFFFEC00  }
0x9e: {  	_ =	swait.ge [sflag:s13], $0x1400  }
0x9f: {  	[sflag:s13] =	ssyncset.done $0x0  }
0xa0: {  	[sflag:s13] =	ssyncadd.s32 $0xFFFFEC00  }
0xa1: {  	_ =	swait.ge [sflag:s13], $0x1400  }
0xa2: {  	[sflag:s13] =	ssyncset.done $0x0  }
0xa3: {  	[sflag:s13] =	ssyncadd.s32 $0xFFFFEC00  }
0xa4: {  	_ =	swait.ge [sflag:s13], $0x1400  }
0xa5: {  	[sflag:s13] =	ssyncset.done $0x0  }
0xa6: {  	[sflag:s13] =	ssyncadd.s32 $0xFFFFEC00  }
0xa7: {  	_ =	swait.ge [sflag:s13], $0x1400  }
0xa8: {  	[sflag:s13] =	ssyncset.done $0x0  }
0xa9: {  	[sflag:s13] =	ssyncadd.s32 $0xFFFFEC00  }
0xaa: {  	[spmem:s3] =	stream.indirect.scatter.add.f32 [tilespmem:s0], [sflag:$0x5], $0x40, s14, s25, $0xb8;
	[tilespmem:$0x1E640] =	vst v63  }
0xab: {  	_ = 	snop  }
0xac: {  	[spmem:s3] =	stream.indirect.scatter.add.f32 [tilespmem:s1], [sflag:$0x5], $0x40, s15, s25, $0xb8;
	[tilespmem:$0x1E640] =	vst v63  }
0xad: {  	_ = 	snop  }
0xae: {  	[spmem:s3] =	stream.indirect.scatter.add.f32 [tilespmem:s6], [sflag:$0x5], $0x40, s16, s25, $0xb8;
	[tilespmem:$0x1E640] =	vst v63  }
0xaf: {  	_ = 	snop  }
0xb0: {  	[spmem:s3] =	stream.indirect.scatter.add.f32 [tilespmem:s7], [sflag:$0x5], $0x40, s17, s25, $0xb8;
	[tilespmem:$0x1E640] =	vst v63  }
0xb1: {  	_ = 	snop  }
0xb2: {  	[spmem:s3] =	stream.indirect.scatter.add.f32 [tilespmem:s8], [sflag:$0x5], $0x40, s18, s25, $0xb8;
	[tilespmem:$0x1E640] =	vst v63  }
0xb3: {  	_ =	swait.ge [sflag:s20], $0x1400  }
0xb4: {  	[sflag:s20] =	ssyncset.done $0x0  }
0xb5: {  	[sflag:s20] =	ssyncadd.s32 $0xFFFFEC00  }
0xb6: {  	_ =	swait.ge [sflag:s20], $0x1400  }
0xb7: {  	[sflag:s20] =	ssyncset.done $0x0  }
0xb8: {  	[sflag:s20] =	ssyncadd.s32 $0xFFFFEC00  }
0xb9: {  	_ =	swait.ge [sflag:s20], $0x1400  }
0xba: {  	[sflag:s20] =	ssyncset.done $0x0  }
0xbb: {  	[sflag:s20] =	ssyncadd.s32 $0xFFFFEC00  }
0xbc: {  	_ =	swait.ge [sflag:s20], $0x1400  }
0xbd: {  	[sflag:s20] =	ssyncset.done $0x0  }
0xbe: {  	[sflag:s20] =	ssyncadd.s32 $0xFFFFEC00  }
0xbf: {  	_ =	swait.ge [sflag:s20], $0x1400  }
0xc0: {  	[sflag:s20] =	ssyncset.done $0x0  }
0xc1: {  	[sflag:s20] =	ssyncadd.s32 $0xFFFFEC00  }
0xc2: {  	_ =	swait.ge [sflag:s19], $0x1400  }
0xc3: {  	[sflag:s19] =	ssyncset.done $0x0  }
0xc4: {  	[sflag:s19] =	ssyncadd.s32 $0xFFFFEC00  }
0xc5: {  	_ =	swait.ge [sflag:s19], $0x1400  }
0xc6: {  	[sflag:s19] =	ssyncset.done $0x0  }
0xc7: {  	[sflag:s19] =	ssyncadd.s32 $0xFFFFEC00  }
0xc8: {  	_ =	swait.ge [sflag:s19], $0x1400  }
0xc9: {  	[sflag:s19] =	ssyncset.done $0x0  }
0xca: {  	[sflag:s19] =	ssyncadd.s32 $0xFFFFEC00  }
0xcb: {  	_ =	swait.ge [sflag:s19], $0x1400  }
0xcc: {  	[sflag:s19] =	ssyncset.done $0x0  }
0xcd: {  	[sflag:s19] =	ssyncadd.s32 $0xFFFFEC00  }
0xce: {  	_ =	swait.ge [sflag:s19], $0x1400  }
0xcf: {  	s9 =	simm.s32 $0xC80;
	[sflag:s19] =	ssyncset.done $0x0  }
.LBB2_4:
0xd0: {  	[sflag:s19] =	ssyncadd.s32 $0xFFFFEC00;
	s22 =	sadd.s32 $0x64, s22  }
0xd1: {  	[tilespmem:s24], [sflag:$0x1] =	stream.linear.gather [hbm4b:s22+s5], $0x320, $0x38;
	[tilespmem:$0x1E640] =	vst v63  }
0xd2: {  	s21 =	sshra.s32 s9, $0x2  }
0xd3: {  	[tilespmem:s26], [sflag:$0x2] =	stream.indirect.gather [hbm4b:s2+s25], $0x40, s21, s25, $0xb8;
	[tilespmem:$0x1E640] =	vst v63  }
0xd4: {  	s5 =	sadd.s32 $0x50, s21  }
0xd5: {  	[tilespmem:s28], [sflag:$0x2] =	stream.indirect.gather [hbm4b:s2+s25], $0x40, s5, s25, $0xb8;
	[tilespmem:$0x1E640] =	vst v63  }
0xd6: {  	s5 =	sadd.s32 $0xA0, s21  }
0xd7: {  	[tilespmem:s29], [sflag:$0x2] =	stream.indirect.gather [hbm4b:s2+s25], $0x40, s5, s25, $0xb8;
	[tilespmem:$0x1E640] =	vst v63  }
0xd8: {  	s5 =	sadd.s32 $0xF0, s21  }
0xd9: {  	[tilespmem:s30], [sflag:$0x2] =	stream.indirect.gather [hbm4b:s2+s25], $0x40, s5, s25, $0xb8;
	[tilespmem:$0x1E640] =	vst v63  }
0xda: {  	s5 =	sadd.s32 $0x140, s21  }
0xdb: {  	[tilespmem:s31], [sflag:$0x2] =	stream.indirect.gather [hbm4b:s2+s25], $0x40, s5, s25, $0xb8;
	[tilespmem:$0x1E640] =	vst v63  }
0xdc: {  	s5 =	sadd.s32 $0x190, s21  }
0xdd: {  	[tilespmem:s0], [sflag:$0x3] =	stream.indirect.gather [hbm4b:s2+s25], $0x40, s5, s25, $0xb8;
	[tilespmem:$0x1E640] =	vst v63  }
0xde: {  	s5 =	sadd.s32 $0x1E0, s21  }
0xdf: {  	[tilespmem:s1], [sflag:$0x3] =	stream.indirect.gather [hbm4b:s2+s25], $0x40, s5, s25, $0xb8;
	[tilespmem:$0x1E640] =	vst v63  }
0xe0: {  	s5 =	sadd.s32 $0x230, s21  }
0xe1: {  	[tilespmem:s6], [sflag:$0x3] =	stream.indirect.gather [hbm4b:s2+s25], $0x40, s5, s25, $0xb8;
	[tilespmem:$0x1E640] =	vst v63  }
0xe2: {  	s5 =	sadd.s32 $0x280, s21  }
0xe3: {  	[tilespmem:s7], [sflag:$0x3] =	stream.indirect.gather [hbm4b:s2+s25], $0x40, s5, s25, $0xb8;
	[tilespmem:$0x1E640] =	vst v63  }
0xe4: {  	s21 =	sadd.s32 $0x2D0, s21  }
0xe5: {  	[tilespmem:s8], [sflag:$0x3] =	stream.indirect.gather [hbm4b:s2+s25], $0x40, s21, s25, $0xb8;
	[tilespmem:$0x1E640] =	vst v63  }
0xe6: {  	_ =	swait.ge [sflag:s10], $0x320  }
0xe7: {  	[sflag:s10] =	ssyncset.done $0x0  }
0xe8: {  	[sflag:s10] =	ssyncadd.s32 $0xFFFFFCE0  }
0xe9: {  	_ =	swait.ge [sflag:s11], $0x1400  }
0xea: {  	[sflag:s11] =	ssyncset.done $0x0  }
0xeb: {  	[sflag:s11] =	ssyncadd.s32 $0xFFFFEC00  }
0xec: {  	_ =	swait.ge [sflag:s11], $0x1400  }
0xed: {  	[sflag:s11] =	ssyncset.done $0x0  }
0xee: {  	[sflag:s11] =	ssyncadd.s32 $0xFFFFEC00  }
0xef: {  	_ =	swait.ge [sflag:s11], $0x1400  }
0xf0: {  	[sflag:s11] =	ssyncset.done $0x0  }
0xf1: {  	[sflag:s11] =	ssyncadd.s32 $0xFFFFEC00  }
0xf2: {  	_ =	swait.ge [sflag:s11], $0x1400  }
0xf3: {  	[sflag:s11] =	ssyncset.done $0x0  }
0xf4: {  	[sflag:s11] =	ssyncadd.s32 $0xFFFFEC00  }
0xf5: {  	_ =	swait.ge [sflag:s11], $0x1400  }
0xf6: {  	[sflag:s11] =	ssyncset.done $0x0  }
0xf7: {  	[sflag:s11] =	ssyncadd.s32 $0xFFFFEC00  }
0xf8: {  	[spmem:s3] =	stream.indirect.scatter.add.f32 [tilespmem:s26], [sflag:$0x4], $0x40, s24, s25, $0xb8;
	[tilespmem:$0x1E640] =	vst v63  }
0xf9: {  	s5 =	rddreg [dreg:$0xa]  }
0xfa: {  	[spmem:s3] =	stream.indirect.scatter.add.f32 [tilespmem:s28], [sflag:$0x4], $0x40, s5, s25, $0xb8;
	[tilespmem:$0x1E640] =	vst v63  }
0xfb: {  	s21 =	rddreg [dreg:$0xb]  }
0xfc: {  	[spmem:s3] =	stream.indirect.scatter.add.f32 [tilespmem:s29], [sflag:$0x4], $0x40, s21, s25, $0xb8;
	[tilespmem:$0x1E640] =	vst v63  }
0xfd: {  	s5 =	rddreg [dreg:$0xc]  }
0xfe: {  	[spmem:s3] =	stream.indirect.scatter.add.f32 [tilespmem:s30], [sflag:$0x4], $0x40, s5, s25, $0xb8;
	[tilespmem:$0x1E640] =	vst v63  }
0xff: {  	s21 =	rddreg [dreg:$0xd]  }
0x100: {  	[spmem:s3] =	stream.indirect.scatter.add.f32 [tilespmem:s31], [sflag:$0x4], $0x40, s21, s25, $0xb8;
	[tilespmem:$0x1E640] =	vst v63  }
0x101: {  	s5 =	rddreg [dreg:$0x5]  }
0x102: {  	[spmem:s4] =	stream.indirect.scatter.add.f32 [tilespmem:s23], [sflag:$0x6], $0x10, s5, s25, $0xb8;
	[tilespmem:$0x1E640] =	vst v63  }
0x103: {  	s21 =	rddreg [dreg:$0x6]  }
0x104: {  	[spmem:s4] =	stream.indirect.scatter.add.f32 [tilespmem:s23], [sflag:$0x6], $0x10, s21, s25, $0xb8;
	[tilespmem:$0x1E640] =	vst v63  }
0x105: {  	s5 =	rddreg [dreg:$0x7]  }
0x106: {  	[spmem:s4] =	stream.indirect.scatter.add.f32 [tilespmem:s23], [sflag:$0x6], $0x10, s5, s25, $0xb8;
	[tilespmem:$0x1E640] =	vst v63  }
0x107: {  	s21 =	rddreg [dreg:$0x8]  }
0x108: {  	[spmem:s4] =	stream.indirect.scatter.add.f32 [tilespmem:s23], [sflag:$0x6], $0x10, s21, s25, $0xb8;
	[tilespmem:$0x1E640] =	vst v63  }
0x109: {  	s5 =	rddreg [dreg:$0x9]  }
0x10a: {  	[spmem:s4] =	stream.indirect.scatter.add.f32 [tilespmem:s23], [sflag:$0x6], $0x10, s5, s25, $0xb8;
	[tilespmem:$0x1E640] =	vst v63  }
0x10b: {  	_ =	swait.ge [sflag:s12], $0x500  }
0x10c: {  	[sflag:s12] =	ssyncset.done $0x0  }
0x10d: {  	[sflag:s12] =	ssyncadd.s32 $0xFFFFFB00  }
0x10e: {  	_ =	swait.ge [sflag:s12], $0x500  }
0x10f: {  	[sflag:s12] =	ssyncset.done $0x0  }
0x110: {  	[sflag:s12] =	ssyncadd.s32 $0xFFFFFB00  }
0x111: {  	_ =	swait.ge [sflag:s12], $0x500  }
0x112: {  	[sflag:s12] =	ssyncset.done $0x0  }
0x113: {  	[sflag:s12] =	ssyncadd.s32 $0xFFFFFB00  }
0x114: {  	_ =	swait.ge [sflag:s12], $0x500  }
0x115: {  	[sflag:s12] =	ssyncset.done $0x0  }
0x116: {  	[sflag:s12] =	ssyncadd.s32 $0xFFFFFB00  }
0x117: {  	_ =	swait.ge [sflag:s12], $0x500  }
0x118: {  	[sflag:s12] =	ssyncset.done $0x0  }
0x119: {  	[sflag:s12] =	ssyncadd.s32 $0xFFFFFB00  }
0x11a: {  	_ =	swait.ge [sflag:s13], $0x1400  }
0x11b: {  	[sflag:s13] =	ssyncset.done $0x0  }
0x11c: {  	[sflag:s13] =	ssyncadd.s32 $0xFFFFEC00  }
0x11d: {  	_ =	swait.ge [sflag:s13], $0x1400  }
0x11e: {  	[sflag:s13] =	ssyncset.done $0x0  }
0x11f: {  	[sflag:s13] =	ssyncadd.s32 $0xFFFFEC00  }
0x120: {  	_ =	swait.ge [sflag:s13], $0x1400  }
0x121: {  	[sflag:s13] =	ssyncset.done $0x0  }
0x122: {  	[sflag:s13] =	ssyncadd.s32 $0xFFFFEC00  }
0x123: {  	_ =	swait.ge [sflag:s13], $0x1400  }
0x124: {  	[sflag:s13] =	ssyncset.done $0x0  }
0x125: {  	[sflag:s13] =	ssyncadd.s32 $0xFFFFEC00  }
0x126: {  	_ =	swait.ge [sflag:s13], $0x1400  }
0x127: {  	[sflag:s13] =	ssyncset.done $0x0  }
0x128: {  	[sflag:s13] =	ssyncadd.s32 $0xFFFFEC00  }
0x129: {  	[spmem:s3] =	stream.indirect.scatter.add.f32 [tilespmem:s0], [sflag:$0x5], $0x40, s14, s25, $0xb8;
	[tilespmem:$0x1E640] =	vst v63  }
0x12a: {  	_ = 	snop  }
0x12b: {  	[spmem:s3] =	stream.indirect.scatter.add.f32 [tilespmem:s1], [sflag:$0x5], $0x40, s15, s25, $0xb8;
	[tilespmem:$0x1E640] =	vst v63  }
0x12c: {  	_ = 	snop  }
0x12d: {  	[spmem:s3] =	stream.indirect.scatter.add.f32 [tilespmem:s6], [sflag:$0x5], $0x40, s16, s25, $0xb8;
	[tilespmem:$0x1E640] =	vst v63  }
0x12e: {  	_ = 	snop  }
0x12f: {  	[spmem:s3] =	stream.indirect.scatter.add.f32 [tilespmem:s7], [sflag:$0x5], $0x40, s17, s25, $0xb8;
	[tilespmem:$0x1E640] =	vst v63  }
0x130: {  	_ = 	snop  }
0x131: {  	[spmem:s3] =	stream.indirect.scatter.add.f32 [tilespmem:s8], [sflag:$0x5], $0x40, s18, s25, $0xb8;
	[tilespmem:$0x1E640] =	vst v63  }
0x132: {  	_ =	swait.ge [sflag:s20], $0x1400  }
0x133: {  	[sflag:s20] =	ssyncset.done $0x0  }
0x134: {  	[sflag:s20] =	ssyncadd.s32 $0xFFFFEC00  }
0x135: {  	_ =	swait.ge [sflag:s20], $0x1400  }
0x136: {  	[sflag:s20] =	ssyncset.done $0x0  }
0x137: {  	[sflag:s20] =	ssyncadd.s32 $0xFFFFEC00  }
0x138: {  	_ =	swait.ge [sflag:s20], $0x1400  }
0x139: {  	[sflag:s20] =	ssyncset.done $0x0  }
0x13a: {  	[sflag:s20] =	ssyncadd.s32 $0xFFFFEC00  }
0x13b: {  	_ =	swait.ge [sflag:s20], $0x1400  }
0x13c: {  	[sflag:s20] =	ssyncset.done $0x0  }
0x13d: {  	[sflag:s20] =	ssyncadd.s32 $0xFFFFEC00  }
0x13e: {  	_ =	swait.ge [sflag:s20], $0x1400  }
0x13f: {  	[sflag:s20] =	ssyncset.done $0x0  }
0x140: {  	[sflag:s20] =	ssyncadd.s32 $0xFFFFEC00  }
0x141: {  	_ =	swait.ge [sflag:s19], $0x1400  }
0x142: {  	[sflag:s19] =	ssyncset.done $0x0  }
0x143: {  	[sflag:s19] =	ssyncadd.s32 $0xFFFFEC00  }
0x144: {  	_ =	swait.ge [sflag:s19], $0x1400  }
0x145: {  	[sflag:s19] =	ssyncset.done $0x0  }
0x146: {  	[sflag:s19] =	ssyncadd.s32 $0xFFFFEC00  }
0x147: {  	_ =	swait.ge [sflag:s19], $0x1400  }
0x148: {  	[sflag:s19] =	ssyncset.done $0x0  }
0x149: {  	p0 =	sne.s32 s9, $0x12C00;
	[sflag:s19] =	ssyncadd.s32 $0xFFFFEC00  }
.Ltmp1:
0x14a: {  	_ =	swait.ge [sflag:s19], $0x1400;
	(pc) =	sbr.rel @p0 .LBB2_4-.Ltmp1, $4  }
0x14b: {  	[sflag:s19] =	ssyncset.done $0x0  }
0x14c: {  	[sflag:s19] =	ssyncadd.s32 $0xFFFFEC00  }
0x14d: {  	_ =	swait.ge [sflag:s19], $0x1400  }
0x14e: {  	s9 =	sadd.s32 $0xC80, s9;
	s5 =	simm.s32 $0x0;
	[sflag:s19] =	ssyncset.done $0x0  }
0x14f: {  	[sflag:s19] =	ssyncadd.s32 $0xFFFFEC00  }
0x150: {  	[bflag:$0x0] =	sbarrier.arrive $0xFFFF  }
0x151: {  	s22 =	rddreg [dreg:$0x11]  }
0x152: {  	s9 =	rddreg [dreg:$0x13]  }
0x153: {  	s21 =	rddreg [dreg:$0x17]  }
0x154: {  	[hbm:s9], [sflag:s22] =	dma.local [spmem:s21], $0x1400  }
0x155: {  	s22 =	simm.s32 $0x7  }
0x156: {  	_ =	swait.ge [sflag:s22], $0x1400  }
0x157: {  	s9 =	rddreg [dreg:$0x14]  }
0x158: {  	[sflag:s22] =	ssyncset.done $0x0;
	s21 =	rddreg [dreg:$0x18]  }
0x159: {  	[sflag:s22] =	ssyncadd.s32 $0xFFFFEC00;
	s22 =	rddreg [dreg:$0x11]  }
0x15a: {  	[hbm:s9], [sflag:s22] =	dma.local [spmem:s21], $0x500  }
0x15b: {  	s9 =	simm.s32 $0x7  }
0x15c: {  	_ =	swait.ge [sflag:s9], $0x500  }
0x15d: {  	s21 =	rddreg [dreg:$0x19]  }
0x15e: {  	[sflag:s9] =	ssyncset.done $0x0;
	s9 =	rddreg [dreg:$0x15];
	s22 =	sadd.s32 $0x1, s21  }
0x15f: {  	p0 =	sne.s32 s22, s9  }
.Ltmp2:
0x160: {  	_ = 	snop;
	(pc) =	sbr.rel @p0 .LBB2_1-.Ltmp2, $3  }
0x161: {  	_ =	sdelay $0x1  }
0x162: {  	s21 =	simm.s32 $0x7  }
0x163: {  	[dreg:$0x19] =	wrdreg s22;
	[sflag:s21] =	ssyncadd.s32 $0xFFFFFB00  }
0x164: {  	_ =	sfence.sel $0x180000  }
0x165: {  	[bflag:$0x0] =	sbarrier.arrive $0xFFFF  }
0x166: {  	_ =	strace $0x90000047  }
0x167: {  	s0 =	stileid.u32;
	[bflag:$0x2] =	sbarrier.arrive $0xFFFF  }
0x168: {  	p0 =	sne.s32 s0, $0x0;
	s0 =	rddreg [dreg:$0x4]  }
0x169: {  	s0 =	sadd.s32 @!p0 $0x100000, s0  }
0x16a: {  	[sflag:s0] =	ssyncadd.tile.s32 @!p0 $0x1;
	_ =	shalt  }
.Lfunc_end2:
_tile_overlayer_lowered:
.L_overlay_start_2:
0x16b: {  	(tag) =	ssettag $0x2  }
0x16c: {  	s0 =	rddreg [dreg:$0x0];
	s2 =	stileid.u32  }
0x16d: {  	s1 =	rddreg [dreg:$0x1];
	p0 =	sne.s32 s2, $0x0  }
0x16e: {  	s3 =	rddreg [dreg:$0x2];
	[bflag:$0x3] =	sbarrier.arrive $0xFFFF;
	s2 =	simm.s32 @!p0 $0x1C07  }
0x16f: {  	[timem:s3], [sflag:s2] =	dma.local @!p0 [hbm:s0], s1  }
0x170: {  	s0 =	simm.s32 @!p0 $0x7  }
0x171: {  	_ =	swait.ge @!p0 [sflag:s0], s1  }
0x172: {  	s1 =	ssub.s32 @!p0 $0x0, s1;
	[sflag:s0] =	ssyncset.done @!p0 $0x0  }
0x173: {  	[sflag:s0] =	ssyncadd.s32 @!p0 s1  }
0x174: {  	[bflag:$0x3] =	sbarrier.arrive $0xFFFF  }
0x175: {  	_ =	shalt  }

// kernel: kernel.9.cloned.1.call-start
scs
__scs_entry_jumppad:
0x0: {  	(pc) =	sbr.rel $0x88, $3  }
0x1: {  	(tag) =	ssettag $0x0;
	lr =	simm.s32 $0x1  }
0x2: {  	[smem:$0x3F98] =	sst lr;
	_ =	strace $0xD0000000  }
0x3: {  	_ = 	snop  }
0x4: {  	_ = 	snop  }
0x5: {  	_ = 	snop  }
0x6: {  	_ = 	snop  }
0x7: {  	_ = 	snop  }
__scs_overlays_trampoline_lowered:
0x8: {  	[smem:$0x3FA7] =	sst s0  }
0x9: {  	[smem:$0x3FA8] =	sst s1  }
0xa: {  	[smem:$0x3FA9] =	sst s2  }
0xb: {  	[smem:$0x3FAA] =	sst s3  }
0xc: {  	[smem:$0x3FAB] =	sst s4  }
0xd: {  	[smem:$0x3FAC] =	sst s5  }
0xe: {  	[smem:$0x3FAD] =	sst s6  }
0xf: {  	[smem:$0x3FAE] =	sst s7  }
0x10: {  	[smem:$0x3FAF] =	sst s8  }
0x11: {  	[smem:$0x3FB0] =	sst s9;
	s0 =	simm.s32 @!p0 $0x0  }
0x12: {  	s1 =	sld [smem:$0x3F96];
	s0 =	simm.s32 @p0 $0x1  }
0x13: {  	[smem:$0x3FB1] =	sst s0;
	s0 =	simm.s32 @!p1 $0x0  }
0x14: {  	s2 =	sld [smem:$0x3F95];
	s0 =	simm.s32 @p1 $0x1  }
0x15: {  	[smem:$0x3FB2] =	sst s0;
	s0 =	simm.s32 @!p2 $0x0  }
0x16: {  	s3 =	sld [smem:$0x3FDB];
	s0 =	simm.s32 @p2 $0x1  }
0x17: {  	s4 =	simm.s32 $0x1BF5;
	[smem:$0x3FB4] =	sst s0  }
0x18: {  	s0 =	sld [smem:$0x3F97];
	_ =	swait.ge [sflag:s4], $0x0  }
0x19: {  	s7 =	sld [smem:$0x3F98]  }
0x1a: {  	s8 =	sadd.s32 $0xFFFFE003, lr  }
0x1b: {  	s9 =	sadd.s32 $0xFFFFFEF7, lr;
	s5 =	simm.s32 $0xFFFFFFFF;
	p2 =	slt.u32 s8, $0xFFFFF086  }
0x1c: {  	p1 =	slt.u32 s9, $0xF7A;
	s5 =	simm.s32 @!p2 $0x0  }
0x1d: {  	s5 =	simm.s32 @p1 $0x1;
	p0 =	seq.s32 s7, s2  }
0x1e: {  	s7 =	smul.u32 @!p0 $0xF7A, s2;
	p2 =	seq.s32 @!p0 s5, $0x0  }
0x1f: {  	s9 =	smul.u32 $0xF7A, s1;
	s8 =	simm.s32 @!p0 $0x1BF5;
	p2 =	por !p2, p0  }
0x20: {  	[sflag:s8] =	ssyncset.s32 @!p0 $0xFFFFF086;
	s6 =	sadd.s32 @!p0 s3, s7;
	s7 =	simm.s32 @!p0 $0x108  }
0x21: {  	s3 =	sadd.s32 s3, s9;
	s6 =	sadd.s32 @!p0 $0x88, s6;
	s7 =	simm.s32 @p2 $0x1082  }
0x22: {  	[simem:s7], [sflag:s8] =	dma.local @!p0 [hbm:s6], $0xF7A  }
0x23: {  	s9 =	sor.u32 $0xD0000000, s2;
	s6 =	simm.s32 $0x108;
	_ =	swait.ge @!p0 [sflag:s8], $0x0  }
0x24: {  	s3 =	sadd.s32 $0x88, s3;
	s6 =	simm.s32 @!p1 $0x1082;
	[sflag:s4] =	ssyncset.s32 $0xFFFFF086  }
0x25: {  	[simem:s6], [sflag:s4] =	dma.local [hbm:s3], $0xF7A  }
0x26: {  	[smem:$0x3F98] =	sst s1;
	(tag) =	ssettag s2;
	_ =	strace s9  }
0x27: {  	s1 =	sld [smem:$0x3FA8]  }
0x28: {  	s2 =	sld [smem:$0x3FA9]  }
0x29: {  	s4 =	sld [smem:$0x3FAB]  }
0x2a: {  	p0 =	seq.s32 s5, $0x0;
	s5 =	sld [smem:$0x3FAC]  }
0x2b: {  	s6 =	sld [smem:$0x3FAD]  }
0x2c: {  	s7 =	sld [smem:$0x3FAE]  }
0x2d: {  	s3 =	simm.s32 $0x108;
	s8 =	sld [smem:$0x3FAF]  }
0x2e: {  	s3 =	simm.s32 @!p0 $0x1082;
	s9 =	sld [smem:$0x3FB0]  }
0x2f: {  	lr =	sadd.s32 s0, s3;
	s0 =	sld [smem:$0x3FA7]  }
0x30: {  	s3 =	sld [smem:$0x3FAA]  }
0x31: {  	[smem:$0x3FB3] =	sst s10  }
0x32: {  	s10 =	sld [smem:$0x3FB1];
	_ =	sdelay $0x3  }
0x33: {  	p0 =	seq.s32 s10, $0x1;
	s10 =	sld [smem:$0x3FB3];
	_ =	sdelay $0x3  }
0x34: {  	[smem:$0x3FB3] =	sst s10  }
0x35: {  	s10 =	sld [smem:$0x3FB2];
	_ =	sdelay $0x3  }
0x36: {  	p1 =	seq.s32 s10, $0x1;
	s10 =	sld [smem:$0x3FB3];
	_ =	sdelay $0x3  }
0x37: {  	[smem:$0x3FB3] =	sst s10  }
0x38: {  	s10 =	sld [smem:$0x3FB4]  }
0x39: {  	_ = 	snop;
	(pc) =	sbr.ind lr, $3  }
0x3a: {  	_ = 	snop  }
0x3b: {  	_ = 	snop  }
0x3c: {  	p2 =	seq.s32 s10, $0x1;
	s10 =	sld [smem:$0x3FB3]  }
0x3d: {  	_ =	shalt  }
0x3e: {  	_ =	shalt  }
0x3f: {  	_ =	shalt  }
0x40: {  	_ =	shalt  }
0x41: {  	_ =	shalt  }
0x42: {  	_ =	shalt  }
0x43: {  	_ =	shalt  }
0x44: {  	_ =	shalt  }
0x45: {  	_ =	shalt  }
0x46: {  	_ =	shalt  }
0x47: {  	_ =	shalt  }
0x48: {  	_ =	shalt  }
0x49: {  	_ =	shalt  }
0x4a: {  	_ =	shalt  }
0x4b: {  	_ =	shalt  }
0x4c: {  	_ =	shalt  }
0x4d: {  	_ =	shalt  }
0x4e: {  	_ =	shalt  }
0x4f: {  	_ =	shalt  }
0x50: {  	_ =	shalt  }
0x51: {  	_ =	shalt  }
0x52: {  	_ =	shalt  }
0x53: {  	_ =	shalt  }
0x54: {  	_ =	shalt  }
0x55: {  	_ =	shalt  }
0x56: {  	_ =	shalt  }
0x57: {  	_ =	shalt  }
0x58: {  	_ =	shalt  }
0x59: {  	_ =	shalt  }
0x5a: {  	_ =	shalt  }
0x5b: {  	_ =	shalt  }
0x5c: {  	_ =	shalt  }
0x5d: {  	_ =	shalt  }
0x5e: {  	_ =	shalt  }
0x5f: {  	_ =	shalt  }
0x60: {  	_ =	shalt  }
0x61: {  	_ =	shalt  }
0x62: {  	_ =	shalt  }
0x63: {  	_ =	shalt  }
0x64: {  	_ =	shalt  }
0x65: {  	_ =	shalt  }
0x66: {  	_ =	shalt  }
0x67: {  	_ =	shalt  }
0x68: {  	_ =	shalt  }
0x69: {  	_ =	shalt  }
0x6a: {  	_ =	shalt  }
0x6b: {  	_ =	shalt  }
0x6c: {  	_ =	shalt  }
0x6d: {  	_ =	shalt  }
0x6e: {  	_ =	shalt  }
0x6f: {  	_ =	shalt  }
0x70: {  	_ =	shalt  }
0x71: {  	_ =	shalt  }
0x72: {  	_ =	shalt  }
0x73: {  	_ =	shalt  }
0x74: {  	_ =	shalt  }
0x75: {  	_ =	shalt  }
0x76: {  	_ =	shalt  }
0x77: {  	_ =	shalt  }
0x78: {  	_ =	shalt  }
0x79: {  	_ =	shalt  }
0x7a: {  	_ =	shalt  }
0x7b: {  	_ =	shalt  }
0x7c: {  	_ =	shalt  }
0x7d: {  	_ =	shalt  }
0x7e: {  	_ =	shalt  }
0x7f: {  	_ =	shalt  }
0x80: {  	_ =	shalt  }
0x81: {  	_ =	shalt  }
0x82: {  	_ =	shalt  }
0x83: {  	_ =	shalt  }
0x84: {  	_ =	shalt  }
0x85: {  	_ =	shalt  }
0x86: {  	_ =	shalt  }
0x87: {  	_ =	shalt  }
.Lfunc_end0:
.L_simem_size_0:
called_computation.1_lowered:
.L_overlay_start_0:
0x88: {  	s2 =	sld [smem:$0x3FD9]  }
0x89: {  	s3 =	sld [smem:$0x3FFE];
	_ =	sdelay $0x1  }
0x8a: {  	s1 =	srdreg.scid  }
0x8b: {  	s0 =	sand.u32 $0x1, s1  }
0x8c: {  	s17 =	sshll.u32 s0, $0xA;
	s2 =	sadd.s32 s3, s2  }
0x8d: {  	s2 =	sadd.s32 s2, s17  }
0x8e: {  	[smem:$0x3FBF] =	sst s2  }
0x8f: {  	_ = 	snop  }
0x90: {  	s18 =	sld [smem:$0x3FD0];
	(tm) =	ssettm $0x1  }
0x91: {  	s19 =	sld [smem:$0x3FFB];
	_ =	sdelay $0x3  }
0x92: {  	_ =	strace s19  }
0x93: {  	s2 =	sld [smem:$0x3FFC];
	_ =	sdelay $0x3  }
0x94: {  	_ =	strace s2  }
0x95: {  	s2 =	sld [smem:$0x3FFD];
	_ =	sdelay $0x3  }
0x96: {  	_ =	strace s2  }
0x97: {  	_ =	strace $0x8FFFFFFF  }
0x98: {  	s20 =	sld [smem:$0x3FDB];
	_ =	sdelay $0x1  }
0x99: {  	s4 =	simm.s32 $_scs_section_size  }
0x9a: {  	s5 =	simm.s32 $_size__tile_overlayer_lowered;
	s6 =	simm.s32 $_tile_overlayer_lowered  }
0x9b: {  	s7 =	simm.s32 $0x1BFF;
	s21 =	sshll.u32 s6, $0x1;
	s4 =	sadd.s32 s4, s20  }
0x9c: {  	s22 =	simm.s32 $0x0;
	s5 =	sshll.u32 s5, $0x1;
	s6 =	sadd.s32 s21, s4  }
0x9d: {  	[timem:s22], [sflag:s7] =	dma.local [hbm:s6], s5  }
0x9e: {  	_ =	swait.ge [sflag:s7], s5  }
0x9f: {  	s5 =	ssub.s32 $0x0, s5;
	[sflag:s7] =	ssyncset.done $0x0  }
0xa0: {  	[sflag:s7] =	ssyncadd.s32 s5;
	_ =	sdelay $0x1  }
0xa1: {  	s23 =	simm.s32 $0x1B8B  }
0xa2: {  	_ =	swait.ge [sflag:s23], $0x1  }
0xa3: {  	[sflag:s23] =	ssyncset.done $0x0  }
0xa4: {  	[sflag:s23] =	ssyncadd.s32 $0xFFFFFFFF  }
0xa5: {  	s5 =	sld [smem:$0x0]  }
0xa6: {  	s6 =	sand.u32 $0xFFFFFFFE, s1  }
0xa7: {  	p0 =	sne.s32 s1, s6  }
0xa8: {  	s6 =	sshll.u32 @p0 s6, $0xE  }
0xa9: {  	s6 =	sadd.s32 @p0 $0x11B8D, s6;
	s7 =	sshll.u32 @p0 s5, $0x11  }
0xaa: {  	s6 =	sor.u32 @p0 s7, s6  }
0xab: {  	[sflag:s6] =	ssyncadd.remote.s32 @p0 $0x1;
	_ =	sdelay $0x1  }
0xac: {  	s6 =	simm.s32 @p0 $0x1B8D  }
0xad: {  	_ =	swait.eq @p0 [sflag:s6], $0x1  }
0xae: {  	[sflag:s6] =	ssyncadd.s32 @p0 $0xFFFFFFFF  }
0xaf: {  	s7 =	sshll.u32 @!p0 s1, $0xE  }
0xb0: {  	s7 =	sor.u32 @!p0 $0x4000, s7;
	s6 =	simm.s32 @!p0 $0x1B8D  }
0xb1: {  	s5 =	sshll.u32 @!p0 s5, $0x11;
	s7 =	sadd.s32 @!p0 $0x11B8D, s7;
	_ =	swait.eq @!p0 [sflag:s6], $0x1  }
0xb2: {  	s5 =	sor.u32 @!p0 s5, s7;
	[sflag:s6] =	ssyncadd.s32 @!p0 $0xFFFFFFFF  }
0xb3: {  	s25 =	simm.s32 $0x1B8E;
	s24 =	sld [smem:$0x3FFE];
	[sflag:s5] =	ssyncadd.remote.s32 @!p0 $0x1  }
0xb4: {  	s26 =	simm.s32 $execute0_lowered;
	[smem:$0x3FD2] =	sst s25  }
0xb5: {  	s6 =	sshll.u32 s26, $0x1;
	_ =	strace $0x80000049;
	[dreg:$0x1] =	wrdreg $0xFFFFFFFF  }
0xb6: {  	s28 =	simm.s32 $_size_execute0_lowered;
	s4 =	sadd.s32 s4, s6;
	[dreg:$0x0] =	wrdreg $0x0  }
0xb7: {  	s6 =	sshll.u32 s28, $0x1;
	[dreg:$0x2] =	wrdreg s4  }
0xb8: {  	[dreg:$0x3] =	wrdreg s6  }
0xb9: {  	[dreg:$0x4] =	wrdreg $0xC0  }
0xba: {  	_ =	task [dreg:s22], $0x5FFFF  }
0xbb: {  	[dreg:$0x1] =	wrdreg $0xFFFFFFFF  }
0xbc: {  	[dreg:$0x0] =	wrdreg $0x60  }
0xbd: {  	[dreg:$0x2] =	wrdreg s24  }
0xbe: {  	[dreg:$0x3] =	wrdreg s18  }
0xbf: {  	[dreg:$0x4] =	wrdreg $0x35200  }
0xc0: {  	[dreg:$0x5] =	wrdreg $0xA  }
0xc1: {  	_ =	task.clear_ibuf [dreg:s22], $0x6FFFF;
	_ =	strace $0x90000049  }
0xc2: {  	s29 =	simm.s32 $0xA;
	_ =	strace $0x8000004B  }
0xc3: {  	_ =	swait.ge [sflag:s29], $0x1  }
0xc4: {  	[sflag:s29] =	ssyncadd.s32 $0xFFFFFFFF  }
0xc5: {  	_ =	strace $0x9000004B  }
0xc6: {  	_ =	sfence  }
0xc7: {  	s30 =	sld [smem:$0x0];
	_ =	sdelay $0x2  }
0xc8: {  	s31 =	sshll.u32 s1, $0xD;
	s1 =	sshrl.u32 s1, $0x2  }
0xc9: {  	s4 =	sand.u32 $0x4000, s31;
	s1 =	sadd.s32 s1, s30  }
0xca: {  	s0 =	sor.u32 s4, s0;
	s1 =	sshll.u32 s1, $0x11  }
0xcb: {  	s0 =	sor.u32 s1, s0  }
0xcc: {  	s0 =	sadd.s32 $0x8F2B, s0  }
0xcd: {  	[sflag:s0] =	ssyncadd.remote.s32 $0x1  }
0xce: {  	_ =	sfence.sel $0xFFFF  }
0xcf: {  	[dreg:$0x0] =	wrdreg $0xFFFFFFFF;
	(pc) =	sbr.abs _section_cstart, $3  }
0xd0: {  	[dreg:$0x1] =	wrdreg $0xFFFFFFFF  }
0xd1: {  	_ =	task.clear_ibuf [dreg:s22], $0x2FFFF;
	_ =	strace $0x9FFFFFFF  }
0xd2: {  	(tm) =	ssettm $0x7FFFFFFF  }
0xd3: {  	_ =	shalt  }
tec
execute0_lowered:
.L_overlay_start_1:
0x0: {  	(tag) =	ssettag $0x1  }
0x1: {  	s0 =	rddreg [dreg:$0x0];
	s1 =	srdreg.scid  }
0x2: {  	s10 =	stileid.u32;
	s2 =	rddreg [dreg:$0x1]  }
0x3: {  	s3 =	rddreg [dreg:$0x2];
	s21 =	smul.u32 $0x4E20, s10  }
0x4: {  	s4 =	simm.s32 $0x0;
	s28 =	simm.s32 $0x1C20;
	s6 =	smul.u32 $0x2800, s10  }
0x5: {  	s29 =	simm.s32 $0x2120;
	s30 =	simm.s32 $0x2620;
	s24 =	smul.u32 $0x9C40, s10  }
0x6: {  	s31 =	simm.s32 $0x2B20;
	s12 =	sand.u32 $0x1, s1;
	s25 =	smul.u32 $0x4E200, s10  }
0x7: {  	[smem:$0x7FF] =	sst s4;
	s7 =	sadd.s32 $0x52AC00, s0;
	s5 =	smul.u32 $0x320, s12  }
0x8: {  	s10 =	sshll.u32 s10, $0x6;
	_ =	strace $0x8000004A;
	s9 =	smul.u32 $0x28000, s12  }
0x9: {  	s22 =	ssub.s32 $0x2, s12;
	s11 =	smul.u32 $0x3200, s12;
	s20 =	sor.u32 $0x1C04, s10  }
0xa: {  	[dreg:$0x4] =	wrdreg s12;
	s26 =	smul.u32 $0x640, s12;
	s8 =	sshrl.u32 s22, $0x1  }
0xb: {  	[dreg:$0x6] =	wrdreg s20;
	s1 =	sadd.s32 s5, s21;
	s23 =	ssub.s32 s22, s8  }
0xc: {  	s8 =	sadd.s32 s6, s3;
	s6 =	sadd.s32 s6, s9;
	s9 =	sadd.s32 s11, s25  }
0xd: {  	s5 =	simm.s32 $0x2;
	s1 =	sshrl.u32 s1, $0x3;
	s6 =	sshrl.u32 s6, $0x3  }
0xe: {  	s11 =	sadd.s32 $0x2D00, s9;
	s12 =	sadd.s32 $0x2800, s9;
	s13 =	sadd.s32 $0x2300, s9  }
0xf: {  	s16 =	sadd.s32 $0x1E00, s9;
	s17 =	sadd.s32 $0x1900, s9;
	s18 =	sadd.s32 $0x1400, s9  }
0x10: {  	s22 =	sadd.s32 $0xF00, s9;
	s8 =	sshrl.u32 s8, $0x3;
	s1 =	sadd.s32 s1, s0  }
0x11: {  	s0 =	sadd.s32 $0x16400, s0;
	s2 =	sadd.s32 s2, s6;
	s6 =	sadd.s32 s24, s7  }
0x12: {  	s14 =	sshrl.u32 s12, $0x3;
	s15 =	sshrl.u32 s13, $0x3;
	[dreg:$0xa] =	wrdreg s8  }
0x13: {  	s19 =	sshrl.u32 s17, $0x3;
	s21 =	sshrl.u32 s18, $0x3;
	[dreg:$0x5] =	wrdreg s0  }
0x14: {  	s24 =	sadd.s32 $0x500, s9;
	[dreg:$0x7] =	wrdreg s2;
	s0 =	smax.u32 s23, $0x1  }
0x15: {  	s1 =	sadd.s32 $0xB200, s1;
	s10 =	sadd.s32 s26, s6;
	s12 =	sadd.s32 s14, s7  }
0x16: {  	s13 =	sadd.s32 s15, s7;
	s15 =	sadd.s32 s19, s7;
	s23 =	sadd.s32 $0xA00, s9  }
0x17: {  	s26 =	sshrl.u32 s24, $0x3;
	s24 =	simm.s32 $0xD20;
	s2 =	simm.s32 $0x2D0  }
0x18: {  	s9 =	simm.s32 $0x3;
	s6 =	simm.s32 $0x0;
	[dreg:$0x8] =	wrdreg s0  }
0x19: {  	[dreg:$0x9] =	wrdreg s1;
	s0 =	sshrl.u32 s11, $0x3;
	s25 =	sshrl.u32 s23, $0x3  }
0x1a: {  	s19 =	sadd.s32 s26, s7;
	s23 =	simm.s32 $0x820;
	s26 =	simm.s32 $0x1720  }
.Ltmp0:
0x1b: {  	s1 =	simm.s32 $0x3020;
	[dreg:$0xb] =	wrdreg s6;
	(pc) =	sbr.rel .LBB2_1-.Ltmp0, $4  }
0x1c: {  	s11 =	sadd.s32 s0, s7;
	s0 =	sshrl.u32 s16, $0x3;
	s16 =	sadd.s32 s21, s7  }
0x1d: {  	s18 =	sadd.s32 s25, s7;
	s21 =	simm.s32 $0x4;
	s25 =	simm.s32 $0x1220  }
0x1e: {  	s14 =	sadd.s32 s0, s7;
	s0 =	sshrl.u32 s22, $0x3;
	s22 =	simm.s32 $0x320  }
0x1f: {  	s17 =	sadd.s32 s0, s7;
	s0 =	simm.s32 $0x1;
	s7 =	simm.s32 $0x50  }
.LBB2_5:
0x20: {  	[bflag:$0x0] =	sbarrier.arrive $0xFFFF  }
0x21: {  	s20 =	rddreg [dreg:$0x6]  }
0x22: {  	s6 =	rddreg [dreg:$0x7]  }
0x23: {  	s21 =	simm.s32 $0x4;
	s8 =	rddreg [dreg:$0xa]  }
0x24: {  	[hbm:s6], [sflag:s20] =	dma.local [spmem:s8], $0x500  }
0x25: {  	_ =	swait.ge [sflag:s21], $0x500  }
0x26: {  	s2 =	rddreg [dreg:$0xb]  }
0x27: {  	s6 =	rddreg [dreg:$0x8];
	s2 =	sadd.s32 $0x1, s2  }
0x28: {  	p0 =	sne.s32 s2, s6  }
.Ltmp1:
0x29: {  	_ = 	snop;
	(pc) =	sbr.rel @!p0 .LBB2_6-.Ltmp1, $3  }
0x2a: {  	_ =	sdelay $0x1  }
0x2b: {  	[sflag:s21] =	ssyncset.done $0x0  }
0x2c: {  	[sflag:s21] =	ssyncadd.s32 $0xFFFFFB00;
	[dreg:$0xb] =	wrdreg s2;
	s2 =	simm.s32 $0x2D0  }
.LBB2_1:
0x2d: {  	s6 =	rddreg [dreg:$0x5]  }
0x2e: {  	[spmem:s8], [sflag:s20] =	dma.local [hbm:s6], $0x500  }
0x2f: {  	_ =	swait.ge [sflag:s21], $0x500  }
.Ltmp2:
0x30: {  	[sflag:s21] =	ssyncset.done $0x0;
	(pc) =	sbr.rel .LBB2_2-.Ltmp2, $4  }
0x31: {  	[sflag:s21] =	ssyncadd.s32 $0xFFFFFB00  }
0x32: {  	[bflag:$0x0] =	sbarrier.arrive $0xFFFF  }
0x33: {  	s6 =	rddreg [dreg:$0x4]  }
0x34: {  	s21 =	simm.s32 $0x0;
	s20 =	rddreg [dreg:$0x9]  }
.LBB2_4:
0x35: {  	s21 =	sadd.s32 $0xC80, s21  }
0x36: {  	p0 =	sne.s32 s21, $0xA280  }
.Ltmp3:
0x37: {  	_ = 	snop;
	(pc) =	sbr.rel @!p0 .LBB2_5-.Ltmp3, $2  }
0x38: {  	_ =	sdelay $0x2  }
0x39: {  	s20 =	sadd.s32 $0xC8, s20;
	s6 =	sadd.s32 $0x2, s6  }
.LBB2_2:
0x3a: {  	p0 =	sgt.u32 s6, $0x18  }
.Ltmp4:
0x3b: {  	_ = 	snop;
	(pc) =	sbr.rel @p0 .LBB2_4-.Ltmp4, $1  }
0x3c: {  	_ =	sdelay $0x3  }
0x3d: {  	[tilespmem:s4], [sflag:$0x1] =	stream.linear.gather [hbm4b:s20+s4], $0x320, $0x38;
	[tilespmem:$0x5D20] =	vst v63  }
0x3e: {  	s8 =	sadd.s32 s21, s10  }
0x3f: {  	[tilespmem:s22], [sflag:$0x2] =	stream.linear.gather [hbm4b:s8+s4], $0x500, $0x38;
	[tilespmem:$0x5D20] =	vst v63  }
0x40: {  	s8 =	sadd.s32 s21, s19  }
0x41: {  	[tilespmem:s23], [sflag:$0x2] =	stream.linear.gather [hbm4b:s8+s4], $0x500, $0x38;
	[tilespmem:$0x5D20] =	vst v63  }
0x42: {  	s8 =	sadd.s32 s21, s18  }
0x43: {  	[tilespmem:s24], [sflag:$0x2] =	stream.linear.gather [hbm4b:s8+s4], $0x500, $0x38;
	[tilespmem:$0x5D20] =	vst v63  }
0x44: {  	s8 =	sadd.s32 s21, s17  }
0x45: {  	[tilespmem:s25], [sflag:$0x2] =	stream.linear.gather [hbm4b:s8+s4], $0x500, $0x38;
	[tilespmem:$0x5D20] =	vst v63  }
0x46: {  	s8 =	sadd.s32 s21, s16  }
0x47: {  	[tilespmem:s26], [sflag:$0x2] =	stream.linear.gather [hbm4b:s8+s4], $0x500, $0x38;
	[tilespmem:$0x5D20] =	vst v63  }
0x48: {  	s8 =	sadd.s32 s21, s15  }
0x49: {  	[tilespmem:s28], [sflag:$0x2] =	stream.linear.gather [hbm4b:s8+s4], $0x500, $0x38;
	[tilespmem:$0x5D20] =	vst v63  }
0x4a: {  	s8 =	sadd.s32 s21, s14  }
0x4b: {  	[tilespmem:s29], [sflag:$0x2] =	stream.linear.gather [hbm4b:s8+s4], $0x500, $0x38;
	[tilespmem:$0x5D20] =	vst v63  }
0x4c: {  	s8 =	sadd.s32 s21, s13  }
0x4d: {  	[tilespmem:s30], [sflag:$0x2] =	stream.linear.gather [hbm4b:s8+s4], $0x500, $0x38;
	[tilespmem:$0x5D20] =	vst v63  }
0x4e: {  	s8 =	sadd.s32 s21, s12  }
0x4f: {  	[tilespmem:s31], [sflag:$0x2] =	stream.linear.gather [hbm4b:s8+s4], $0x500, $0x38;
	[tilespmem:$0x5D20] =	vst v63  }
0x50: {  	s8 =	sadd.s32 s21, s11  }
0x51: {  	[tilespmem:s1], [sflag:$0x2] =	stream.linear.gather [hbm4b:s8+s4], $0x500, $0x38;
	[tilespmem:$0x5D20] =	vst v63  }
0x52: {  	_ =	swait.ge [sflag:s0], $0x320  }
0x53: {  	[sflag:s0] =	ssyncset.done $0x0  }
0x54: {  	[sflag:s0] =	ssyncadd.s32 $0xFFFFFCE0  }
0x55: {  	_ =	swait.ge [sflag:s5], $0x500  }
0x56: {  	[sflag:s5] =	ssyncset.done $0x0  }
0x57: {  	[sflag:s5] =	ssyncadd.s32 $0xFFFFFB00  }
0x58: {  	_ =	swait.ge [sflag:s5], $0x500  }
0x59: {  	[sflag:s5] =	ssyncset.done $0x0  }
0x5a: {  	[sflag:s5] =	ssyncadd.s32 $0xFFFFFB00  }
0x5b: {  	_ =	swait.ge [sflag:s5], $0x500  }
0x5c: {  	[sflag:s5] =	ssyncset.done $0x0  }
0x5d: {  	[sflag:s5] =	ssyncadd.s32 $0xFFFFFB00  }
0x5e: {  	_ =	swait.ge [sflag:s5], $0x500  }
0x5f: {  	[sflag:s5] =	ssyncset.done $0x0  }
0x60: {  	[sflag:s5] =	ssyncadd.s32 $0xFFFFFB00  }
0x61: {  	_ =	swait.ge [sflag:s5], $0x500  }
0x62: {  	[sflag:s5] =	ssyncset.done $0x0  }
0x63: {  	[sflag:s5] =	ssyncadd.s32 $0xFFFFFB00  }
0x64: {  	_ =	swait.ge [sflag:s5], $0x500  }
0x65: {  	[sflag:s5] =	ssyncset.done $0x0  }
0x66: {  	[sflag:s5] =	ssyncadd.s32 $0xFFFFFB00  }
0x67: {  	_ =	swait.ge [sflag:s5], $0x500  }
0x68: {  	[sflag:s5] =	ssyncset.done $0x0  }
0x69: {  	[sflag:s5] =	ssyncadd.s32 $0xFFFFFB00  }
0x6a: {  	_ =	swait.ge [sflag:s5], $0x500  }
0x6b: {  	[sflag:s5] =	ssyncset.done $0x0  }
0x6c: {  	[sflag:s5] =	ssyncadd.s32 $0xFFFFFB00  }
0x6d: {  	_ =	swait.ge [sflag:s5], $0x500  }
0x6e: {  	[sflag:s5] =	ssyncset.done $0x0  }
0x6f: {  	[sflag:s5] =	ssyncadd.s32 $0xFFFFFB00  }
0x70: {  	_ =	swait.ge [sflag:s5], $0x500  }
0x71: {  	[sflag:s5] =	ssyncset.done $0x0  }
0x72: {  	[sflag:s5] =	ssyncadd.s32 $0xFFFFFB00  }
0x73: {  	[spmem:s3] =	stream.indirect.scatter.add.f32 [tilespmem:s22], [sflag:$0x3], $0x10, s4, s7, $0xb8;
	[tilespmem:$0x5D20] =	vst v63  }
0x74: {  	_ = 	snop  }
0x75: {  	[spmem:s3] =	stream.indirect.scatter.add.f32 [tilespmem:s23], [sflag:$0x3], $0x10, s7, s7, $0xb8;
	[tilespmem:$0x5D20] =	vst v63  }
0x76: {  	s8 =	simm.s32 $0xA0  }
0x77: {  	[spmem:s3] =	stream.indirect.scatter.add.f32 [tilespmem:s24], [sflag:$0x3], $0x10, s8, s7, $0xb8;
	[tilespmem:$0x5D20] =	vst v63  }
0x78: {  	s8 =	simm.s32 $0xF0  }
0x79: {  	[spmem:s3] =	stream.indirect.scatter.add.f32 [tilespmem:s25], [sflag:$0x3], $0x10, s8, s7, $0xb8;
	[tilespmem:$0x5D20] =	vst v63  }
0x7a: {  	s8 =	simm.s32 $0x140  }
0x7b: {  	[spmem:s3] =	stream.indirect.scatter.add.f32 [tilespmem:s26], [sflag:$0x3], $0x10, s8, s7, $0xb8;
	[tilespmem:$0x5D20] =	vst v63  }
0x7c: {  	s8 =	simm.s32 $0x190  }
0x7d: {  	[spmem:s3] =	stream.indirect.scatter.add.f32 [tilespmem:s28], [sflag:$0x3], $0x10, s8, s7, $0xb8;
	[tilespmem:$0x5D20] =	vst v63  }
0x7e: {  	s8 =	simm.s32 $0x1E0  }
0x7f: {  	[spmem:s3] =	stream.indirect.scatter.add.f32 [tilespmem:s29], [sflag:$0x3], $0x10, s8, s7, $0xb8;
	[tilespmem:$0x5D20] =	vst v63  }
0x80: {  	s8 =	simm.s32 $0x230  }
0x81: {  	[spmem:s3] =	stream.indirect.scatter.add.f32 [tilespmem:s30], [sflag:$0x3], $0x10, s8, s7, $0xb8;
	[tilespmem:$0x5D20] =	vst v63  }
0x82: {  	s8 =	simm.s32 $0x280  }
0x83: {  	[spmem:s3] =	stream.indirect.scatter.add.f32 [tilespmem:s31], [sflag:$0x3], $0x10, s8, s7, $0xb8;
	[tilespmem:$0x5D20] =	vst v63  }
0x84: {  	_ = 	snop  }
0x85: {  	[spmem:s3] =	stream.indirect.scatter.add.f32 [tilespmem:s1], [sflag:$0x3], $0x10, s2, s7, $0xb8;
	[tilespmem:$0x5D20] =	vst v63  }
0x86: {  	_ =	swait.ge [sflag:s9], $0x500  }
0x87: {  	[sflag:s9] =	ssyncset.done $0x0  }
0x88: {  	[sflag:s9] =	ssyncadd.s32 $0xFFFFFB00  }
0x89: {  	_ =	swait.ge [sflag:s9], $0x500  }
0x8a: {  	[sflag:s9] =	ssyncset.done $0x0  }
0x8b: {  	[sflag:s9] =	ssyncadd.s32 $0xFFFFFB00  }
0x8c: {  	_ =	swait.ge [sflag:s9], $0x500  }
0x8d: {  	[sflag:s9] =	ssyncset.done $0x0  }
0x8e: {  	[sflag:s9] =	ssyncadd.s32 $0xFFFFFB00  }
0x8f: {  	_ =	swait.ge [sflag:s9], $0x500  }
0x90: {  	[sflag:s9] =	ssyncset.done $0x0  }
0x91: {  	[sflag:s9] =	ssyncadd.s32 $0xFFFFFB00  }
0x92: {  	_ =	swait.ge [sflag:s9], $0x500  }
0x93: {  	[sflag:s9] =	ssyncset.done $0x0  }
0x94: {  	[sflag:s9] =	ssyncadd.s32 $0xFFFFFB00  }
0x95: {  	_ =	swait.ge [sflag:s9], $0x500  }
0x96: {  	[sflag:s9] =	ssyncset.done $0x0  }
0x97: {  	[sflag:s9] =	ssyncadd.s32 $0xFFFFFB00  }
0x98: {  	_ =	swait.ge [sflag:s9], $0x500  }
0x99: {  	[sflag:s9] =	ssyncset.done $0x0  }
0x9a: {  	[sflag:s9] =	ssyncadd.s32 $0xFFFFFB00  }
0x9b: {  	_ =	swait.ge [sflag:s9], $0x500  }
0x9c: {  	[sflag:s9] =	ssyncset.done $0x0  }
0x9d: {  	[sflag:s9] =	ssyncadd.s32 $0xFFFFFB00  }
0x9e: {  	_ =	swait.ge [sflag:s9], $0x500  }
.Ltmp5:
0x9f: {  	[sflag:s9] =	ssyncset.done $0x0;
	(pc) =	sbr.rel .LBB2_4-.Ltmp5, $4  }
0xa0: {  	[sflag:s9] =	ssyncadd.s32 $0xFFFFFB00  }
0xa1: {  	_ =	swait.ge [sflag:s9], $0x500  }
0xa2: {  	[sflag:s9] =	ssyncset.done $0x0  }
0xa3: {  	[sflag:s9] =	ssyncadd.s32 $0xFFFFFB00  }
.LBB2_6:
0xa4: {  	_ =	sfence.sel $0x180000  }
0xa5: {  	[bflag:$0x0] =	sbarrier.arrive $0xFFFF  }
0xa6: {  	_ =	strace $0x9000004A  }
0xa7: {  	s0 =	stileid.u32;
	[bflag:$0x2] =	sbarrier.arrive $0xFFFF  }
0xa8: {  	p0 =	sne.s32 s0, $0x0;
	s0 =	rddreg [dreg:$0x3]  }
0xa9: {  	s0 =	sadd.s32 @!p0 $0x100000, s0  }
0xaa: {  	[sflag:s0] =	ssyncadd.tile.s32 @!p0 $0x1;
	_ =	shalt  }
.Lfunc_end2:
_tile_overlayer_lowered:
.L_overlay_start_2:
0xab: {  	(tag) =	ssettag $0x2  }
0xac: {  	s0 =	rddreg [dreg:$0x0];
	s2 =	stileid.u32  }
0xad: {  	s1 =	rddreg [dreg:$0x1];
	p0 =	sne.s32 s2, $0x0  }
0xae: {  	s3 =	rddreg [dreg:$0x2];
	[bflag:$0x3] =	sbarrier.arrive $0xFFFF;
	s2 =	simm.s32 @!p0 $0x1C04  }
0xaf: {  	[timem:s3], [sflag:s2] =	dma.local @!p0 [hbm:s0], s1  }
0xb0: {  	s0 =	simm.s32 @!p0 $0x4  }
0xb1: {  	_ =	swait.ge @!p0 [sflag:s0], s1  }
0xb2: {  	s1 =	ssub.s32 @!p0 $0x0, s1;
	[sflag:s0] =	ssyncset.done @!p0 $0x0  }
0xb3: {  	[sflag:s0] =	ssyncadd.s32 @!p0 s1  }
0xb4: {  	[bflag:$0x3] =	sbarrier.arrive $0xFFFF  }
0xb5: {  	_ =	shalt  }

</sc_bundles>
